<compile_context>
chip_gen: v7x
topology: tpu7x:2x2x1
jax: 0.10.2.dev20260603
libtpu: 0.0.44.dev20260713+nightly
codegen_flags: <defaults>
</compile_context>

<pallas_src>
import functools

import jax
import jax.numpy as jnp
import numpy as np
from jax import lax
from jax.experimental import pallas as pl
from jax.experimental.pallas import tpu as pltpu
from jax.experimental.pallas import tpu_sc as plsc

L = 2048
H = 16
D = 64
U = 40
RB = 256
NEG = -1e30

_NT = (((1,), (1,)), ((), ()))


def _rotl(x, d):
    return ((x << np.uint32(d)) | (x >> np.uint32(32 - d))).astype(np.uint32)


def _threefry2x32(k1, k2, x0, x1):
    k1 = np.uint32(k1)
    k2 = np.uint32(k2)
    x0 = x0.astype(np.uint32).copy()
    x1 = x1.astype(np.uint32).copy()
    ks = [k1, k2, k1 ^ k2 ^ np.uint32(0x1BD11BDA)]
    rot = [(13, 15, 26, 6), (17, 29, 16, 24)]
    x0 = x0 + ks[0]
    x1 = x1 + ks[1]
    for rs, a, b, c in [(rot[0], 1, 2, 1), (rot[1], 2, 0, 2), (rot[0], 0, 1, 3),
                        (rot[1], 1, 2, 4), (rot[0], 2, 0, 5)]:
        for r in rs:
            x0 = (x0 + x1).astype(np.uint32)
            x1 = x0 ^ _rotl(x1, r)
        x0 = (x0 + ks[a]).astype(np.uint32)
        x1 = (x1 + ks[b] + np.uint32(c)).astype(np.uint32)
    return x0, x1


def _sample_indices() -> np.ndarray:
    b1, b2 = _threefry2x32(0, 42, np.zeros(2, np.uint32), np.arange(2))
    i = np.arange(L * U, dtype=np.uint64)
    o1, o2 = _threefry2x32(b1[1], b2[1],
                           (i >> np.uint64(32)).astype(np.uint32),
                           (i & np.uint64(0xFFFFFFFF)).astype(np.uint32))
    return ((o1 ^ o2).reshape(L, U) % np.uint32(L)).astype(np.int32)


def _build_counts() -> np.ndarray:
    idx = _sample_indices()
    cnt = np.zeros((L, L), np.int8)
    np.add.at(cnt, (np.arange(L)[:, None], idx), 1)
    return cnt


_CNT = _build_counts()


def _m_kernel(q_ref, k_ref, cnt_ref, m_ref):
    cnt = cnt_ref[...].astype(jnp.float32)
    pos = cnt > 0.0
    for h in range(H):
        q_h = q_ref[:, h * D:(h + 1) * D]
        k_h = k_ref[:, h * D:(h + 1) * D]
        c = jax.lax.dot_general(q_h, k_h, _NT,
                                preferred_element_type=jnp.float32)
        m_max = jnp.max(jnp.where(pos, c, NEG), axis=1)
        m_sum = jnp.sum(c * cnt, axis=1)
        m_ref[h, 0, :] = m_max - m_sum * (1.0 / L)


UPAD = 48
_NLANE = 16


_GDN = lax.GatherDimensionNumbers(offset_dims=(), collapsed_slice_dims=(0,),
                                  start_index_map=(0,))


def _lane_shuffle(x, idx16):
    return lax.gather(x, idx16[:, None], _GDN, (1,),
                      mode=lax.GatherScatterMode.PROMISE_IN_BOUNDS)


def _sc_topk_kernel(m_hbm, out_hbm, m_v, idx_v):
    wid = lax.axis_index("s") * 2 + lax.axis_index("c")

    @pl.when(wid < H)
    def _():
        pltpu.sync_copy(m_hbm.at[wid], m_v)
        zero16 = jnp.zeros((_NLANE,), jnp.int32)
        for j in range(128 // _NLANE):
            idx_v[pl.ds(j * _NLANE, _NLANE)] = zero16
        lane_iota = lax.iota(jnp.int32, _NLANE)

        def bfly_max(x):
            for sh in (1, 2, 4, 8):
                x = jnp.maximum(x, _lane_shuffle(x, lane_iota ^ sh))
            return x

        def bfly_min(x):
            for sh in (1, 2, 4, 8):
                x = jnp.minimum(x, _lane_shuffle(x, lane_iota ^ sh))
            return x

        def block_max(base):
            bmax = m_v[pl.ds(base, _NLANE)]
            for j in range(1, 8):
                bmax = jnp.maximum(bmax, m_v[pl.ds(base + j * _NLANE, _NLANE)])
            return bfly_max(bmax)

        bm = jnp.full((_NLANE,), NEG, jnp.float32)
        for b in range(L // 128):
            bm = jnp.where(lane_iota == b, block_max(b * 128), bm)

        def pick_one(u, bm):
            cur = bfly_max(bm)
            bmatch = jnp.where(bm == cur, lane_iota, _NLANE)
            b = bfly_min(bmatch)[0]
            base = b * 128
            rmax = jnp.full((_NLANE,), NEG, jnp.float32)
            ridx = jnp.zeros((_NLANE,), jnp.int32)
            for j in range(8):
                v = m_v[pl.ds(base + j * _NLANE, _NLANE)]
                take = v > rmax
                rmax = jnp.where(take, v, rmax)
                ridx = jnp.where(take, base + j * _NLANE + lane_iota, ridx)
            cand = jnp.where(rmax == cur, ridx, L)
            cand = bfly_min(cand)
            idx = cand[0]

            ub = (u // _NLANE) * _NLANE
            ichunk = idx_v[pl.ds(ub, _NLANE)]
            idx_v[pl.ds(ub, _NLANE)] = jnp.where(lane_iota == u - ub,
                                                 cand, ichunk)
            mb = (idx // _NLANE) * _NLANE
            mchunk = m_v[pl.ds(mb, _NLANE)]
            m_v[pl.ds(mb, _NLANE)] = jnp.where(lane_iota == idx - mb,
                                               jnp.float32(NEG), mchunk)
            return jnp.where(lane_iota == b, block_max(base), bm)

        lax.fori_loop(0, U, pick_one, bm)
        pltpu.sync_copy(idx_v, out_hbm.at[wid])


def _sc_topk(m):
    mesh = plsc.VectorSubcoreMesh(core_axis_name="c", subcore_axis_name="s")
    fn = functools.partial(
        pl.kernel,
        out_type=jax.ShapeDtypeStruct((H, 128), jnp.int32),
        mesh=mesh,
        scratch_types=[
            pltpu.VMEM((L,), jnp.float32),
            pltpu.VMEM((128,), jnp.int32),
        ],
    )(_sc_topk_kernel)
    return fn(m)


def _attn_kernel(idx_ref, q_ref, k_ref, v_ref, out_ref):
    hp = pl.program_id(0)

    iota_l = jax.lax.broadcasted_iota(jnp.int32, (U, L), 1)
    iota_s = jax.lax.broadcasted_iota(jnp.int32, (U, U), 0)
    iota_u = jax.lax.broadcasted_iota(jnp.int32, (U, U), 1)
    for h in range(2):
        q_h = q_ref[:, h * D:(h + 1) * D]
        k_h = k_ref[:, h * D:(h + 1) * D]
        v_h = v_ref[:, h * D:(h + 1) * D]
        idx_row = idx_ref[pl.ds(2 * hp + h, 1), :]
        idx_col = jnp.transpose(idx_row, (1, 0))

        g = (iota_l == idx_col).astype(jnp.float32)
        q_red = jnp.dot(g, q_h, preferred_element_type=jnp.float32)

        scores = jax.lax.dot_general(
            q_red, k_h, _NT,
            preferred_element_type=jnp.float32) * (1.0 / np.sqrt(D))
        s_max = jnp.max(scores, axis=1, keepdims=True)
        e = jnp.exp(scores - s_max)
        p = e / jnp.sum(e, axis=1, keepdims=True)
        upd = jnp.dot(p, v_h, preferred_element_type=jnp.float32)

        clip_row = jnp.minimum(idx_row, U - 1)
        eq = clip_row == iota_s
        u_star = jnp.max(jnp.where(eq, iota_u, -1), axis=1, keepdims=True)
        w = ((iota_u == u_star) & eq).astype(jnp.float32)
        scat = jnp.dot(w, upd, preferred_element_type=jnp.float32)

        v_mean = jnp.mean(v_h, axis=0, keepdims=True)
        out_ref[h] = jnp.where(u_star < 0,
                               jnp.broadcast_to(v_mean, (U, D)), scat)


_HP = 2 * D


@jax.jit
def _run(queries, keys, values):
    q2 = queries.reshape(L, H * D)
    k2 = keys.reshape(L, H * D)
    v2 = values.reshape(L, H * D)
    cnt = jnp.asarray(_CNT)

    m = pl.pallas_call(
        _m_kernel,
        grid=(L // RB,),
        in_specs=[
            pl.BlockSpec((RB, H * D), lambda rb: (rb, 0)),
            pl.BlockSpec((L, H * D), lambda rb: (0, 0)),
            pl.BlockSpec((RB, L), lambda rb: (rb, 0)),
        ],
        out_specs=pl.BlockSpec((H, 1, RB), lambda rb: (0, 0, rb)),
        out_shape=jax.ShapeDtypeStruct((H, 1, L), jnp.float32),
    )(q2, k2, cnt)

    idx_all = _sc_topk(m.reshape(H, L))[:, :U]

    ctx = pl.pallas_call(
        _attn_kernel,
        grid=(H // 2,),
        in_specs=[
            pl.BlockSpec((H, U), lambda hp: (0, 0)),
            pl.BlockSpec((L, _HP), lambda hp: (0, hp)),
            pl.BlockSpec((L, _HP), lambda hp: (0, hp)),
            pl.BlockSpec((L, _HP), lambda hp: (0, hp)),
        ],
        out_specs=pl.BlockSpec((2, U, D), lambda hp: (hp, 0, 0)),
        out_shape=jax.ShapeDtypeStruct((H, U, D), jnp.float32),
    )(idx_all, q2, k2, v2)

    return jnp.transpose(ctx, (1, 0, 2))[None]


def kernel(queries, keys, values, attn_mask):
    return (_run(queries, keys, values), None)

# --- scband reference (transcript-rebuilt; emitter-appended) ---
"""Pipeline reference for scband-prob-sparse-attention-17841294148203 (READ-ONLY COPY).

The authoritative reference and input builder live on the scoring server;
editing this copy changes nothing except your own understanding.
"""

import jax, jax.numpy as jnp
import numpy as np

FACTOR = 5
MASK_FLAG = False
SCALE = None


def setup_inputs(seed: int = 0) -> dict:
    key = jax.random.key(seed)
    kq, kk, kv = jax.random.split(key, 3)
    B, L, H, D = 1, 2048, 16, 64
    return {
        "queries": jax.random.normal(kq, (B, L, H, D), dtype=jnp.float32),
        "keys": jax.random.normal(kk, (B, L, H, D), dtype=jnp.float32),
        "values": jax.random.normal(kv, (B, L, H, D), dtype=jnp.float32),
        "attn_mask": 0,
    }


def _prob_attention(queries, keys, values):
    # queries/keys/values: [B, L, H, D]
    B, L_Q, H, D = queries.shape
    L_K = keys.shape[1]
    Q = jnp.transpose(queries, (0, 2, 1, 3))  # [B,H,L_Q,D]
    K = jnp.transpose(keys, (0, 2, 1, 3))     # [B,H,L_K,D]
    V = jnp.transpose(values, (0, 2, 1, 3))   # [B,H,L_K,D]

    U_part = int(FACTOR * np.ceil(np.log(min(L_Q, L_K))))
    u = int(FACTOR * np.ceil(np.log(L_Q)))
    U_part = min(U_part, L_K)
    u = min(u, L_Q)

    # _prob_QK: sample U_part keys per query (random index matrix shared across B,H)
    skey = jax.random.key(42)
    index_sample = jax.random.randint(skey, (L_Q, U_part), 0, min(L_Q, L_K))
    # K_sample[b,h,i,j,:] = K[b,h,index_sample[i,j],:]  -> gather
    K_sample = K[:, :, index_sample, :]                       # [B,H,L_Q,U_part,D]
    Q_K_sample = jnp.einsum('bhie,bhise->bhis', Q, K_sample)  # [B,H,L_Q,U_part]
    M = jnp.max(Q_K_sample, axis=-1) - jnp.sum(Q_K_sample, axis=-1) / L_K
    _, M_top = jax.lax.top_k(M, u)                            # [B,H,u] query indices
    Q_reduce = jnp.take_along_axis(Q, M_top[..., None], axis=2)  # [B,H,u,D]
    scores = jnp.einsum('bhue,bhke->bhuk', Q_reduce, K)       # [B,H,u,L_K]

    scale = SCALE if SCALE is not None else 1.0 / np.sqrt(D)
    scores = scores * scale

    # _get_initial_context with mask_flag=False: mean of V expanded to u slots
    V_mean = jnp.mean(V, axis=2)                              # [B,H,D]
    context = jnp.broadcast_to(V_mean[:, :, None, :], (B, H, u, V.shape[-1]))

    # _update_context (no causal mask branch)
    attn = jax.nn.softmax(scores, axis=-1)                    # [B,H,u,L_K]
    L_slot = u
    index = jnp.clip(M_top, 0, L_slot - 1)                    # faithful clamp (torch clamps to context slots)
    upd = jnp.einsum('bhuk,bhkd->bhud', attn, V)              # [B,H,u,D]
    b_idx = jnp.arange(B)[:, None, None]
    h_idx = jnp.arange(H)[None, :, None]
    context = context.at[b_idx, h_idx, index, :].set(upd)     # scatter-overwrite
    return jnp.transpose(context, (0, 2, 1, 3))               # [B,u,H,D]


def reference(queries, keys, values, attn_mask):
    out = _prob_attention(queries, keys, values)
    return (out, None)

if __name__ == "__main__":
    import jax
    _d = setup_inputs()
    print(jax.jit(kernel)(*tuple(_d.values())))

</pallas_src>

<mosaic_0001>
#map = affine_map<(d0, d1) -> (0, 0)>
module attributes {stable_mosaic.version = 14 : i64} {
  func.func @_sc_topk_kernel(%arg0: i32, %arg1: i32, %arg2: memref<16x2048xf32, #tpu.memory_space<hbm>>, %arg3: memref<16x128xi32, #tpu.memory_space<hbm>>, %arg4: memref<2048xf32, #tpu.memory_space<vmem>>, %arg5: memref<128xi32, #tpu.memory_space<vmem>>) attributes {dimension_semantics = [#tpu.dimension_semantics<core_parallel>, #tpu.dimension_semantics<subcore_parallel>], iteration_bounds = array<i64: 2, 16>, scalar_prefetch = 0 : i64, scratch_operands = 2 : i64, tpu.core_type = #tpu.core_type<sc_vector_subcore>, window_params = [{transform_indices = #map}, {transform_indices = #map}]} {
    %mul3A = arith.constant 2 : i32
    %mul3A_0 = arith.muli %arg1, %mul3A : i32
    %add3A = arith.addi %mul3A_0, %arg0 : i32
    %lt3A = arith.constant 16 : i32
    %lt3A_1 = arith.cmpi slt, %add3A, %lt3A : i32
    %convert_element_type3A = arith.extui %lt3A_1 : i1 to i32
    %cond3A = arith.constant 0 : i32
    %cond3A_2 = arith.cmpi ne, %convert_element_type3A, %cond3A : i32
    scf.if %cond3A_2 {
      "tpu.region"() ({
        %run_scoped3A = tpu.sem_alloc : memref<!tpu.dma_semaphore, #tpu.memory_space<semaphore_mem>>
        %dma_start3A = arith.constant 0 : i32
        %dma_start3A_1044 = tpu.memref_slice %arg2[%add3A, %dma_start3A] : memref<16x2048xf32, #tpu.memory_space<hbm>> -> memref<1x2048xf32, #tpu.memory_space<hbm>>
        %dma_start3A_1045 = tpu.memref_squeeze %dma_start3A_1044 : memref<1x2048xf32, #tpu.memory_space<hbm>> -> memref<2048xf32, #tpu.memory_space<hbm>>
        %dma_start3A_1046 = arith.constant 0 : i32
        %dma_start3A_1047 = tpu.memref_slice %arg2[%add3A, %dma_start3A_1046] : memref<16x2048xf32, #tpu.memory_space<hbm>> -> memref<1x2048xf32, #tpu.memory_space<hbm>>
        %dma_start3A_1048 = tpu.memref_squeeze %dma_start3A_1047 : memref<1x2048xf32, #tpu.memory_space<hbm>> -> memref<2048xf32, #tpu.memory_space<hbm>>
        tpu.enqueue_dma source(%dma_start3A_1048 : memref<2048xf32, #tpu.memory_space<hbm>>) target(%arg4 : memref<2048xf32, #tpu.memory_space<vmem>>) target_semaphore(%run_scoped3A : memref<!tpu.dma_semaphore, #tpu.memory_space<semaphore_mem>>)
        %dma_wait3A = arith.constant 0 : i32
        %dma_wait3A_1049 = tpu.memref_slice %arg2[%add3A, %dma_wait3A] : memref<16x2048xf32, #tpu.memory_space<hbm>> -> memref<1x2048xf32, #tpu.memory_space<hbm>>
        %dma_wait3A_1050 = tpu.memref_squeeze %dma_wait3A_1049 : memref<1x2048xf32, #tpu.memory_space<hbm>> -> memref<2048xf32, #tpu.memory_space<hbm>>
        %dma_wait3A_1051 = arith.constant 0 : i32
        %dma_wait3A_1052 = tpu.memref_slice %arg2[%add3A, %dma_wait3A_1051] : memref<16x2048xf32, #tpu.memory_space<hbm>> -> memref<1x2048xf32, #tpu.memory_space<hbm>>
        %dma_wait3A_1053 = tpu.memref_squeeze %dma_wait3A_1052 : memref<1x2048xf32, #tpu.memory_space<hbm>> -> memref<2048xf32, #tpu.memory_space<hbm>>
        tpu.wait_dma2 semaphore(%run_scoped3A : memref<!tpu.dma_semaphore, #tpu.memory_space<semaphore_mem>>) src(%dma_wait3A_1053 : memref<2048xf32, #tpu.memory_space<hbm>>) dst(%arg4 : memref<2048xf32, #tpu.memory_space<vmem>>)
        tpu.yield
      }) : () -> ()
      %broadcast_in_dim3A = arith.constant 0 : i32
      %broadcast_in_dim3A_3 = vector.broadcast %broadcast_in_dim3A : i32 to vector<16xi32>
      %swap3A = arith.constant 0 : index
      %swap3A_4 = tpu.vector_load %arg5[%swap3A] {strides = array<i32>} : memref<128xi32, #tpu.memory_space<vmem>>, vector<16xi32>,
      %swap3A_5 = vector.shape_cast %swap3A_4 : vector<16xi32> to vector<16xi32>
      %swap3A_6 = vector.shape_cast %broadcast_in_dim3A_3 : vector<16xi32> to vector<16xi32>
      tpu.vector_store %arg5[%swap3A], %swap3A_6 {strides = array<i32>} : memref<128xi32, #tpu.memory_space<vmem>>, vector<16xi32>,
      %swap3A_7 = arith.constant 16 : index
      %swap3A_8 = tpu.vector_load %arg5[%swap3A_7] {strides = array<i32>} : memref<128xi32, #tpu.memory_space<vmem>>, vector<16xi32>,
      %swap3A_9 = vector.shape_cast %swap3A_8 : vector<16xi32> to vector<16xi32>
      %swap3A_10 = vector.shape_cast %broadcast_in_dim3A_3 : vector<16xi32> to vector<16xi32>
      tpu.vector_store %arg5[%swap3A_7], %swap3A_10 {strides = array<i32>} : memref<128xi32, #tpu.memory_space<vmem>>, vector<16xi32>,
      %swap3A_11 = arith.constant 32 : index
      %swap3A_12 = tpu.vector_load %arg5[%swap3A_11] {strides = array<i32>} : memref<128xi32, #tpu.memory_space<vmem>>, vector<16xi32>,
      %swap3A_13 = vector.shape_cast %swap3A_12 : vector<16xi32> to vector<16xi32>
      %swap3A_14 = vector.shape_cast %broadcast_in_dim3A_3 : vector<16xi32> to vector<16xi32>
      tpu.vector_store %arg5[%swap3A_11], %swap3A_14 {strides = array<i32>} : memref<128xi32, #tpu.memory_space<vmem>>, vector<16xi32>,
      %swap3A_15 = arith.constant 48 : index
      %swap3A_16 = tpu.vector_load %arg5[%swap3A_15] {strides = array<i32>} : memref<128xi32, #tpu.memory_space<vmem>>, vector<16xi32>,
      %swap3A_17 = vector.shape_cast %swap3A_16 : vector<16xi32> to vector<16xi32>
      %swap3A_18 = vector.shape_cast %broadcast_in_dim3A_3 : vector<16xi32> to vector<16xi32>
      tpu.vector_store %arg5[%swap3A_15], %swap3A_18 {strides = array<i32>} : memref<128xi32, #tpu.memory_space<vmem>>, vector<16xi32>,
      %swap3A_19 = arith.constant 64 : index
      %swap3A_20 = tpu.vector_load %arg5[%swap3A_19] {strides = array<i32>} : memref<128xi32, #tpu.memory_space<vmem>>, vector<16xi32>,
      %swap3A_21 = vector.shape_cast %swap3A_20 : vector<16xi32> to vector<16xi32>
      %swap3A_22 = vector.shape_cast %broadcast_in_dim3A_3 : vector<16xi32> to vector<16xi32>
      tpu.vector_store %arg5[%swap3A_19], %swap3A_22 {strides = array<i32>} : memref<128xi32, #tpu.memory_space<vmem>>, vector<16xi32>,
      %swap3A_23 = arith.constant 80 : index
      %swap3A_24 = tpu.vector_load %arg5[%swap3A_23] {strides = array<i32>} : memref<128xi32, #tpu.memory_space<vmem>>, vector<16xi32>,
      %swap3A_25 = vector.shape_cast %swap3A_24 : vector<16xi32> to vector<16xi32>
      %swap3A_26 = vector.shape_cast %broadcast_in_dim3A_3 : vector<16xi32> to vector<16xi32>
      tpu.vector_store %arg5[%swap3A_23], %swap3A_26 {strides = array<i32>} : memref<128xi32, #tpu.memory_space<vmem>>, vector<16xi32>,
      %swap3A_27 = arith.constant 96 : index
      %swap3A_28 = tpu.vector_load %arg5[%swap3A_27] {strides = array<i32>} : memref<128xi32, #tpu.memory_space<vmem>>, vector<16xi32>,
      %swap3A_29 = vector.shape_cast %swap3A_28 : vector<16xi32> to vector<16xi32>
      %swap3A_30 = vector.shape_cast %broadcast_in_dim3A_3 : vector<16xi32> to vector<16xi32>
      tpu.vector_store %arg5[%swap3A_27], %swap3A_30 {strides = array<i32>} : memref<128xi32, #tpu.memory_space<vmem>>, vector<16xi32>,
      %swap3A_31 = arith.constant 112 : index
      %swap3A_32 = tpu.vector_load %arg5[%swap3A_31] {strides = array<i32>} : memref<128xi32, #tpu.memory_space<vmem>>, vector<16xi32>,
      %swap3A_33 = vector.shape_cast %swap3A_32 : vector<16xi32> to vector<16xi32>
      %swap3A_34 = vector.shape_cast %broadcast_in_dim3A_3 : vector<16xi32> to vector<16xi32>
      tpu.vector_store %arg5[%swap3A_31], %swap3A_34 {strides = array<i32>} : memref<128xi32, #tpu.memory_space<vmem>>, vector<16xi32>,
      %iota3A = tpu.iota {dimensions = array<i32: 0>} : vector<16xi32>
      %broadcast_in_dim3A_35 = arith.constant -1.000000e+30 : f32
      %broadcast_in_dim3A_36 = vector.broadcast %broadcast_in_dim3A_35 : f32 to vector<16xf32>
      %eq3A = arith.constant 0 : i32
      %eq3A_37 = vector.broadcast %eq3A : i32 to vector<16xi32>
      %eq3A_38 = arith.cmpi eq, %iota3A, %eq3A_37 : vector<16xi32>
      %get3A = arith.constant 0 : index
      %get3A_39 = tpu.vector_load %arg4[%get3A] {strides = array<i32>} : memref<2048xf32, #tpu.memory_space<vmem>>, vector<16xf32>,
      %get3A_40 = vector.shape_cast %get3A_39 : vector<16xf32> to vector<16xf32>
      %get3A_41 = arith.constant 16 : index
      %get3A_42 = tpu.vector_load %arg4[%get3A_41] {strides = array<i32>} : memref<2048xf32, #tpu.memory_space<vmem>>, vector<16xf32>,
      %get3A_43 = vector.shape_cast %get3A_42 : vector<16xf32> to vector<16xf32>
      %max3A = arith.maximumf %get3A_40, %get3A_43 : vector<16xf32>
      %get3A_44 = arith.constant 32 : index
      %get3A_45 = tpu.vector_load %arg4[%get3A_44] {strides = array<i32>} : memref<2048xf32, #tpu.memory_space<vmem>>, vector<16xf32>,
      %get3A_46 = vector.shape_cast %get3A_45 : vector<16xf32> to vector<16xf32>
      %max3A_47 = arith.maximumf %max3A, %get3A_46 : vector<16xf32>
      %get3A_48 = arith.constant 48 : index
      %get3A_49 = tpu.vector_load %arg4[%get3A_48] {strides = array<i32>} : memref<2048xf32, #tpu.memory_space<vmem>>, vector<16xf32>,
      %get3A_50 = vector.shape_cast %get3A_49 : vector<16xf32> to vector<16xf32>
      %max3A_51 = arith.maximumf %max3A_47, %get3A_50 : vector<16xf32>
      %get3A_52 = arith.constant 64 : index
      %get3A_53 = tpu.vector_load %arg4[%get3A_52] {strides = array<i32>} : memref<2048xf32, #tpu.memory_space<vmem>>, vector<16xf32>,
      %get3A_54 = vector.shape_cast %get3A_53 : vector<16xf32> to vector<16xf32>
      %max3A_55 = arith.maximumf %max3A_51, %get3A_54 : vector<16xf32>
      %get3A_56 = arith.constant 80 : index
      %get3A_57 = tpu.vector_load %arg4[%get3A_56] {strides = array<i32>} : memref<2048xf32, #tpu.memory_space<vmem>>, vector<16xf32>,
      %get3A_58 = vector.shape_cast %get3A_57 : vector<16xf32> to vector<16xf32>
      %max3A_59 = arith.maximumf %max3A_55, %get3A_58 : vector<16xf32>
      %get3A_60 = arith.constant 96 : index
      %get3A_61 = tpu.vector_load %arg4[%get3A_60] {strides = array<i32>} : memref<2048xf32, #tpu.memory_space<vmem>>, vector<16xf32>,
      %get3A_62 = vector.shape_cast %get3A_61 : vector<16xf32> to vector<16xf32>
      %max3A_63 = arith.maximumf %max3A_59, %get3A_62 : vector<16xf32>
      %get3A_64 = arith.constant 112 : index
      %get3A_65 = tpu.vector_load %arg4[%get3A_64] {strides = array<i32>} : memref<2048xf32, #tpu.memory_space<vmem>>, vector<16xf32>,
      %get3A_66 = vector.shape_cast %get3A_65 : vector<16xf32> to vector<16xf32>
      %max3A_67 = arith.maximumf %max3A_63, %get3A_66 : vector<16xf32>
      %xor3A = arith.constant 1 : i32
      %xor3A_68 = vector.broadcast %xor3A : i32 to vector<16xi32>
      %xor3A_69 = arith.xori %iota3A, %xor3A_68 : vector<16xi32>
      %broadcast_in_dim3A_70 = vector.shape_cast %xor3A_69 : vector<16xi32> to vector<16x1xi32>
      %gather3A = vector.shape_cast %broadcast_in_dim3A_70 : vector<16x1xi32> to vector<16xi32>
      %gather3A_71 = tpu.dynamic_gather %max3A_67[%gather3A] in [0] : vector<16xf32>, vector<16xi32> -> vector<16xf32>
      %max3A_72 = arith.maximumf %max3A_67, %gather3A_71 : vector<16xf32>
      %xor3A_73 = arith.constant 2 : i32
      %xor3A_74 = vector.broadcast %xor3A_73 : i32 to vector<16xi32>
      %xor3A_75 = arith.xori %iota3A, %xor3A_74 : vector<16xi32>
      %broadcast_in_dim3A_76 = vector.shape_cast %xor3A_75 : vector<16xi32> to vector<16x1xi32>
      %gather3A_77 = vector.shape_cast %broadcast_in_dim3A_76 : vector<16x1xi32> to vector<16xi32>
      %gather3A_78 = tpu.dynamic_gather %max3A_72[%gather3A_77] in [0] : vector<16xf32>, vector<16xi32> -> vector<16xf32>
      %max3A_79 = arith.maximumf %max3A_72, %gather3A_78 : vector<16xf32>
      %xor3A_80 = arith.constant 4 : i32
      %xor3A_81 = vector.broadcast %xor3A_80 : i32 to vector<16xi32>
      %xor3A_82 = arith.xori %iota3A, %xor3A_81 : vector<16xi32>
      %broadcast_in_dim3A_83 = vector.shape_cast %xor3A_82 : vector<16xi32> to vector<16x1xi32>
      %gather3A_84 = vector.shape_cast %broadcast_in_dim3A_83 : vector<16x1xi32> to vector<16xi32>
      %gather3A_85 = tpu.dynamic_gather %max3A_79[%gather3A_84] in [0] : vector<16xf32>, vector<16xi32> -> vector<16xf32>
      %max3A_86 = arith.maximumf %max3A_79, %gather3A_85 : vector<16xf32>
      %xor3A_87 = arith.constant 8 : i32
      %xor3A_88 = vector.broadcast %xor3A_87 : i32 to vector<16xi32>
      %xor3A_89 = arith.xori %iota3A, %xor3A_88 : vector<16xi32>
      %broadcast_in_dim3A_90 = vector.shape_cast %xor3A_89 : vector<16xi32> to vector<16x1xi32>
      %gather3A_91 = vector.shape_cast %broadcast_in_dim3A_90 : vector<16x1xi32> to vector<16xi32>
      %gather3A_92 = tpu.dynamic_gather %max3A_86[%gather3A_91] in [0] : vector<16xf32>, vector<16xi32> -> vector<16xf32>
      %max3A_93 = arith.maximumf %max3A_86, %gather3A_92 : vector<16xf32>
      %select_n3A = arith.select %eq3A_38, %max3A_93, %broadcast_in_dim3A_36 : vector<16xi1>, vector<16xf32>
      %eq3A_94 = arith.constant 1 : i32
      %eq3A_95 = vector.broadcast %eq3A_94 : i32 to vector<16xi32>
      %eq3A_96 = arith.cmpi eq, %iota3A, %eq3A_95 : vector<16xi32>
      %get3A_97 = arith.constant 128 : index
      %get3A_98 = tpu.vector_load %arg4[%get3A_97] {strides = array<i32>} : memref<2048xf32, #tpu.memory_space<vmem>>, vector<16xf32>,
      %get3A_99 = vector.shape_cast %get3A_98 : vector<16xf32> to vector<16xf32>
      %get3A_100 = arith.constant 144 : index
      %get3A_101 = tpu.vector_load %arg4[%get3A_100] {strides = array<i32>} : memref<2048xf32, #tpu.memory_space<vmem>>, vector<16xf32>,
      %get3A_102 = vector.shape_cast %get3A_101 : vector<16xf32> to vector<16xf32>
      %max3A_103 = arith.maximumf %get3A_99, %get3A_102 : vector<16xf32>
      %get3A_104 = arith.constant 160 : index
      %get3A_105 = tpu.vector_load %arg4[%get3A_104] {strides = array<i32>} : memref<2048xf32, #tpu.memory_space<vmem>>, vector<16xf32>,
      %get3A_106 = vector.shape_cast %get3A_105 : vector<16xf32> to vector<16xf32>
      %max3A_107 = arith.maximumf %max3A_103, %get3A_106 : vector<16xf32>
      %get3A_108 = arith.constant 176 : index
      %get3A_109 = tpu.vector_load %arg4[%get3A_108] {strides = array<i32>} : memref<2048xf32, #tpu.memory_space<vmem>>, vector<16xf32>,
      %get3A_110 = vector.shape_cast %get3A_109 : vector<16xf32> to vector<16xf32>
      %max3A_111 = arith.maximumf %max3A_107, %get3A_110 : vector<16xf32>
      %get3A_112 = arith.constant 192 : index
      %get3A_113 = tpu.vector_load %arg4[%get3A_112] {strides = array<i32>} : memref<2048xf32, #tpu.memory_space<vmem>>, vector<16xf32>,
      %get3A_114 = vector.shape_cast %get3A_113 : vector<16xf32> to vector<16xf32>
      %max3A_115 = arith.maximumf %max3A_111, %get3A_114 : vector<16xf32>
      %get3A_116 = arith.constant 208 : index
      %get3A_117 = tpu.vector_load %arg4[%get3A_116] {strides = array<i32>} : memref<2048xf32, #tpu.memory_space<vmem>>, vector<16xf32>,
      %get3A_118 = vector.shape_cast %get3A_117 : vector<16xf32> to vector<16xf32>
      %max3A_119 = arith.maximumf %max3A_115, %get3A_118 : vector<16xf32>
      %get3A_120 = arith.constant 224 : index
      %get3A_121 = tpu.vector_load %arg4[%get3A_120] {strides = array<i32>} : memref<2048xf32, #tpu.memory_space<vmem>>, vector<16xf32>,
      %get3A_122 = vector.shape_cast %get3A_121 : vector<16xf32> to vector<16xf32>
      %max3A_123 = arith.maximumf %max3A_119, %get3A_122 : vector<16xf32>
      %get3A_124 = arith.constant 240 : index
      %get3A_125 = tpu.vector_load %arg4[%get3A_124] {strides = array<i32>} : memref<2048xf32, #tpu.memory_space<vmem>>, vector<16xf32>,
      %get3A_126 = vector.shape_cast %get3A_125 : vector<16xf32> to vector<16xf32>
      %max3A_127 = arith.maximumf %max3A_123, %get3A_126 : vector<16xf32>
      %xor3A_128 = arith.constant 1 : i32
      %xor3A_129 = vector.broadcast %xor3A_128 : i32 to vector<16xi32>
      %xor3A_130 = arith.xori %iota3A, %xor3A_129 : vector<16xi32>
      %broadcast_in_dim3A_131 = vector.shape_cast %xor3A_130 : vector<16xi32> to vector<16x1xi32>
      %gather3A_132 = vector.shape_cast %broadcast_in_dim3A_131 : vector<16x1xi32> to vector<16xi32>
      %gather3A_133 = tpu.dynamic_gather %max3A_127[%gather3A_132] in [0] : vector<16xf32>, vector<16xi32> -> vector<16xf32>
      %max3A_134 = arith.maximumf %max3A_127, %gather3A_133 : vector<16xf32>
      %xor3A_135 = arith.constant 2 : i32
      %xor3A_136 = vector.broadcast %xor3A_135 : i32 to vector<16xi32>
      %xor3A_137 = arith.xori %iota3A, %xor3A_136 : vector<16xi32>
      %broadcast_in_dim3A_138 = vector.shape_cast %xor3A_137 : vector<16xi32> to vector<16x1xi32>
      %gather3A_139 = vector.shape_cast %broadcast_in_dim3A_138 : vector<16x1xi32> to vector<16xi32>
      %gather3A_140 = tpu.dynamic_gather %max3A_134[%gather3A_139] in [0] : vector<16xf32>, vector<16xi32> -> vector<16xf32>
      %max3A_141 = arith.maximumf %max3A_134, %gather3A_140 : vector<16xf32>
      %xor3A_142 = arith.constant 4 : i32
      %xor3A_143 = vector.broadcast %xor3A_142 : i32 to vector<16xi32>
      %xor3A_144 = arith.xori %iota3A, %xor3A_143 : vector<16xi32>
      %broadcast_in_dim3A_145 = vector.shape_cast %xor3A_144 : vector<16xi32> to vector<16x1xi32>
      %gather3A_146 = vector.shape_cast %broadcast_in_dim3A_145 : vector<16x1xi32> to vector<16xi32>
      %gather3A_147 = tpu.dynamic_gather %max3A_141[%gather3A_146] in [0] : vector<16xf32>, vector<16xi32> -> vector<16xf32>
      %max3A_148 = arith.maximumf %max3A_141, %gather3A_147 : vector<16xf32>
      %xor3A_149 = arith.constant 8 : i32
      %xor3A_150 = vector.broadcast %xor3A_149 : i32 to vector<16xi32>
      %xor3A_151 = arith.xori %iota3A, %xor3A_150 : vector<16xi32>
      %broadcast_in_dim3A_152 = vector.shape_cast %xor3A_151 : vector<16xi32> to vector<16x1xi32>
      %gather3A_153 = vector.shape_cast %broadcast_in_dim3A_152 : vector<16x1xi32> to vector<16xi32>
      %gather3A_154 = tpu.dynamic_gather %max3A_148[%gather3A_153] in [0] : vector<16xf32>, vector<16xi32> -> vector<16xf32>
      %max3A_155 = arith.maximumf %max3A_148, %gather3A_154 : vector<16xf32>
      %select_n3A_156 = arith.select %eq3A_96, %max3A_155, %select_n3A : vector<16xi1>, vector<16xf32>
      %eq3A_157 = arith.constant 2 : i32
      %eq3A_158 = vector.broadcast %eq3A_157 : i32 to vector<16xi32>
      %eq3A_159 = arith.cmpi eq, %iota3A, %eq3A_158 : vector<16xi32>
      %get3A_160 = arith.constant 256 : index
      %get3A_161 = tpu.vector_load %arg4[%get3A_160] {strides = array<i32>} : memref<2048xf32, #tpu.memory_space<vmem>>, vector<16xf32>,
      %get3A_162 = vector.shape_cast %get3A_161 : vector<16xf32> to vector<16xf32>
      %get3A_163 = arith.constant 272 : index
      %get3A_164 = tpu.vector_load %arg4[%get3A_163] {strides = array<i32>} : memref<2048xf32, #tpu.memory_space<vmem>>, vector<16xf32>,
      %get3A_165 = vector.shape_cast %get3A_164 : vector<16xf32> to vector<16xf32>
      %max3A_166 = arith.maximumf %get3A_162, %get3A_165 : vector<16xf32>
      %get3A_167 = arith.constant 288 : index
      %get3A_168 = tpu.vector_load %arg4[%get3A_167] {strides = array<i32>} : memref<2048xf32, #tpu.memory_space<vmem>>, vector<16xf32>,
      %get3A_169 = vector.shape_cast %get3A_168 : vector<16xf32> to vector<16xf32>
      %max3A_170 = arith.maximumf %max3A_166, %get3A_169 : vector<16xf32>
      %get3A_171 = arith.constant 304 : index
      %get3A_172 = tpu.vector_load %arg4[%get3A_171] {strides = array<i32>} : memref<2048xf32, #tpu.memory_space<vmem>>, vector<16xf32>,
      %get3A_173 = vector.shape_cast %get3A_172 : vector<16xf32> to vector<16xf32>
      %max3A_174 = arith.maximumf %max3A_170, %get3A_173 : vector<16xf32>
      %get3A_175 = arith.constant 320 : index
      %get3A_176 = tpu.vector_load %arg4[%get3A_175] {strides = array<i32>} : memref<2048xf32, #tpu.memory_space<vmem>>, vector<16xf32>,
      %get3A_177 = vector.shape_cast %get3A_176 : vector<16xf32> to vector<16xf32>
      %max3A_178 = arith.maximumf %max3A_174, %get3A_177 : vector<16xf32>
      %get3A_179 = arith.constant 336 : index
      %get3A_180 = tpu.vector_load %arg4[%get3A_179] {strides = array<i32>} : memref<2048xf32, #tpu.memory_space<vmem>>, vector<16xf32>,
      %get3A_181 = vector.shape_cast %get3A_180 : vector<16xf32> to vector<16xf32>
      %max3A_182 = arith.maximumf %max3A_178, %get3A_181 : vector<16xf32>
      %get3A_183 = arith.constant 352 : index
      %get3A_184 = tpu.vector_load %arg4[%get3A_183] {strides = array<i32>} : memref<2048xf32, #tpu.memory_space<vmem>>, vector<16xf32>,
      %get3A_185 = vector.shape_cast %get3A_184 : vector<16xf32> to vector<16xf32>
      %max3A_186 = arith.maximumf %max3A_182, %get3A_185 : vector<16xf32>
      %get3A_187 = arith.constant 368 : index
      %get3A_188 = tpu.vector_load %arg4[%get3A_187] {strides = array<i32>} : memref<2048xf32, #tpu.memory_space<vmem>>, vector<16xf32>,
      %get3A_189 = vector.shape_cast %get3A_188 : vector<16xf32> to vector<16xf32>
      %max3A_190 = arith.maximumf %max3A_186, %get3A_189 : vector<16xf32>
      %xor3A_191 = arith.constant 1 : i32
      %xor3A_192 = vector.broadcast %xor3A_191 : i32 to vector<16xi32>
      %xor3A_193 = arith.xori %iota3A, %xor3A_192 : vector<16xi32>
      %broadcast_in_dim3A_194 = vector.shape_cast %xor3A_193 : vector<16xi32> to vector<16x1xi32>
      %gather3A_195 = vector.shape_cast %broadcast_in_dim3A_194 : vector<16x1xi32> to vector<16xi32>
      %gather3A_196 = tpu.dynamic_gather %max3A_190[%gather3A_195] in [0] : vector<16xf32>, vector<16xi32> -> vector<16xf32>
      %max3A_197 = arith.maximumf %max3A_190, %gather3A_196 : vector<16xf32>
      %xor3A_198 = arith.constant 2 : i32
      %xor3A_199 = vector.broadcast %xor3A_198 : i32 to vector<16xi32>
      %xor3A_200 = arith.xori %iota3A, %xor3A_199 : vector<16xi32>
      %broadcast_in_dim3A_201 = vector.shape_cast %xor3A_200 : vector<16xi32> to vector<16x1xi32>
      %gather3A_202 = vector.shape_cast %broadcast_in_dim3A_201 : vector<16x1xi32> to vector<16xi32>
      %gather3A_203 = tpu.dynamic_gather %max3A_197[%gather3A_202] in [0] : vector<16xf32>, vector<16xi32> -> vector<16xf32>
      %max3A_204 = arith.maximumf %max3A_197, %gather3A_203 : vector<16xf32>
      %xor3A_205 = arith.constant 4 : i32
      %xor3A_206 = vector.broadcast %xor3A_205 : i32 to vector<16xi32>
      %xor3A_207 = arith.xori %iota3A, %xor3A_206 : vector<16xi32>
      %broadcast_in_dim3A_208 = vector.shape_cast %xor3A_207 : vector<16xi32> to vector<16x1xi32>
      %gather3A_209 = vector.shape_cast %broadcast_in_dim3A_208 : vector<16x1xi32> to vector<16xi32>
      %gather3A_210 = tpu.dynamic_gather %max3A_204[%gather3A_209] in [0] : vector<16xf32>, vector<16xi32> -> vector<16xf32>
      %max3A_211 = arith.maximumf %max3A_204, %gather3A_210 : vector<16xf32>
      %xor3A_212 = arith.constant 8 : i32
      %xor3A_213 = vector.broadcast %xor3A_212 : i32 to vector<16xi32>
      %xor3A_214 = arith.xori %iota3A, %xor3A_213 : vector<16xi32>
      %broadcast_in_dim3A_215 = vector.shape_cast %xor3A_214 : vector<16xi32> to vector<16x1xi32>
      %gather3A_216 = vector.shape_cast %broadcast_in_dim3A_215 : vector<16x1xi32> to vector<16xi32>
      %gather3A_217 = tpu.dynamic_gather %max3A_211[%gather3A_216] in [0] : vector<16xf32>, vector<16xi32> -> vector<16xf32>
      %max3A_218 = arith.maximumf %max3A_211, %gather3A_217 : vector<16xf32>
      %select_n3A_219 = arith.select %eq3A_159, %max3A_218, %select_n3A_156 : vector<16xi1>, vector<16xf32>
      %eq3A_220 = arith.constant 3 : i32
      %eq3A_221 = vector.broadcast %eq3A_220 : i32 to vector<16xi32>
      %eq3A_222 = arith.cmpi eq, %iota3A, %eq3A_221 : vector<16xi32>
      %get3A_223 = arith.constant 384 : index
      %get3A_224 = tpu.vector_load %arg4[%get3A_223] {strides = array<i32>} : memref<2048xf32, #tpu.memory_space<vmem>>, vector<16xf32>,
      %get3A_225 = vector.shape_cast %get3A_224 : vector<16xf32> to vector<16xf32>
      %get3A_226 = arith.constant 400 : index
      %get3A_227 = tpu.vector_load %arg4[%get3A_226] {strides = array<i32>} : memref<2048xf32, #tpu.memory_space<vmem>>, vector<16xf32>,
      %get3A_228 = vector.shape_cast %get3A_227 : vector<16xf32> to vector<16xf32>
      %max3A_229 = arith.maximumf %get3A_225, %get3A_228 : vector<16xf32>
      %get3A_230 = arith.constant 416 : index
      %get3A_231 = tpu.vector_load %arg4[%get3A_230] {strides = array<i32>} : memref<2048xf32, #tpu.memory_space<vmem>>, vector<16xf32>,
      %get3A_232 = vector.shape_cast %get3A_231 : vector<16xf32> to vector<16xf32>
      %max3A_233 = arith.maximumf %max3A_229, %get3A_232 : vector<16xf32>
      %get3A_234 = arith.constant 432 : index
      %get3A_235 = tpu.vector_load %arg4[%get3A_234] {strides = array<i32>} : memref<2048xf32, #tpu.memory_space<vmem>>, vector<16xf32>,
      %get3A_236 = vector.shape_cast %get3A_235 : vector<16xf32> to vector<16xf32>
      %max3A_237 = arith.maximumf %max3A_233, %get3A_236 : vector<16xf32>
      %get3A_238 = arith.constant 448 : index
      %get3A_239 = tpu.vector_load %arg4[%get3A_238] {strides = array<i32>} : memref<2048xf32, #tpu.memory_space<vmem>>, vector<16xf32>,
      %get3A_240 = vector.shape_cast %get3A_239 : vector<16xf32> to vector<16xf32>
      %max3A_241 = arith.maximumf %max3A_237, %get3A_240 : vector<16xf32>
      %get3A_242 = arith.constant 464 : index
      %get3A_243 = tpu.vector_load %arg4[%get3A_242] {strides = array<i32>} : memref<2048xf32, #tpu.memory_space<vmem>>, vector<16xf32>,
      %get3A_244 = vector.shape_cast %get3A_243 : vector<16xf32> to vector<16xf32>
      %max3A_245 = arith.maximumf %max3A_241, %get3A_244 : vector<16xf32>
      %get3A_246 = arith.constant 480 : index
      %get3A_247 = tpu.vector_load %arg4[%get3A_246] {strides = array<i32>} : memref<2048xf32, #tpu.memory_space<vmem>>, vector<16xf32>,
      %get3A_248 = vector.shape_cast %get3A_247 : vector<16xf32> to vector<16xf32>
      %max3A_249 = arith.maximumf %max3A_245, %get3A_248 : vector<16xf32>
      %get3A_250 = arith.constant 496 : index
      %get3A_251 = tpu.vector_load %arg4[%get3A_250] {strides = array<i32>} : memref<2048xf32, #tpu.memory_space<vmem>>, vector<16xf32>,
      %get3A_252 = vector.shape_cast %get3A_251 : vector<16xf32> to vector<16xf32>
      %max3A_253 = arith.maximumf %max3A_249, %get3A_252 : vector<16xf32>
      %xor3A_254 = arith.constant 1 : i32
      %xor3A_255 = vector.broadcast %xor3A_254 : i32 to vector<16xi32>
      %xor3A_256 = arith.xori %iota3A, %xor3A_255 : vector<16xi32>
      %broadcast_in_dim3A_257 = vector.shape_cast %xor3A_256 : vector<16xi32> to vector<16x1xi32>
      %gather3A_258 = vector.shape_cast %broadcast_in_dim3A_257 : vector<16x1xi32> to vector<16xi32>
      %gather3A_259 = tpu.dynamic_gather %max3A_253[%gather3A_258] in [0] : vector<16xf32>, vector<16xi32> -> vector<16xf32>
      %max3A_260 = arith.maximumf %max3A_253, %gather3A_259 : vector<16xf32>
      %xor3A_261 = arith.constant 2 : i32
      %xor3A_262 = vector.broadcast %xor3A_261 : i32 to vector<16xi32>
      %xor3A_263 = arith.xori %iota3A, %xor3A_262 : vector<16xi32>
      %broadcast_in_dim3A_264 = vector.shape_cast %xor3A_263 : vector<16xi32> to vector<16x1xi32>
      %gather3A_265 = vector.shape_cast %broadcast_in_dim3A_264 : vector<16x1xi32> to vector<16xi32>
      %gather3A_266 = tpu.dynamic_gather %max3A_260[%gather3A_265] in [0] : vector<16xf32>, vector<16xi32> -> vector<16xf32>
      %max3A_267 = arith.maximumf %max3A_260, %gather3A_266 : vector<16xf32>
      %xor3A_268 = arith.constant 4 : i32
      %xor3A_269 = vector.broadcast %xor3A_268 : i32 to vector<16xi32>
      %xor3A_270 = arith.xori %iota3A, %xor3A_269 : vector<16xi32>
      %broadcast_in_dim3A_271 = vector.shape_cast %xor3A_270 : vector<16xi32> to vector<16x1xi32>
      %gather3A_272 = vector.shape_cast %broadcast_in_dim3A_271 : vector<16x1xi32> to vector<16xi32>
      %gather3A_273 = tpu.dynamic_gather %max3A_267[%gather3A_272] in [0] : vector<16xf32>, vector<16xi32> -> vector<16xf32>
      %max3A_274 = arith.maximumf %max3A_267, %gather3A_273 : vector<16xf32>
      %xor3A_275 = arith.constant 8 : i32
      %xor3A_276 = vector.broadcast %xor3A_275 : i32 to vector<16xi32>
      %xor3A_277 = arith.xori %iota3A, %xor3A_276 : vector<16xi32>
      %broadcast_in_dim3A_278 = vector.shape_cast %xor3A_277 : vector<16xi32> to vector<16x1xi32>
      %gather3A_279 = vector.shape_cast %broadcast_in_dim3A_278 : vector<16x1xi32> to vector<16xi32>
      %gather3A_280 = tpu.dynamic_gather %max3A_274[%gather3A_279] in [0] : vector<16xf32>, vector<16xi32> -> vector<16xf32>
      %max3A_281 = arith.maximumf %max3A_274, %gather3A_280 : vector<16xf32>
      %select_n3A_282 = arith.select %eq3A_222, %max3A_281, %select_n3A_219 : vector<16xi1>, vector<16xf32>
      %eq3A_283 = arith.constant 4 : i32
      %eq3A_284 = vector.broadcast %eq3A_283 : i32 to vector<16xi32>
      %eq3A_285 = arith.cmpi eq, %iota3A, %eq3A_284 : vector<16xi32>
      %get3A_286 = arith.constant 512 : index
      %get3A_287 = tpu.vector_load %arg4[%get3A_286] {strides = array<i32>} : memref<2048xf32, #tpu.memory_space<vmem>>, vector<16xf32>,
      %get3A_288 = vector.shape_cast %get3A_287 : vector<16xf32> to vector<16xf32>
      %get3A_289 = arith.constant 528 : index
      %get3A_290 = tpu.vector_load %arg4[%get3A_289] {strides = array<i32>} : memref<2048xf32, #tpu.memory_space<vmem>>, vector<16xf32>,
      %get3A_291 = vector.shape_cast %get3A_290 : vector<16xf32> to vector<16xf32>
      %max3A_292 = arith.maximumf %get3A_288, %get3A_291 : vector<16xf32>
      %get3A_293 = arith.constant 544 : index
      %get3A_294 = tpu.vector_load %arg4[%get3A_293] {strides = array<i32>} : memref<2048xf32, #tpu.memory_space<vmem>>, vector<16xf32>,
      %get3A_295 = vector.shape_cast %get3A_294 : vector<16xf32> to vector<16xf32>
      %max3A_296 = arith.maximumf %max3A_292, %get3A_295 : vector<16xf32>
      %get3A_297 = arith.constant 560 : index
      %get3A_298 = tpu.vector_load %arg4[%get3A_297] {strides = array<i32>} : memref<2048xf32, #tpu.memory_space<vmem>>, vector<16xf32>,
      %get3A_299 = vector.shape_cast %get3A_298 : vector<16xf32> to vector<16xf32>
      %max3A_300 = arith.maximumf %max3A_296, %get3A_299 : vector<16xf32>
      %get3A_301 = arith.constant 576 : index
      %get3A_302 = tpu.vector_load %arg4[%get3A_301] {strides = array<i32>} : memref<2048xf32, #tpu.memory_space<vmem>>, vector<16xf32>,
      %get3A_303 = vector.shape_cast %get3A_302 : vector<16xf32> to vector<16xf32>
      %max3A_304 = arith.maximumf %max3A_300, %get3A_303 : vector<16xf32>
      %get3A_305 = arith.constant 592 : index
      %get3A_306 = tpu.vector_load %arg4[%get3A_305] {strides = array<i32>} : memref<2048xf32, #tpu.memory_space<vmem>>, vector<16xf32>,
      %get3A_307 = vector.shape_cast %get3A_306 : vector<16xf32> to vector<16xf32>
      %max3A_308 = arith.maximumf %max3A_304, %get3A_307 : vector<16xf32>
      %get3A_309 = arith.constant 608 : index
      %get3A_310 = tpu.vector_load %arg4[%get3A_309] {strides = array<i32>} : memref<2048xf32, #tpu.memory_space<vmem>>, vector<16xf32>,
      %get3A_311 = vector.shape_cast %get3A_310 : vector<16xf32> to vector<16xf32>
      %max3A_312 = arith.maximumf %max3A_308, %get3A_311 : vector<16xf32>
      %get3A_313 = arith.constant 624 : index
      %get3A_314 = tpu.vector_load %arg4[%get3A_313] {strides = array<i32>} : memref<2048xf32, #tpu.memory_space<vmem>>, vector<16xf32>,
      %get3A_315 = vector.shape_cast %get3A_314 : vector<16xf32> to vector<16xf32>
      %max3A_316 = arith.maximumf %max3A_312, %get3A_315 : vector<16xf32>
      %xor3A_317 = arith.constant 1 : i32
      %xor3A_318 = vector.broadcast %xor3A_317 : i32 to vector<16xi32>
      %xor3A_319 = arith.xori %iota3A, %xor3A_318 : vector<16xi32>
      %broadcast_in_dim3A_320 = vector.shape_cast %xor3A_319 : vector<16xi32> to vector<16x1xi32>
      %gather3A_321 = vector.shape_cast %broadcast_in_dim3A_320 : vector<16x1xi32> to vector<16xi32>
      %gather3A_322 = tpu.dynamic_gather %max3A_316[%gather3A_321] in [0] : vector<16xf32>, vector<16xi32> -> vector<16xf32>
      %max3A_323 = arith.maximumf %max3A_316, %gather3A_322 : vector<16xf32>
      %xor3A_324 = arith.constant 2 : i32
      %xor3A_325 = vector.broadcast %xor3A_324 : i32 to vector<16xi32>
      %xor3A_326 = arith.xori %iota3A, %xor3A_325 : vector<16xi32>
      %broadcast_in_dim3A_327 = vector.shape_cast %xor3A_326 : vector<16xi32> to vector<16x1xi32>
      %gather3A_328 = vector.shape_cast %broadcast_in_dim3A_327 : vector<16x1xi32> to vector<16xi32>
      %gather3A_329 = tpu.dynamic_gather %max3A_323[%gather3A_328] in [0] : vector<16xf32>, vector<16xi32> -> vector<16xf32>
      %max3A_330 = arith.maximumf %max3A_323, %gather3A_329 : vector<16xf32>
      %xor3A_331 = arith.constant 4 : i32
      %xor3A_332 = vector.broadcast %xor3A_331 : i32 to vector<16xi32>
      %xor3A_333 = arith.xori %iota3A, %xor3A_332 : vector<16xi32>
      %broadcast_in_dim3A_334 = vector.shape_cast %xor3A_333 : vector<16xi32> to vector<16x1xi32>
      %gather3A_335 = vector.shape_cast %broadcast_in_dim3A_334 : vector<16x1xi32> to vector<16xi32>
      %gather3A_336 = tpu.dynamic_gather %max3A_330[%gather3A_335] in [0] : vector<16xf32>, vector<16xi32> -> vector<16xf32>
      %max3A_337 = arith.maximumf %max3A_330, %gather3A_336 : vector<16xf32>
      %xor3A_338 = arith.constant 8 : i32
      %xor3A_339 = vector.broadcast %xor3A_338 : i32 to vector<16xi32>
      %xor3A_340 = arith.xori %iota3A, %xor3A_339 : vector<16xi32>
      %broadcast_in_dim3A_341 = vector.shape_cast %xor3A_340 : vector<16xi32> to vector<16x1xi32>
      %gather3A_342 = vector.shape_cast %broadcast_in_dim3A_341 : vector<16x1xi32> to vector<16xi32>
      %gather3A_343 = tpu.dynamic_gather %max3A_337[%gather3A_342] in [0] : vector<16xf32>, vector<16xi32> -> vector<16xf32>
      %max3A_344 = arith.maximumf %max3A_337, %gather3A_343 : vector<16xf32>
      %select_n3A_345 = arith.select %eq3A_285, %max3A_344, %select_n3A_282 : vector<16xi1>, vector<16xf32>
      %eq3A_346 = arith.constant 5 : i32
      %eq3A_347 = vector.broadcast %eq3A_346 : i32 to vector<16xi32>
      %eq3A_348 = arith.cmpi eq, %iota3A, %eq3A_347 : vector<16xi32>
      %get3A_349 = arith.constant 640 : index
      %get3A_350 = tpu.vector_load %arg4[%get3A_349] {strides = array<i32>} : memref<2048xf32, #tpu.memory_space<vmem>>, vector<16xf32>,
      %get3A_351 = vector.shape_cast %get3A_350 : vector<16xf32> to vector<16xf32>
      %get3A_352 = arith.constant 656 : index
      %get3A_353 = tpu.vector_load %arg4[%get3A_352] {strides = array<i32>} : memref<2048xf32, #tpu.memory_space<vmem>>, vector<16xf32>,
      %get3A_354 = vector.shape_cast %get3A_353 : vector<16xf32> to vector<16xf32>
      %max3A_355 = arith.maximumf %get3A_351, %get3A_354 : vector<16xf32>
      %get3A_356 = arith.constant 672 : index
      %get3A_357 = tpu.vector_load %arg4[%get3A_356] {strides = array<i32>} : memref<2048xf32, #tpu.memory_space<vmem>>, vector<16xf32>,
      %get3A_358 = vector.shape_cast %get3A_357 : vector<16xf32> to vector<16xf32>
      %max3A_359 = arith.maximumf %max3A_355, %get3A_358 : vector<16xf32>
      %get3A_360 = arith.constant 688 : index
      %get3A_361 = tpu.vector_load %arg4[%get3A_360] {strides = array<i32>} : memref<2048xf32, #tpu.memory_space<vmem>>, vector<16xf32>,
      %get3A_362 = vector.shape_cast %get3A_361 : vector<16xf32> to vector<16xf32>
      %max3A_363 = arith.maximumf %max3A_359, %get3A_362 : vector<16xf32>
      %get3A_364 = arith.constant 704 : index
      %get3A_365 = tpu.vector_load %arg4[%get3A_364] {strides = array<i32>} : memref<2048xf32, #tpu.memory_space<vmem>>, vector<16xf32>,
      %get3A_366 = vector.shape_cast %get3A_365 : vector<16xf32> to vector<16xf32>
      %max3A_367 = arith.maximumf %max3A_363, %get3A_366 : vector<16xf32>
      %get3A_368 = arith.constant 720 : index
      %get3A_369 = tpu.vector_load %arg4[%get3A_368] {strides = array<i32>} : memref<2048xf32, #tpu.memory_space<vmem>>, vector<16xf32>,
      %get3A_370 = vector.shape_cast %get3A_369 : vector<16xf32> to vector<16xf32>
      %max3A_371 = arith.maximumf %max3A_367, %get3A_370 : vector<16xf32>
      %get3A_372 = arith.constant 736 : index
      %get3A_373 = tpu.vector_load %arg4[%get3A_372] {strides = array<i32>} : memref<2048xf32, #tpu.memory_space<vmem>>, vector<16xf32>,
      %get3A_374 = vector.shape_cast %get3A_373 : vector<16xf32> to vector<16xf32>
      %max3A_375 = arith.maximumf %max3A_371, %get3A_374 : vector<16xf32>
      %get3A_376 = arith.constant 752 : index
      %get3A_377 = tpu.vector_load %arg4[%get3A_376] {strides = array<i32>} : memref<2048xf32, #tpu.memory_space<vmem>>, vector<16xf32>,
      %get3A_378 = vector.shape_cast %get3A_377 : vector<16xf32> to vector<16xf32>
      %max3A_379 = arith.maximumf %max3A_375, %get3A_378 : vector<16xf32>
      %xor3A_380 = arith.constant 1 : i32
      %xor3A_381 = vector.broadcast %xor3A_380 : i32 to vector<16xi32>
      %xor3A_382 = arith.xori %iota3A, %xor3A_381 : vector<16xi32>
      %broadcast_in_dim3A_383 = vector.shape_cast %xor3A_382 : vector<16xi32> to vector<16x1xi32>
      %gather3A_384 = vector.shape_cast %broadcast_in_dim3A_383 : vector<16x1xi32> to vector<16xi32>
      %gather3A_385 = tpu.dynamic_gather %max3A_379[%gather3A_384] in [0] : vector<16xf32>, vector<16xi32> -> vector<16xf32>
      %max3A_386 = arith.maximumf %max3A_379, %gather3A_385 : vector<16xf32>
      %xor3A_387 = arith.constant 2 : i32
      %xor3A_388 = vector.broadcast %xor3A_387 : i32 to vector<16xi32>
      %xor3A_389 = arith.xori %iota3A, %xor3A_388 : vector<16xi32>
      %broadcast_in_dim3A_390 = vector.shape_cast %xor3A_389 : vector<16xi32> to vector<16x1xi32>
      %gather3A_391 = vector.shape_cast %broadcast_in_dim3A_390 : vector<16x1xi32> to vector<16xi32>
      %gather3A_392 = tpu.dynamic_gather %max3A_386[%gather3A_391] in [0] : vector<16xf32>, vector<16xi32> -> vector<16xf32>
      %max3A_393 = arith.maximumf %max3A_386, %gather3A_392 : vector<16xf32>
      %xor3A_394 = arith.constant 4 : i32
      %xor3A_395 = vector.broadcast %xor3A_394 : i32 to vector<16xi32>
      %xor3A_396 = arith.xori %iota3A, %xor3A_395 : vector<16xi32>
      %broadcast_in_dim3A_397 = vector.shape_cast %xor3A_396 : vector<16xi32> to vector<16x1xi32>
      %gather3A_398 = vector.shape_cast %broadcast_in_dim3A_397 : vector<16x1xi32> to vector<16xi32>
      %gather3A_399 = tpu.dynamic_gather %max3A_393[%gather3A_398] in [0] : vector<16xf32>, vector<16xi32> -> vector<16xf32>
      %max3A_400 = arith.maximumf %max3A_393, %gather3A_399 : vector<16xf32>
      %xor3A_401 = arith.constant 8 : i32
      %xor3A_402 = vector.broadcast %xor3A_401 : i32 to vector<16xi32>
      %xor3A_403 = arith.xori %iota3A, %xor3A_402 : vector<16xi32>
      %broadcast_in_dim3A_404 = vector.shape_cast %xor3A_403 : vector<16xi32> to vector<16x1xi32>
      %gather3A_405 = vector.shape_cast %broadcast_in_dim3A_404 : vector<16x1xi32> to vector<16xi32>
      %gather3A_406 = tpu.dynamic_gather %max3A_400[%gather3A_405] in [0] : vector<16xf32>, vector<16xi32> -> vector<16xf32>
      %max3A_407 = arith.maximumf %max3A_400, %gather3A_406 : vector<16xf32>
      %select_n3A_408 = arith.select %eq3A_348, %max3A_407, %select_n3A_345 : vector<16xi1>, vector<16xf32>
      %eq3A_409 = arith.constant 6 : i32
      %eq3A_410 = vector.broadcast %eq3A_409 : i32 to vector<16xi32>
      %eq3A_411 = arith.cmpi eq, %iota3A, %eq3A_410 : vector<16xi32>
      %get3A_412 = arith.constant 768 : index
      %get3A_413 = tpu.vector_load %arg4[%get3A_412] {strides = array<i32>} : memref<2048xf32, #tpu.memory_space<vmem>>, vector<16xf32>,
      %get3A_414 = vector.shape_cast %get3A_413 : vector<16xf32> to vector<16xf32>
      %get3A_415 = arith.constant 784 : index
      %get3A_416 = tpu.vector_load %arg4[%get3A_415] {strides = array<i32>} : memref<2048xf32, #tpu.memory_space<vmem>>, vector<16xf32>,
      %get3A_417 = vector.shape_cast %get3A_416 : vector<16xf32> to vector<16xf32>
      %max3A_418 = arith.maximumf %get3A_414, %get3A_417 : vector<16xf32>
      %get3A_419 = arith.constant 800 : index
      %get3A_420 = tpu.vector_load %arg4[%get3A_419] {strides = array<i32>} : memref<2048xf32, #tpu.memory_space<vmem>>, vector<16xf32>,
      %get3A_421 = vector.shape_cast %get3A_420 : vector<16xf32> to vector<16xf32>
      %max3A_422 = arith.maximumf %max3A_418, %get3A_421 : vector<16xf32>
      %get3A_423 = arith.constant 816 : index
      %get3A_424 = tpu.vector_load %arg4[%get3A_423] {strides = array<i32>} : memref<2048xf32, #tpu.memory_space<vmem>>, vector<16xf32>,
      %get3A_425 = vector.shape_cast %get3A_424 : vector<16xf32> to vector<16xf32>
      %max3A_426 = arith.maximumf %max3A_422, %get3A_425 : vector<16xf32>
      %get3A_427 = arith.constant 832 : index
      %get3A_428 = tpu.vector_load %arg4[%get3A_427] {strides = array<i32>} : memref<2048xf32, #tpu.memory_space<vmem>>, vector<16xf32>,
      %get3A_429 = vector.shape_cast %get3A_428 : vector<16xf32> to vector<16xf32>
      %max3A_430 = arith.maximumf %max3A_426, %get3A_429 : vector<16xf32>
      %get3A_431 = arith.constant 848 : index
      %get3A_432 = tpu.vector_load %arg4[%get3A_431] {strides = array<i32>} : memref<2048xf32, #tpu.memory_space<vmem>>, vector<16xf32>,
      %get3A_433 = vector.shape_cast %get3A_432 : vector<16xf32> to vector<16xf32>
      %max3A_434 = arith.maximumf %max3A_430, %get3A_433 : vector<16xf32>
      %get3A_435 = arith.constant 864 : index
      %get3A_436 = tpu.vector_load %arg4[%get3A_435] {strides = array<i32>} : memref<2048xf32, #tpu.memory_space<vmem>>, vector<16xf32>,
      %get3A_437 = vector.shape_cast %get3A_436 : vector<16xf32> to vector<16xf32>
      %max3A_438 = arith.maximumf %max3A_434, %get3A_437 : vector<16xf32>
      %get3A_439 = arith.constant 880 : index
      %get3A_440 = tpu.vector_load %arg4[%get3A_439] {strides = array<i32>} : memref<2048xf32, #tpu.memory_space<vmem>>, vector<16xf32>,
      %get3A_441 = vector.shape_cast %get3A_440 : vector<16xf32> to vector<16xf32>
      %max3A_442 = arith.maximumf %max3A_438, %get3A_441 : vector<16xf32>
      %xor3A_443 = arith.constant 1 : i32
      %xor3A_444 = vector.broadcast %xor3A_443 : i32 to vector<16xi32>
      %xor3A_445 = arith.xori %iota3A, %xor3A_444 : vector<16xi32>
      %broadcast_in_dim3A_446 = vector.shape_cast %xor3A_445 : vector<16xi32> to vector<16x1xi32>
      %gather3A_447 = vector.shape_cast %broadcast_in_dim3A_446 : vector<16x1xi32> to vector<16xi32>
      %gather3A_448 = tpu.dynamic_gather %max3A_442[%gather3A_447] in [0] : vector<16xf32>, vector<16xi32> -> vector<16xf32>
      %max3A_449 = arith.maximumf %max3A_442, %gather3A_448 : vector<16xf32>
      %xor3A_450 = arith.constant 2 : i32
      %xor3A_451 = vector.broadcast %xor3A_450 : i32 to vector<16xi32>
      %xor3A_452 = arith.xori %iota3A, %xor3A_451 : vector<16xi32>
      %broadcast_in_dim3A_453 = vector.shape_cast %xor3A_452 : vector<16xi32> to vector<16x1xi32>
      %gather3A_454 = vector.shape_cast %broadcast_in_dim3A_453 : vector<16x1xi32> to vector<16xi32>
      %gather3A_455 = tpu.dynamic_gather %max3A_449[%gather3A_454] in [0] : vector<16xf32>, vector<16xi32> -> vector<16xf32>
      %max3A_456 = arith.maximumf %max3A_449, %gather3A_455 : vector<16xf32>
      %xor3A_457 = arith.constant 4 : i32
      %xor3A_458 = vector.broadcast %xor3A_457 : i32 to vector<16xi32>
      %xor3A_459 = arith.xori %iota3A, %xor3A_458 : vector<16xi32>
      %broadcast_in_dim3A_460 = vector.shape_cast %xor3A_459 : vector<16xi32> to vector<16x1xi32>
      %gather3A_461 = vector.shape_cast %broadcast_in_dim3A_460 : vector<16x1xi32> to vector<16xi32>
      %gather3A_462 = tpu.dynamic_gather %max3A_456[%gather3A_461] in [0] : vector<16xf32>, vector<16xi32> -> vector<16xf32>
      %max3A_463 = arith.maximumf %max3A_456, %gather3A_462 : vector<16xf32>
      %xor3A_464 = arith.constant 8 : i32
      %xor3A_465 = vector.broadcast %xor3A_464 : i32 to vector<16xi32>
      %xor3A_466 = arith.xori %iota3A, %xor3A_465 : vector<16xi32>
      %broadcast_in_dim3A_467 = vector.shape_cast %xor3A_466 : vector<16xi32> to vector<16x1xi32>
      %gather3A_468 = vector.shape_cast %broadcast_in_dim3A_467 : vector<16x1xi32> to vector<16xi32>
      %gather3A_469 = tpu.dynamic_gather %max3A_463[%gather3A_468] in [0] : vector<16xf32>, vector<16xi32> -> vector<16xf32>
      %max3A_470 = arith.maximumf %max3A_463, %gather3A_469 : vector<16xf32>
      %select_n3A_471 = arith.select %eq3A_411, %max3A_470, %select_n3A_408 : vector<16xi1>, vector<16xf32>
      %eq3A_472 = arith.constant 7 : i32
      %eq3A_473 = vector.broadcast %eq3A_472 : i32 to vector<16xi32>
      %eq3A_474 = arith.cmpi eq, %iota3A, %eq3A_473 : vector<16xi32>
      %get3A_475 = arith.constant 896 : index
      %get3A_476 = tpu.vector_load %arg4[%get3A_475] {strides = array<i32>} : memref<2048xf32, #tpu.memory_space<vmem>>, vector<16xf32>,
      %get3A_477 = vector.shape_cast %get3A_476 : vector<16xf32> to vector<16xf32>
      %get3A_478 = arith.constant 912 : index
      %get3A_479 = tpu.vector_load %arg4[%get3A_478] {strides = array<i32>} : memref<2048xf32, #tpu.memory_space<vmem>>, vector<16xf32>,
      %get3A_480 = vector.shape_cast %get3A_479 : vector<16xf32> to vector<16xf32>
      %max3A_481 = arith.maximumf %get3A_477, %get3A_480 : vector<16xf32>
      %get3A_482 = arith.constant 928 : index
      %get3A_483 = tpu.vector_load %arg4[%get3A_482] {strides = array<i32>} : memref<2048xf32, #tpu.memory_space<vmem>>, vector<16xf32>,
      %get3A_484 = vector.shape_cast %get3A_483 : vector<16xf32> to vector<16xf32>
      %max3A_485 = arith.maximumf %max3A_481, %get3A_484 : vector<16xf32>
      %get3A_486 = arith.constant 944 : index
      %get3A_487 = tpu.vector_load %arg4[%get3A_486] {strides = array<i32>} : memref<2048xf32, #tpu.memory_space<vmem>>, vector<16xf32>,
      %get3A_488 = vector.shape_cast %get3A_487 : vector<16xf32> to vector<16xf32>
      %max3A_489 = arith.maximumf %max3A_485, %get3A_488 : vector<16xf32>
      %get3A_490 = arith.constant 960 : index
      %get3A_491 = tpu.vector_load %arg4[%get3A_490] {strides = array<i32>} : memref<2048xf32, #tpu.memory_space<vmem>>, vector<16xf32>,
      %get3A_492 = vector.shape_cast %get3A_491 : vector<16xf32> to vector<16xf32>
      %max3A_493 = arith.maximumf %max3A_489, %get3A_492 : vector<16xf32>
      %get3A_494 = arith.constant 976 : index
      %get3A_495 = tpu.vector_load %arg4[%get3A_494] {strides = array<i32>} : memref<2048xf32, #tpu.memory_space<vmem>>, vector<16xf32>,
      %get3A_496 = vector.shape_cast %get3A_495 : vector<16xf32> to vector<16xf32>
      %max3A_497 = arith.maximumf %max3A_493, %get3A_496 : vector<16xf32>
      %get3A_498 = arith.constant 992 : index
      %get3A_499 = tpu.vector_load %arg4[%get3A_498] {strides = array<i32>} : memref<2048xf32, #tpu.memory_space<vmem>>, vector<16xf32>,
      %get3A_500 = vector.shape_cast %get3A_499 : vector<16xf32> to vector<16xf32>
      %max3A_501 = arith.maximumf %max3A_497, %get3A_500 : vector<16xf32>
      %get3A_502 = arith.constant 1008 : index
      %get3A_503 = tpu.vector_load %arg4[%get3A_502] {strides = array<i32>} : memref<2048xf32, #tpu.memory_space<vmem>>, vector<16xf32>,
      %get3A_504 = vector.shape_cast %get3A_503 : vector<16xf32> to vector<16xf32>
      %max3A_505 = arith.maximumf %max3A_501, %get3A_504 : vector<16xf32>
      %xor3A_506 = arith.constant 1 : i32
      %xor3A_507 = vector.broadcast %xor3A_506 : i32 to vector<16xi32>
      %xor3A_508 = arith.xori %iota3A, %xor3A_507 : vector<16xi32>
      %broadcast_in_dim3A_509 = vector.shape_cast %xor3A_508 : vector<16xi32> to vector<16x1xi32>
      %gather3A_510 = vector.shape_cast %broadcast_in_dim3A_509 : vector<16x1xi32> to vector<16xi32>
      %gather3A_511 = tpu.dynamic_gather %max3A_505[%gather3A_510] in [0] : vector<16xf32>, vector<16xi32> -> vector<16xf32>
      %max3A_512 = arith.maximumf %max3A_505, %gather3A_511 : vector<16xf32>
      %xor3A_513 = arith.constant 2 : i32
      %xor3A_514 = vector.broadcast %xor3A_513 : i32 to vector<16xi32>
      %xor3A_515 = arith.xori %iota3A, %xor3A_514 : vector<16xi32>
      %broadcast_in_dim3A_516 = vector.shape_cast %xor3A_515 : vector<16xi32> to vector<16x1xi32>
      %gather3A_517 = vector.shape_cast %broadcast_in_dim3A_516 : vector<16x1xi32> to vector<16xi32>
      %gather3A_518 = tpu.dynamic_gather %max3A_512[%gather3A_517] in [0] : vector<16xf32>, vector<16xi32> -> vector<16xf32>
      %max3A_519 = arith.maximumf %max3A_512, %gather3A_518 : vector<16xf32>
      %xor3A_520 = arith.constant 4 : i32
      %xor3A_521 = vector.broadcast %xor3A_520 : i32 to vector<16xi32>
      %xor3A_522 = arith.xori %iota3A, %xor3A_521 : vector<16xi32>
      %broadcast_in_dim3A_523 = vector.shape_cast %xor3A_522 : vector<16xi32> to vector<16x1xi32>
      %gather3A_524 = vector.shape_cast %broadcast_in_dim3A_523 : vector<16x1xi32> to vector<16xi32>
      %gather3A_525 = tpu.dynamic_gather %max3A_519[%gather3A_524] in [0] : vector<16xf32>, vector<16xi32> -> vector<16xf32>
      %max3A_526 = arith.maximumf %max3A_519, %gather3A_525 : vector<16xf32>
      %xor3A_527 = arith.constant 8 : i32
      %xor3A_528 = vector.broadcast %xor3A_527 : i32 to vector<16xi32>
      %xor3A_529 = arith.xori %iota3A, %xor3A_528 : vector<16xi32>
      %broadcast_in_dim3A_530 = vector.shape_cast %xor3A_529 : vector<16xi32> to vector<16x1xi32>
      %gather3A_531 = vector.shape_cast %broadcast_in_dim3A_530 : vector<16x1xi32> to vector<16xi32>
      %gather3A_532 = tpu.dynamic_gather %max3A_526[%gather3A_531] in [0] : vector<16xf32>, vector<16xi32> -> vector<16xf32>
      %max3A_533 = arith.maximumf %max3A_526, %gather3A_532 : vector<16xf32>
      %select_n3A_534 = arith.select %eq3A_474, %max3A_533, %select_n3A_471 : vector<16xi1>, vector<16xf32>
      %eq3A_535 = arith.constant 8 : i32
      %eq3A_536 = vector.broadcast %eq3A_535 : i32 to vector<16xi32>
      %eq3A_537 = arith.cmpi eq, %iota3A, %eq3A_536 : vector<16xi32>
      %get3A_538 = arith.constant 1024 : index
      %get3A_539 = tpu.vector_load %arg4[%get3A_538] {strides = array<i32>} : memref<2048xf32, #tpu.memory_space<vmem>>, vector<16xf32>,
      %get3A_540 = vector.shape_cast %get3A_539 : vector<16xf32> to vector<16xf32>
      %get3A_541 = arith.constant 1040 : index
      %get3A_542 = tpu.vector_load %arg4[%get3A_541] {strides = array<i32>} : memref<2048xf32, #tpu.memory_space<vmem>>, vector<16xf32>,
      %get3A_543 = vector.shape_cast %get3A_542 : vector<16xf32> to vector<16xf32>
      %max3A_544 = arith.maximumf %get3A_540, %get3A_543 : vector<16xf32>
      %get3A_545 = arith.constant 1056 : index
      %get3A_546 = tpu.vector_load %arg4[%get3A_545] {strides = array<i32>} : memref<2048xf32, #tpu.memory_space<vmem>>, vector<16xf32>,
      %get3A_547 = vector.shape_cast %get3A_546 : vector<16xf32> to vector<16xf32>
      %max3A_548 = arith.maximumf %max3A_544, %get3A_547 : vector<16xf32>
      %get3A_549 = arith.constant 1072 : index
      %get3A_550 = tpu.vector_load %arg4[%get3A_549] {strides = array<i32>} : memref<2048xf32, #tpu.memory_space<vmem>>, vector<16xf32>,
      %get3A_551 = vector.shape_cast %get3A_550 : vector<16xf32> to vector<16xf32>
      %max3A_552 = arith.maximumf %max3A_548, %get3A_551 : vector<16xf32>
      %get3A_553 = arith.constant 1088 : index
      %get3A_554 = tpu.vector_load %arg4[%get3A_553] {strides = array<i32>} : memref<2048xf32, #tpu.memory_space<vmem>>, vector<16xf32>,
      %get3A_555 = vector.shape_cast %get3A_554 : vector<16xf32> to vector<16xf32>
      %max3A_556 = arith.maximumf %max3A_552, %get3A_555 : vector<16xf32>
      %get3A_557 = arith.constant 1104 : index
      %get3A_558 = tpu.vector_load %arg4[%get3A_557] {strides = array<i32>} : memref<2048xf32, #tpu.memory_space<vmem>>, vector<16xf32>,
      %get3A_559 = vector.shape_cast %get3A_558 : vector<16xf32> to vector<16xf32>
      %max3A_560 = arith.maximumf %max3A_556, %get3A_559 : vector<16xf32>
      %get3A_561 = arith.constant 1120 : index
      %get3A_562 = tpu.vector_load %arg4[%get3A_561] {strides = array<i32>} : memref<2048xf32, #tpu.memory_space<vmem>>, vector<16xf32>,
      %get3A_563 = vector.shape_cast %get3A_562 : vector<16xf32> to vector<16xf32>
      %max3A_564 = arith.maximumf %max3A_560, %get3A_563 : vector<16xf32>
      %get3A_565 = arith.constant 1136 : index
      %get3A_566 = tpu.vector_load %arg4[%get3A_565] {strides = array<i32>} : memref<2048xf32, #tpu.memory_space<vmem>>, vector<16xf32>,
      %get3A_567 = vector.shape_cast %get3A_566 : vector<16xf32> to vector<16xf32>
      %max3A_568 = arith.maximumf %max3A_564, %get3A_567 : vector<16xf32>
      %xor3A_569 = arith.constant 1 : i32
      %xor3A_570 = vector.broadcast %xor3A_569 : i32 to vector<16xi32>
      %xor3A_571 = arith.xori %iota3A, %xor3A_570 : vector<16xi32>
      %broadcast_in_dim3A_572 = vector.shape_cast %xor3A_571 : vector<16xi32> to vector<16x1xi32>
      %gather3A_573 = vector.shape_cast %broadcast_in_dim3A_572 : vector<16x1xi32> to vector<16xi32>
      %gather3A_574 = tpu.dynamic_gather %max3A_568[%gather3A_573] in [0] : vector<16xf32>, vector<16xi32> -> vector<16xf32>
      %max3A_575 = arith.maximumf %max3A_568, %gather3A_574 : vector<16xf32>
      %xor3A_576 = arith.constant 2 : i32
      %xor3A_577 = vector.broadcast %xor3A_576 : i32 to vector<16xi32>
      %xor3A_578 = arith.xori %iota3A, %xor3A_577 : vector<16xi32>
      %broadcast_in_dim3A_579 = vector.shape_cast %xor3A_578 : vector<16xi32> to vector<16x1xi32>
      %gather3A_580 = vector.shape_cast %broadcast_in_dim3A_579 : vector<16x1xi32> to vector<16xi32>
      %gather3A_581 = tpu.dynamic_gather %max3A_575[%gather3A_580] in [0] : vector<16xf32>, vector<16xi32> -> vector<16xf32>
      %max3A_582 = arith.maximumf %max3A_575, %gather3A_581 : vector<16xf32>
      %xor3A_583 = arith.constant 4 : i32
      %xor3A_584 = vector.broadcast %xor3A_583 : i32 to vector<16xi32>
      %xor3A_585 = arith.xori %iota3A, %xor3A_584 : vector<16xi32>
      %broadcast_in_dim3A_586 = vector.shape_cast %xor3A_585 : vector<16xi32> to vector<16x1xi32>
      %gather3A_587 = vector.shape_cast %broadcast_in_dim3A_586 : vector<16x1xi32> to vector<16xi32>
      %gather3A_588 = tpu.dynamic_gather %max3A_582[%gather3A_587] in [0] : vector<16xf32>, vector<16xi32> -> vector<16xf32>
      %max3A_589 = arith.maximumf %max3A_582, %gather3A_588 : vector<16xf32>
      %xor3A_590 = arith.constant 8 : i32
      %xor3A_591 = vector.broadcast %xor3A_590 : i32 to vector<16xi32>
      %xor3A_592 = arith.xori %iota3A, %xor3A_591 : vector<16xi32>
      %broadcast_in_dim3A_593 = vector.shape_cast %xor3A_592 : vector<16xi32> to vector<16x1xi32>
      %gather3A_594 = vector.shape_cast %broadcast_in_dim3A_593 : vector<16x1xi32> to vector<16xi32>
      %gather3A_595 = tpu.dynamic_gather %max3A_589[%gather3A_594] in [0] : vector<16xf32>, vector<16xi32> -> vector<16xf32>
      %max3A_596 = arith.maximumf %max3A_589, %gather3A_595 : vector<16xf32>
      %select_n3A_597 = arith.select %eq3A_537, %max3A_596, %select_n3A_534 : vector<16xi1>, vector<16xf32>
      %eq3A_598 = arith.constant 9 : i32
      %eq3A_599 = vector.broadcast %eq3A_598 : i32 to vector<16xi32>
      %eq3A_600 = arith.cmpi eq, %iota3A, %eq3A_599 : vector<16xi32>
      %get3A_601 = arith.constant 1152 : index
      %get3A_602 = tpu.vector_load %arg4[%get3A_601] {strides = array<i32>} : memref<2048xf32, #tpu.memory_space<vmem>>, vector<16xf32>,
      %get3A_603 = vector.shape_cast %get3A_602 : vector<16xf32> to vector<16xf32>
      %get3A_604 = arith.constant 1168 : index
      %get3A_605 = tpu.vector_load %arg4[%get3A_604] {strides = array<i32>} : memref<2048xf32, #tpu.memory_space<vmem>>, vector<16xf32>,
      %get3A_606 = vector.shape_cast %get3A_605 : vector<16xf32> to vector<16xf32>
      %max3A_607 = arith.maximumf %get3A_603, %get3A_606 : vector<16xf32>
      %get3A_608 = arith.constant 1184 : index
      %get3A_609 = tpu.vector_load %arg4[%get3A_608] {strides = array<i32>} : memref<2048xf32, #tpu.memory_space<vmem>>, vector<16xf32>,
      %get3A_610 = vector.shape_cast %get3A_609 : vector<16xf32> to vector<16xf32>
      %max3A_611 = arith.maximumf %max3A_607, %get3A_610 : vector<16xf32>
      %get3A_612 = arith.constant 1200 : index
      %get3A_613 = tpu.vector_load %arg4[%get3A_612] {strides = array<i32>} : memref<2048xf32, #tpu.memory_space<vmem>>, vector<16xf32>,
      %get3A_614 = vector.shape_cast %get3A_613 : vector<16xf32> to vector<16xf32>
      %max3A_615 = arith.maximumf %max3A_611, %get3A_614 : vector<16xf32>
      %get3A_616 = arith.constant 1216 : index
      %get3A_617 = tpu.vector_load %arg4[%get3A_616] {strides = array<i32>} : memref<2048xf32, #tpu.memory_space<vmem>>, vector<16xf32>,
      %get3A_618 = vector.shape_cast %get3A_617 : vector<16xf32> to vector<16xf32>
      %max3A_619 = arith.maximumf %max3A_615, %get3A_618 : vector<16xf32>
      %get3A_620 = arith.constant 1232 : index
      %get3A_621 = tpu.vector_load %arg4[%get3A_620] {strides = array<i32>} : memref<2048xf32, #tpu.memory_space<vmem>>, vector<16xf32>,
      %get3A_622 = vector.shape_cast %get3A_621 : vector<16xf32> to vector<16xf32>
      %max3A_623 = arith.maximumf %max3A_619, %get3A_622 : vector<16xf32>
      %get3A_624 = arith.constant 1248 : index
      %get3A_625 = tpu.vector_load %arg4[%get3A_624] {strides = array<i32>} : memref<2048xf32, #tpu.memory_space<vmem>>, vector<16xf32>,
      %get3A_626 = vector.shape_cast %get3A_625 : vector<16xf32> to vector<16xf32>
      %max3A_627 = arith.maximumf %max3A_623, %get3A_626 : vector<16xf32>
      %get3A_628 = arith.constant 1264 : index
      %get3A_629 = tpu.vector_load %arg4[%get3A_628] {strides = array<i32>} : memref<2048xf32, #tpu.memory_space<vmem>>, vector<16xf32>,
      %get3A_630 = vector.shape_cast %get3A_629 : vector<16xf32> to vector<16xf32>
      %max3A_631 = arith.maximumf %max3A_627, %get3A_630 : vector<16xf32>
      %xor3A_632 = arith.constant 1 : i32
      %xor3A_633 = vector.broadcast %xor3A_632 : i32 to vector<16xi32>
      %xor3A_634 = arith.xori %iota3A, %xor3A_633 : vector<16xi32>
      %broadcast_in_dim3A_635 = vector.shape_cast %xor3A_634 : vector<16xi32> to vector<16x1xi32>
      %gather3A_636 = vector.shape_cast %broadcast_in_dim3A_635 : vector<16x1xi32> to vector<16xi32>
      %gather3A_637 = tpu.dynamic_gather %max3A_631[%gather3A_636] in [0] : vector<16xf32>, vector<16xi32> -> vector<16xf32>
      %max3A_638 = arith.maximumf %max3A_631, %gather3A_637 : vector<16xf32>
      %xor3A_639 = arith.constant 2 : i32
      %xor3A_640 = vector.broadcast %xor3A_639 : i32 to vector<16xi32>
      %xor3A_641 = arith.xori %iota3A, %xor3A_640 : vector<16xi32>
      %broadcast_in_dim3A_642 = vector.shape_cast %xor3A_641 : vector<16xi32> to vector<16x1xi32>
      %gather3A_643 = vector.shape_cast %broadcast_in_dim3A_642 : vector<16x1xi32> to vector<16xi32>
      %gather3A_644 = tpu.dynamic_gather %max3A_638[%gather3A_643] in [0] : vector<16xf32>, vector<16xi32> -> vector<16xf32>
      %max3A_645 = arith.maximumf %max3A_638, %gather3A_644 : vector<16xf32>
      %xor3A_646 = arith.constant 4 : i32
      %xor3A_647 = vector.broadcast %xor3A_646 : i32 to vector<16xi32>
      %xor3A_648 = arith.xori %iota3A, %xor3A_647 : vector<16xi32>
      %broadcast_in_dim3A_649 = vector.shape_cast %xor3A_648 : vector<16xi32> to vector<16x1xi32>
      %gather3A_650 = vector.shape_cast %broadcast_in_dim3A_649 : vector<16x1xi32> to vector<16xi32>
      %gather3A_651 = tpu.dynamic_gather %max3A_645[%gather3A_650] in [0] : vector<16xf32>, vector<16xi32> -> vector<16xf32>
      %max3A_652 = arith.maximumf %max3A_645, %gather3A_651 : vector<16xf32>
      %xor3A_653 = arith.constant 8 : i32
      %xor3A_654 = vector.broadcast %xor3A_653 : i32 to vector<16xi32>
      %xor3A_655 = arith.xori %iota3A, %xor3A_654 : vector<16xi32>
      %broadcast_in_dim3A_656 = vector.shape_cast %xor3A_655 : vector<16xi32> to vector<16x1xi32>
      %gather3A_657 = vector.shape_cast %broadcast_in_dim3A_656 : vector<16x1xi32> to vector<16xi32>
      %gather3A_658 = tpu.dynamic_gather %max3A_652[%gather3A_657] in [0] : vector<16xf32>, vector<16xi32> -> vector<16xf32>
      %max3A_659 = arith.maximumf %max3A_652, %gather3A_658 : vector<16xf32>
      %select_n3A_660 = arith.select %eq3A_600, %max3A_659, %select_n3A_597 : vector<16xi1>, vector<16xf32>
      %eq3A_661 = arith.constant 10 : i32
      %eq3A_662 = vector.broadcast %eq3A_661 : i32 to vector<16xi32>
      %eq3A_663 = arith.cmpi eq, %iota3A, %eq3A_662 : vector<16xi32>
      %get3A_664 = arith.constant 1280 : index
      %get3A_665 = tpu.vector_load %arg4[%get3A_664] {strides = array<i32>} : memref<2048xf32, #tpu.memory_space<vmem>>, vector<16xf32>,
      %get3A_666 = vector.shape_cast %get3A_665 : vector<16xf32> to vector<16xf32>
      %get3A_667 = arith.constant 1296 : index
      %get3A_668 = tpu.vector_load %arg4[%get3A_667] {strides = array<i32>} : memref<2048xf32, #tpu.memory_space<vmem>>, vector<16xf32>,
      %get3A_669 = vector.shape_cast %get3A_668 : vector<16xf32> to vector<16xf32>
      %max3A_670 = arith.maximumf %get3A_666, %get3A_669 : vector<16xf32>
      %get3A_671 = arith.constant 1312 : index
      %get3A_672 = tpu.vector_load %arg4[%get3A_671] {strides = array<i32>} : memref<2048xf32, #tpu.memory_space<vmem>>, vector<16xf32>,
      %get3A_673 = vector.shape_cast %get3A_672 : vector<16xf32> to vector<16xf32>
      %max3A_674 = arith.maximumf %max3A_670, %get3A_673 : vector<16xf32>
      %get3A_675 = arith.constant 1328 : index
      %get3A_676 = tpu.vector_load %arg4[%get3A_675] {strides = array<i32>} : memref<2048xf32, #tpu.memory_space<vmem>>, vector<16xf32>,
      %get3A_677 = vector.shape_cast %get3A_676 : vector<16xf32> to vector<16xf32>
      %max3A_678 = arith.maximumf %max3A_674, %get3A_677 : vector<16xf32>
      %get3A_679 = arith.constant 1344 : index
      %get3A_680 = tpu.vector_load %arg4[%get3A_679] {strides = array<i32>} : memref<2048xf32, #tpu.memory_space<vmem>>, vector<16xf32>,
      %get3A_681 = vector.shape_cast %get3A_680 : vector<16xf32> to vector<16xf32>
      %max3A_682 = arith.maximumf %max3A_678, %get3A_681 : vector<16xf32>
      %get3A_683 = arith.constant 1360 : index
      %get3A_684 = tpu.vector_load %arg4[%get3A_683] {strides = array<i32>} : memref<2048xf32, #tpu.memory_space<vmem>>, vector<16xf32>,
      %get3A_685 = vector.shape_cast %get3A_684 : vector<16xf32> to vector<16xf32>
      %max3A_686 = arith.maximumf %max3A_682, %get3A_685 : vector<16xf32>
      %get3A_687 = arith.constant 1376 : index
      %get3A_688 = tpu.vector_load %arg4[%get3A_687] {strides = array<i32>} : memref<2048xf32, #tpu.memory_space<vmem>>, vector<16xf32>,
      %get3A_689 = vector.shape_cast %get3A_688 : vector<16xf32> to vector<16xf32>
      %max3A_690 = arith.maximumf %max3A_686, %get3A_689 : vector<16xf32>
      %get3A_691 = arith.constant 1392 : index
      %get3A_692 = tpu.vector_load %arg4[%get3A_691] {strides = array<i32>} : memref<2048xf32, #tpu.memory_space<vmem>>, vector<16xf32>,
      %get3A_693 = vector.shape_cast %get3A_692 : vector<16xf32> to vector<16xf32>
      %max3A_694 = arith.maximumf %max3A_690, %get3A_693 : vector<16xf32>
      %xor3A_695 = arith.constant 1 : i32
      %xor3A_696 = vector.broadcast %xor3A_695 : i32 to vector<16xi32>
      %xor3A_697 = arith.xori %iota3A, %xor3A_696 : vector<16xi32>
      %broadcast_in_dim3A_698 = vector.shape_cast %xor3A_697 : vector<16xi32> to vector<16x1xi32>
      %gather3A_699 = vector.shape_cast %broadcast_in_dim3A_698 : vector<16x1xi32> to vector<16xi32>
      %gather3A_700 = tpu.dynamic_gather %max3A_694[%gather3A_699] in [0] : vector<16xf32>, vector<16xi32> -> vector<16xf32>
      %max3A_701 = arith.maximumf %max3A_694, %gather3A_700 : vector<16xf32>
      %xor3A_702 = arith.constant 2 : i32
      %xor3A_703 = vector.broadcast %xor3A_702 : i32 to vector<16xi32>
      %xor3A_704 = arith.xori %iota3A, %xor3A_703 : vector<16xi32>
      %broadcast_in_dim3A_705 = vector.shape_cast %xor3A_704 : vector<16xi32> to vector<16x1xi32>
      %gather3A_706 = vector.shape_cast %broadcast_in_dim3A_705 : vector<16x1xi32> to vector<16xi32>
      %gather3A_707 = tpu.dynamic_gather %max3A_701[%gather3A_706] in [0] : vector<16xf32>, vector<16xi32> -> vector<16xf32>
      %max3A_708 = arith.maximumf %max3A_701, %gather3A_707 : vector<16xf32>
      %xor3A_709 = arith.constant 4 : i32
      %xor3A_710 = vector.broadcast %xor3A_709 : i32 to vector<16xi32>
      %xor3A_711 = arith.xori %iota3A, %xor3A_710 : vector<16xi32>
      %broadcast_in_dim3A_712 = vector.shape_cast %xor3A_711 : vector<16xi32> to vector<16x1xi32>
      %gather3A_713 = vector.shape_cast %broadcast_in_dim3A_712 : vector<16x1xi32> to vector<16xi32>
      %gather3A_714 = tpu.dynamic_gather %max3A_708[%gather3A_713] in [0] : vector<16xf32>, vector<16xi32> -> vector<16xf32>
      %max3A_715 = arith.maximumf %max3A_708, %gather3A_714 : vector<16xf32>
      %xor3A_716 = arith.constant 8 : i32
      %xor3A_717 = vector.broadcast %xor3A_716 : i32 to vector<16xi32>
      %xor3A_718 = arith.xori %iota3A, %xor3A_717 : vector<16xi32>
      %broadcast_in_dim3A_719 = vector.shape_cast %xor3A_718 : vector<16xi32> to vector<16x1xi32>
      %gather3A_720 = vector.shape_cast %broadcast_in_dim3A_719 : vector<16x1xi32> to vector<16xi32>
      %gather3A_721 = tpu.dynamic_gather %max3A_715[%gather3A_720] in [0] : vector<16xf32>, vector<16xi32> -> vector<16xf32>
      %max3A_722 = arith.maximumf %max3A_715, %gather3A_721 : vector<16xf32>
      %select_n3A_723 = arith.select %eq3A_663, %max3A_722, %select_n3A_660 : vector<16xi1>, vector<16xf32>
      %eq3A_724 = arith.constant 11 : i32
      %eq3A_725 = vector.broadcast %eq3A_724 : i32 to vector<16xi32>
      %eq3A_726 = arith.cmpi eq, %iota3A, %eq3A_725 : vector<16xi32>
      %get3A_727 = arith.constant 1408 : index
      %get3A_728 = tpu.vector_load %arg4[%get3A_727] {strides = array<i32>} : memref<2048xf32, #tpu.memory_space<vmem>>, vector<16xf32>,
      %get3A_729 = vector.shape_cast %get3A_728 : vector<16xf32> to vector<16xf32>
      %get3A_730 = arith.constant 1424 : index
      %get3A_731 = tpu.vector_load %arg4[%get3A_730] {strides = array<i32>} : memref<2048xf32, #tpu.memory_space<vmem>>, vector<16xf32>,
      %get3A_732 = vector.shape_cast %get3A_731 : vector<16xf32> to vector<16xf32>
      %max3A_733 = arith.maximumf %get3A_729, %get3A_732 : vector<16xf32>
      %get3A_734 = arith.constant 1440 : index
      %get3A_735 = tpu.vector_load %arg4[%get3A_734] {strides = array<i32>} : memref<2048xf32, #tpu.memory_space<vmem>>, vector<16xf32>,
      %get3A_736 = vector.shape_cast %get3A_735 : vector<16xf32> to vector<16xf32>
      %max3A_737 = arith.maximumf %max3A_733, %get3A_736 : vector<16xf32>
      %get3A_738 = arith.constant 1456 : index
      %get3A_739 = tpu.vector_load %arg4[%get3A_738] {strides = array<i32>} : memref<2048xf32, #tpu.memory_space<vmem>>, vector<16xf32>,
      %get3A_740 = vector.shape_cast %get3A_739 : vector<16xf32> to vector<16xf32>
      %max3A_741 = arith.maximumf %max3A_737, %get3A_740 : vector<16xf32>
      %get3A_742 = arith.constant 1472 : index
      %get3A_743 = tpu.vector_load %arg4[%get3A_742] {strides = array<i32>} : memref<2048xf32, #tpu.memory_space<vmem>>, vector<16xf32>,
      %get3A_744 = vector.shape_cast %get3A_743 : vector<16xf32> to vector<16xf32>
      %max3A_745 = arith.maximumf %max3A_741, %get3A_744 : vector<16xf32>
      %get3A_746 = arith.constant 1488 : index
      %get3A_747 = tpu.vector_load %arg4[%get3A_746] {strides = array<i32>} : memref<2048xf32, #tpu.memory_space<vmem>>, vector<16xf32>,
      %get3A_748 = vector.shape_cast %get3A_747 : vector<16xf32> to vector<16xf32>
      %max3A_749 = arith.maximumf %max3A_745, %get3A_748 : vector<16xf32>
      %get3A_750 = arith.constant 1504 : index
      %get3A_751 = tpu.vector_load %arg4[%get3A_750] {strides = array<i32>} : memref<2048xf32, #tpu.memory_space<vmem>>, vector<16xf32>,
      %get3A_752 = vector.shape_cast %get3A_751 : vector<16xf32> to vector<16xf32>
      %max3A_753 = arith.maximumf %max3A_749, %get3A_752 : vector<16xf32>
      %get3A_754 = arith.constant 1520 : index
      %get3A_755 = tpu.vector_load %arg4[%get3A_754] {strides = array<i32>} : memref<2048xf32, #tpu.memory_space<vmem>>, vector<16xf32>,
      %get3A_756 = vector.shape_cast %get3A_755 : vector<16xf32> to vector<16xf32>
      %max3A_757 = arith.maximumf %max3A_753, %get3A_756 : vector<16xf32>
      %xor3A_758 = arith.constant 1 : i32
      %xor3A_759 = vector.broadcast %xor3A_758 : i32 to vector<16xi32>
      %xor3A_760 = arith.xori %iota3A, %xor3A_759 : vector<16xi32>
      %broadcast_in_dim3A_761 = vector.shape_cast %xor3A_760 : vector<16xi32> to vector<16x1xi32>
      %gather3A_762 = vector.shape_cast %broadcast_in_dim3A_761 : vector<16x1xi32> to vector<16xi32>
      %gather3A_763 = tpu.dynamic_gather %max3A_757[%gather3A_762] in [0] : vector<16xf32>, vector<16xi32> -> vector<16xf32>
      %max3A_764 = arith.maximumf %max3A_757, %gather3A_763 : vector<16xf32>
      %xor3A_765 = arith.constant 2 : i32
      %xor3A_766 = vector.broadcast %xor3A_765 : i32 to vector<16xi32>
      %xor3A_767 = arith.xori %iota3A, %xor3A_766 : vector<16xi32>
      %broadcast_in_dim3A_768 = vector.shape_cast %xor3A_767 : vector<16xi32> to vector<16x1xi32>
      %gather3A_769 = vector.shape_cast %broadcast_in_dim3A_768 : vector<16x1xi32> to vector<16xi32>
      %gather3A_770 = tpu.dynamic_gather %max3A_764[%gather3A_769] in [0] : vector<16xf32>, vector<16xi32> -> vector<16xf32>
      %max3A_771 = arith.maximumf %max3A_764, %gather3A_770 : vector<16xf32>
      %xor3A_772 = arith.constant 4 : i32
      %xor3A_773 = vector.broadcast %xor3A_772 : i32 to vector<16xi32>
      %xor3A_774 = arith.xori %iota3A, %xor3A_773 : vector<16xi32>
      %broadcast_in_dim3A_775 = vector.shape_cast %xor3A_774 : vector<16xi32> to vector<16x1xi32>
      %gather3A_776 = vector.shape_cast %broadcast_in_dim3A_775 : vector<16x1xi32> to vector<16xi32>
      %gather3A_777 = tpu.dynamic_gather %max3A_771[%gather3A_776] in [0] : vector<16xf32>, vector<16xi32> -> vector<16xf32>
      %max3A_778 = arith.maximumf %max3A_771, %gather3A_777 : vector<16xf32>
      %xor3A_779 = arith.constant 8 : i32
      %xor3A_780 = vector.broadcast %xor3A_779 : i32 to vector<16xi32>
      %xor3A_781 = arith.xori %iota3A, %xor3A_780 : vector<16xi32>
      %broadcast_in_dim3A_782 = vector.shape_cast %xor3A_781 : vector<16xi32> to vector<16x1xi32>
      %gather3A_783 = vector.shape_cast %broadcast_in_dim3A_782 : vector<16x1xi32> to vector<16xi32>
      %gather3A_784 = tpu.dynamic_gather %max3A_778[%gather3A_783] in [0] : vector<16xf32>, vector<16xi32> -> vector<16xf32>
      %max3A_785 = arith.maximumf %max3A_778, %gather3A_784 : vector<16xf32>
      %select_n3A_786 = arith.select %eq3A_726, %max3A_785, %select_n3A_723 : vector<16xi1>, vector<16xf32>
      %eq3A_787 = arith.constant 12 : i32
      %eq3A_788 = vector.broadcast %eq3A_787 : i32 to vector<16xi32>
      %eq3A_789 = arith.cmpi eq, %iota3A, %eq3A_788 : vector<16xi32>
      %get3A_790 = arith.constant 1536 : index
      %get3A_791 = tpu.vector_load %arg4[%get3A_790] {strides = array<i32>} : memref<2048xf32, #tpu.memory_space<vmem>>, vector<16xf32>,
      %get3A_792 = vector.shape_cast %get3A_791 : vector<16xf32> to vector<16xf32>
      %get3A_793 = arith.constant 1552 : index
      %get3A_794 = tpu.vector_load %arg4[%get3A_793] {strides = array<i32>} : memref<2048xf32, #tpu.memory_space<vmem>>, vector<16xf32>,
      %get3A_795 = vector.shape_cast %get3A_794 : vector<16xf32> to vector<16xf32>
      %max3A_796 = arith.maximumf %get3A_792, %get3A_795 : vector<16xf32>
      %get3A_797 = arith.constant 1568 : index
      %get3A_798 = tpu.vector_load %arg4[%get3A_797] {strides = array<i32>} : memref<2048xf32, #tpu.memory_space<vmem>>, vector<16xf32>,
      %get3A_799 = vector.shape_cast %get3A_798 : vector<16xf32> to vector<16xf32>
      %max3A_800 = arith.maximumf %max3A_796, %get3A_799 : vector<16xf32>
      %get3A_801 = arith.constant 1584 : index
      %get3A_802 = tpu.vector_load %arg4[%get3A_801] {strides = array<i32>} : memref<2048xf32, #tpu.memory_space<vmem>>, vector<16xf32>,
      %get3A_803 = vector.shape_cast %get3A_802 : vector<16xf32> to vector<16xf32>
      %max3A_804 = arith.maximumf %max3A_800, %get3A_803 : vector<16xf32>
      %get3A_805 = arith.constant 1600 : index
      %get3A_806 = tpu.vector_load %arg4[%get3A_805] {strides = array<i32>} : memref<2048xf32, #tpu.memory_space<vmem>>, vector<16xf32>,
      %get3A_807 = vector.shape_cast %get3A_806 : vector<16xf32> to vector<16xf32>
      %max3A_808 = arith.maximumf %max3A_804, %get3A_807 : vector<16xf32>
      %get3A_809 = arith.constant 1616 : index
      %get3A_810 = tpu.vector_load %arg4[%get3A_809] {strides = array<i32>} : memref<2048xf32, #tpu.memory_space<vmem>>, vector<16xf32>,
      %get3A_811 = vector.shape_cast %get3A_810 : vector<16xf32> to vector<16xf32>
      %max3A_812 = arith.maximumf %max3A_808, %get3A_811 : vector<16xf32>
      %get3A_813 = arith.constant 1632 : index
      %get3A_814 = tpu.vector_load %arg4[%get3A_813] {strides = array<i32>} : memref<2048xf32, #tpu.memory_space<vmem>>, vector<16xf32>,
      %get3A_815 = vector.shape_cast %get3A_814 : vector<16xf32> to vector<16xf32>
      %max3A_816 = arith.maximumf %max3A_812, %get3A_815 : vector<16xf32>
      %get3A_817 = arith.constant 1648 : index
      %get3A_818 = tpu.vector_load %arg4[%get3A_817] {strides = array<i32>} : memref<2048xf32, #tpu.memory_space<vmem>>, vector<16xf32>,
      %get3A_819 = vector.shape_cast %get3A_818 : vector<16xf32> to vector<16xf32>
      %max3A_820 = arith.maximumf %max3A_816, %get3A_819 : vector<16xf32>
      %xor3A_821 = arith.constant 1 : i32
      %xor3A_822 = vector.broadcast %xor3A_821 : i32 to vector<16xi32>
      %xor3A_823 = arith.xori %iota3A, %xor3A_822 : vector<16xi32>
      %broadcast_in_dim3A_824 = vector.shape_cast %xor3A_823 : vector<16xi32> to vector<16x1xi32>
      %gather3A_825 = vector.shape_cast %broadcast_in_dim3A_824 : vector<16x1xi32> to vector<16xi32>
      %gather3A_826 = tpu.dynamic_gather %max3A_820[%gather3A_825] in [0] : vector<16xf32>, vector<16xi32> -> vector<16xf32>
      %max3A_827 = arith.maximumf %max3A_820, %gather3A_826 : vector<16xf32>
      %xor3A_828 = arith.constant 2 : i32
      %xor3A_829 = vector.broadcast %xor3A_828 : i32 to vector<16xi32>
      %xor3A_830 = arith.xori %iota3A, %xor3A_829 : vector<16xi32>
      %broadcast_in_dim3A_831 = vector.shape_cast %xor3A_830 : vector<16xi32> to vector<16x1xi32>
      %gather3A_832 = vector.shape_cast %broadcast_in_dim3A_831 : vector<16x1xi32> to vector<16xi32>
      %gather3A_833 = tpu.dynamic_gather %max3A_827[%gather3A_832] in [0] : vector<16xf32>, vector<16xi32> -> vector<16xf32>
      %max3A_834 = arith.maximumf %max3A_827, %gather3A_833 : vector<16xf32>
      %xor3A_835 = arith.constant 4 : i32
      %xor3A_836 = vector.broadcast %xor3A_835 : i32 to vector<16xi32>
      %xor3A_837 = arith.xori %iota3A, %xor3A_836 : vector<16xi32>
      %broadcast_in_dim3A_838 = vector.shape_cast %xor3A_837 : vector<16xi32> to vector<16x1xi32>
      %gather3A_839 = vector.shape_cast %broadcast_in_dim3A_838 : vector<16x1xi32> to vector<16xi32>
      %gather3A_840 = tpu.dynamic_gather %max3A_834[%gather3A_839] in [0] : vector<16xf32>, vector<16xi32> -> vector<16xf32>
      %max3A_841 = arith.maximumf %max3A_834, %gather3A_840 : vector<16xf32>
      %xor3A_842 = arith.constant 8 : i32
      %xor3A_843 = vector.broadcast %xor3A_842 : i32 to vector<16xi32>
      %xor3A_844 = arith.xori %iota3A, %xor3A_843 : vector<16xi32>
      %broadcast_in_dim3A_845 = vector.shape_cast %xor3A_844 : vector<16xi32> to vector<16x1xi32>
      %gather3A_846 = vector.shape_cast %broadcast_in_dim3A_845 : vector<16x1xi32> to vector<16xi32>
      %gather3A_847 = tpu.dynamic_gather %max3A_841[%gather3A_846] in [0] : vector<16xf32>, vector<16xi32> -> vector<16xf32>
      %max3A_848 = arith.maximumf %max3A_841, %gather3A_847 : vector<16xf32>
      %select_n3A_849 = arith.select %eq3A_789, %max3A_848, %select_n3A_786 : vector<16xi1>, vector<16xf32>
      %eq3A_850 = arith.constant 13 : i32
      %eq3A_851 = vector.broadcast %eq3A_850 : i32 to vector<16xi32>
      %eq3A_852 = arith.cmpi eq, %iota3A, %eq3A_851 : vector<16xi32>
      %get3A_853 = arith.constant 1664 : index
      %get3A_854 = tpu.vector_load %arg4[%get3A_853] {strides = array<i32>} : memref<2048xf32, #tpu.memory_space<vmem>>, vector<16xf32>,
      %get3A_855 = vector.shape_cast %get3A_854 : vector<16xf32> to vector<16xf32>
      %get3A_856 = arith.constant 1680 : index
      %get3A_857 = tpu.vector_load %arg4[%get3A_856] {strides = array<i32>} : memref<2048xf32, #tpu.memory_space<vmem>>, vector<16xf32>,
      %get3A_858 = vector.shape_cast %get3A_857 : vector<16xf32> to vector<16xf32>
      %max3A_859 = arith.maximumf %get3A_855, %get3A_858 : vector<16xf32>
      %get3A_860 = arith.constant 1696 : index
      %get3A_861 = tpu.vector_load %arg4[%get3A_860] {strides = array<i32>} : memref<2048xf32, #tpu.memory_space<vmem>>, vector<16xf32>,
      %get3A_862 = vector.shape_cast %get3A_861 : vector<16xf32> to vector<16xf32>
      %max3A_863 = arith.maximumf %max3A_859, %get3A_862 : vector<16xf32>
      %get3A_864 = arith.constant 1712 : index
      %get3A_865 = tpu.vector_load %arg4[%get3A_864] {strides = array<i32>} : memref<2048xf32, #tpu.memory_space<vmem>>, vector<16xf32>,
      %get3A_866 = vector.shape_cast %get3A_865 : vector<16xf32> to vector<16xf32>
      %max3A_867 = arith.maximumf %max3A_863, %get3A_866 : vector<16xf32>
      %get3A_868 = arith.constant 1728 : index
      %get3A_869 = tpu.vector_load %arg4[%get3A_868] {strides = array<i32>} : memref<2048xf32, #tpu.memory_space<vmem>>, vector<16xf32>,
      %get3A_870 = vector.shape_cast %get3A_869 : vector<16xf32> to vector<16xf32>
      %max3A_871 = arith.maximumf %max3A_867, %get3A_870 : vector<16xf32>
      %get3A_872 = arith.constant 1744 : index
      %get3A_873 = tpu.vector_load %arg4[%get3A_872] {strides = array<i32>} : memref<2048xf32, #tpu.memory_space<vmem>>, vector<16xf32>,
      %get3A_874 = vector.shape_cast %get3A_873 : vector<16xf32> to vector<16xf32>
      %max3A_875 = arith.maximumf %max3A_871, %get3A_874 : vector<16xf32>
      %get3A_876 = arith.constant 1760 : index
      %get3A_877 = tpu.vector_load %arg4[%get3A_876] {strides = array<i32>} : memref<2048xf32, #tpu.memory_space<vmem>>, vector<16xf32>,
      %get3A_878 = vector.shape_cast %get3A_877 : vector<16xf32> to vector<16xf32>
      %max3A_879 = arith.maximumf %max3A_875, %get3A_878 : vector<16xf32>
      %get3A_880 = arith.constant 1776 : index
      %get3A_881 = tpu.vector_load %arg4[%get3A_880] {strides = array<i32>} : memref<2048xf32, #tpu.memory_space<vmem>>, vector<16xf32>,
      %get3A_882 = vector.shape_cast %get3A_881 : vector<16xf32> to vector<16xf32>
      %max3A_883 = arith.maximumf %max3A_879, %get3A_882 : vector<16xf32>
      %xor3A_884 = arith.constant 1 : i32
      %xor3A_885 = vector.broadcast %xor3A_884 : i32 to vector<16xi32>
      %xor3A_886 = arith.xori %iota3A, %xor3A_885 : vector<16xi32>
      %broadcast_in_dim3A_887 = vector.shape_cast %xor3A_886 : vector<16xi32> to vector<16x1xi32>
      %gather3A_888 = vector.shape_cast %broadcast_in_dim3A_887 : vector<16x1xi32> to vector<16xi32>
      %gather3A_889 = tpu.dynamic_gather %max3A_883[%gather3A_888] in [0] : vector<16xf32>, vector<16xi32> -> vector<16xf32>
      %max3A_890 = arith.maximumf %max3A_883, %gather3A_889 : vector<16xf32>
      %xor3A_891 = arith.constant 2 : i32
      %xor3A_892 = vector.broadcast %xor3A_891 : i32 to vector<16xi32>
      %xor3A_893 = arith.xori %iota3A, %xor3A_892 : vector<16xi32>
      %broadcast_in_dim3A_894 = vector.shape_cast %xor3A_893 : vector<16xi32> to vector<16x1xi32>
      %gather3A_895 = vector.shape_cast %broadcast_in_dim3A_894 : vector<16x1xi32> to vector<16xi32>
      %gather3A_896 = tpu.dynamic_gather %max3A_890[%gather3A_895] in [0] : vector<16xf32>, vector<16xi32> -> vector<16xf32>
      %max3A_897 = arith.maximumf %max3A_890, %gather3A_896 : vector<16xf32>
      %xor3A_898 = arith.constant 4 : i32
      %xor3A_899 = vector.broadcast %xor3A_898 : i32 to vector<16xi32>
      %xor3A_900 = arith.xori %iota3A, %xor3A_899 : vector<16xi32>
      %broadcast_in_dim3A_901 = vector.shape_cast %xor3A_900 : vector<16xi32> to vector<16x1xi32>
      %gather3A_902 = vector.shape_cast %broadcast_in_dim3A_901 : vector<16x1xi32> to vector<16xi32>
      %gather3A_903 = tpu.dynamic_gather %max3A_897[%gather3A_902] in [0] : vector<16xf32>, vector<16xi32> -> vector<16xf32>
      %max3A_904 = arith.maximumf %max3A_897, %gather3A_903 : vector<16xf32>
      %xor3A_905 = arith.constant 8 : i32
      %xor3A_906 = vector.broadcast %xor3A_905 : i32 to vector<16xi32>
      %xor3A_907 = arith.xori %iota3A, %xor3A_906 : vector<16xi32>
      %broadcast_in_dim3A_908 = vector.shape_cast %xor3A_907 : vector<16xi32> to vector<16x1xi32>
      %gather3A_909 = vector.shape_cast %broadcast_in_dim3A_908 : vector<16x1xi32> to vector<16xi32>
      %gather3A_910 = tpu.dynamic_gather %max3A_904[%gather3A_909] in [0] : vector<16xf32>, vector<16xi32> -> vector<16xf32>
      %max3A_911 = arith.maximumf %max3A_904, %gather3A_910 : vector<16xf32>
      %select_n3A_912 = arith.select %eq3A_852, %max3A_911, %select_n3A_849 : vector<16xi1>, vector<16xf32>
      %eq3A_913 = arith.constant 14 : i32
      %eq3A_914 = vector.broadcast %eq3A_913 : i32 to vector<16xi32>
      %eq3A_915 = arith.cmpi eq, %iota3A, %eq3A_914 : vector<16xi32>
      %get3A_916 = arith.constant 1792 : index
      %get3A_917 = tpu.vector_load %arg4[%get3A_916] {strides = array<i32>} : memref<2048xf32, #tpu.memory_space<vmem>>, vector<16xf32>,
      %get3A_918 = vector.shape_cast %get3A_917 : vector<16xf32> to vector<16xf32>
      %get3A_919 = arith.constant 1808 : index
      %get3A_920 = tpu.vector_load %arg4[%get3A_919] {strides = array<i32>} : memref<2048xf32, #tpu.memory_space<vmem>>, vector<16xf32>,
      %get3A_921 = vector.shape_cast %get3A_920 : vector<16xf32> to vector<16xf32>
      %max3A_922 = arith.maximumf %get3A_918, %get3A_921 : vector<16xf32>
      %get3A_923 = arith.constant 1824 : index
      %get3A_924 = tpu.vector_load %arg4[%get3A_923] {strides = array<i32>} : memref<2048xf32, #tpu.memory_space<vmem>>, vector<16xf32>,
      %get3A_925 = vector.shape_cast %get3A_924 : vector<16xf32> to vector<16xf32>
      %max3A_926 = arith.maximumf %max3A_922, %get3A_925 : vector<16xf32>
      %get3A_927 = arith.constant 1840 : index
      %get3A_928 = tpu.vector_load %arg4[%get3A_927] {strides = array<i32>} : memref<2048xf32, #tpu.memory_space<vmem>>, vector<16xf32>,
      %get3A_929 = vector.shape_cast %get3A_928 : vector<16xf32> to vector<16xf32>
      %max3A_930 = arith.maximumf %max3A_926, %get3A_929 : vector<16xf32>
      %get3A_931 = arith.constant 1856 : index
      %get3A_932 = tpu.vector_load %arg4[%get3A_931] {strides = array<i32>} : memref<2048xf32, #tpu.memory_space<vmem>>, vector<16xf32>,
      %get3A_933 = vector.shape_cast %get3A_932 : vector<16xf32> to vector<16xf32>
      %max3A_934 = arith.maximumf %max3A_930, %get3A_933 : vector<16xf32>
      %get3A_935 = arith.constant 1872 : index
      %get3A_936 = tpu.vector_load %arg4[%get3A_935] {strides = array<i32>} : memref<2048xf32, #tpu.memory_space<vmem>>, vector<16xf32>,
      %get3A_937 = vector.shape_cast %get3A_936 : vector<16xf32> to vector<16xf32>
      %max3A_938 = arith.maximumf %max3A_934, %get3A_937 : vector<16xf32>
      %get3A_939 = arith.constant 1888 : index
      %get3A_940 = tpu.vector_load %arg4[%get3A_939] {strides = array<i32>} : memref<2048xf32, #tpu.memory_space<vmem>>, vector<16xf32>,
      %get3A_941 = vector.shape_cast %get3A_940 : vector<16xf32> to vector<16xf32>
      %max3A_942 = arith.maximumf %max3A_938, %get3A_941 : vector<16xf32>
      %get3A_943 = arith.constant 1904 : index
      %get3A_944 = tpu.vector_load %arg4[%get3A_943] {strides = array<i32>} : memref<2048xf32, #tpu.memory_space<vmem>>, vector<16xf32>,
      %get3A_945 = vector.shape_cast %get3A_944 : vector<16xf32> to vector<16xf32>
      %max3A_946 = arith.maximumf %max3A_942, %get3A_945 : vector<16xf32>
      %xor3A_947 = arith.constant 1 : i32
      %xor3A_948 = vector.broadcast %xor3A_947 : i32 to vector<16xi32>
      %xor3A_949 = arith.xori %iota3A, %xor3A_948 : vector<16xi32>
      %broadcast_in_dim3A_950 = vector.shape_cast %xor3A_949 : vector<16xi32> to vector<16x1xi32>
      %gather3A_951 = vector.shape_cast %broadcast_in_dim3A_950 : vector<16x1xi32> to vector<16xi32>
      %gather3A_952 = tpu.dynamic_gather %max3A_946[%gather3A_951] in [0] : vector<16xf32>, vector<16xi32> -> vector<16xf32>
      %max3A_953 = arith.maximumf %max3A_946, %gather3A_952 : vector<16xf32>
      %xor3A_954 = arith.constant 2 : i32
      %xor3A_955 = vector.broadcast %xor3A_954 : i32 to vector<16xi32>
      %xor3A_956 = arith.xori %iota3A, %xor3A_955 : vector<16xi32>
      %broadcast_in_dim3A_957 = vector.shape_cast %xor3A_956 : vector<16xi32> to vector<16x1xi32>
      %gather3A_958 = vector.shape_cast %broadcast_in_dim3A_957 : vector<16x1xi32> to vector<16xi32>
      %gather3A_959 = tpu.dynamic_gather %max3A_953[%gather3A_958] in [0] : vector<16xf32>, vector<16xi32> -> vector<16xf32>
      %max3A_960 = arith.maximumf %max3A_953, %gather3A_959 : vector<16xf32>
      %xor3A_961 = arith.constant 4 : i32
      %xor3A_962 = vector.broadcast %xor3A_961 : i32 to vector<16xi32>
      %xor3A_963 = arith.xori %iota3A, %xor3A_962 : vector<16xi32>
      %broadcast_in_dim3A_964 = vector.shape_cast %xor3A_963 : vector<16xi32> to vector<16x1xi32>
      %gather3A_965 = vector.shape_cast %broadcast_in_dim3A_964 : vector<16x1xi32> to vector<16xi32>
      %gather3A_966 = tpu.dynamic_gather %max3A_960[%gather3A_965] in [0] : vector<16xf32>, vector<16xi32> -> vector<16xf32>
      %max3A_967 = arith.maximumf %max3A_960, %gather3A_966 : vector<16xf32>
      %xor3A_968 = arith.constant 8 : i32
      %xor3A_969 = vector.broadcast %xor3A_968 : i32 to vector<16xi32>
      %xor3A_970 = arith.xori %iota3A, %xor3A_969 : vector<16xi32>
      %broadcast_in_dim3A_971 = vector.shape_cast %xor3A_970 : vector<16xi32> to vector<16x1xi32>
      %gather3A_972 = vector.shape_cast %broadcast_in_dim3A_971 : vector<16x1xi32> to vector<16xi32>
      %gather3A_973 = tpu.dynamic_gather %max3A_967[%gather3A_972] in [0] : vector<16xf32>, vector<16xi32> -> vector<16xf32>
      %max3A_974 = arith.maximumf %max3A_967, %gather3A_973 : vector<16xf32>
      %select_n3A_975 = arith.select %eq3A_915, %max3A_974, %select_n3A_912 : vector<16xi1>, vector<16xf32>
      %eq3A_976 = arith.constant 15 : i32
      %eq3A_977 = vector.broadcast %eq3A_976 : i32 to vector<16xi32>
      %eq3A_978 = arith.cmpi eq, %iota3A, %eq3A_977 : vector<16xi32>
      %get3A_979 = arith.constant 1920 : index
      %get3A_980 = tpu.vector_load %arg4[%get3A_979] {strides = array<i32>} : memref<2048xf32, #tpu.memory_space<vmem>>, vector<16xf32>,
      %get3A_981 = vector.shape_cast %get3A_980 : vector<16xf32> to vector<16xf32>
      %get3A_982 = arith.constant 1936 : index
      %get3A_983 = tpu.vector_load %arg4[%get3A_982] {strides = array<i32>} : memref<2048xf32, #tpu.memory_space<vmem>>, vector<16xf32>,
      %get3A_984 = vector.shape_cast %get3A_983 : vector<16xf32> to vector<16xf32>
      %max3A_985 = arith.maximumf %get3A_981, %get3A_984 : vector<16xf32>
      %get3A_986 = arith.constant 1952 : index
      %get3A_987 = tpu.vector_load %arg4[%get3A_986] {strides = array<i32>} : memref<2048xf32, #tpu.memory_space<vmem>>, vector<16xf32>,
      %get3A_988 = vector.shape_cast %get3A_987 : vector<16xf32> to vector<16xf32>
      %max3A_989 = arith.maximumf %max3A_985, %get3A_988 : vector<16xf32>
      %get3A_990 = arith.constant 1968 : index
      %get3A_991 = tpu.vector_load %arg4[%get3A_990] {strides = array<i32>} : memref<2048xf32, #tpu.memory_space<vmem>>, vector<16xf32>,
      %get3A_992 = vector.shape_cast %get3A_991 : vector<16xf32> to vector<16xf32>
      %max3A_993 = arith.maximumf %max3A_989, %get3A_992 : vector<16xf32>
      %get3A_994 = arith.constant 1984 : index
      %get3A_995 = tpu.vector_load %arg4[%get3A_994] {strides = array<i32>} : memref<2048xf32, #tpu.memory_space<vmem>>, vector<16xf32>,
      %get3A_996 = vector.shape_cast %get3A_995 : vector<16xf32> to vector<16xf32>
      %max3A_997 = arith.maximumf %max3A_993, %get3A_996 : vector<16xf32>
      %get3A_998 = arith.constant 2000 : index
      %get3A_999 = tpu.vector_load %arg4[%get3A_998] {strides = array<i32>} : memref<2048xf32, #tpu.memory_space<vmem>>, vector<16xf32>,
      %get3A_1000 = vector.shape_cast %get3A_999 : vector<16xf32> to vector<16xf32>
      %max3A_1001 = arith.maximumf %max3A_997, %get3A_1000 : vector<16xf32>
      %get3A_1002 = arith.constant 2016 : index
      %get3A_1003 = tpu.vector_load %arg4[%get3A_1002] {strides = array<i32>} : memref<2048xf32, #tpu.memory_space<vmem>>, vector<16xf32>,
      %get3A_1004 = vector.shape_cast %get3A_1003 : vector<16xf32> to vector<16xf32>
      %max3A_1005 = arith.maximumf %max3A_1001, %get3A_1004 : vector<16xf32>
      %get3A_1006 = arith.constant 2032 : index
      %get3A_1007 = tpu.vector_load %arg4[%get3A_1006] {strides = array<i32>} : memref<2048xf32, #tpu.memory_space<vmem>>, vector<16xf32>,
      %get3A_1008 = vector.shape_cast %get3A_1007 : vector<16xf32> to vector<16xf32>
      %max3A_1009 = arith.maximumf %max3A_1005, %get3A_1008 : vector<16xf32>
      %xor3A_1010 = arith.constant 1 : i32
      %xor3A_1011 = vector.broadcast %xor3A_1010 : i32 to vector<16xi32>
      %xor3A_1012 = arith.xori %iota3A, %xor3A_1011 : vector<16xi32>
      %broadcast_in_dim3A_1013 = vector.shape_cast %xor3A_1012 : vector<16xi32> to vector<16x1xi32>
      %gather3A_1014 = vector.shape_cast %broadcast_in_dim3A_1013 : vector<16x1xi32> to vector<16xi32>
      %gather3A_1015 = tpu.dynamic_gather %max3A_1009[%gather3A_1014] in [0] : vector<16xf32>, vector<16xi32> -> vector<16xf32>
      %max3A_1016 = arith.maximumf %max3A_1009, %gather3A_1015 : vector<16xf32>
      %xor3A_1017 = arith.constant 2 : i32
      %xor3A_1018 = vector.broadcast %xor3A_1017 : i32 to vector<16xi32>
      %xor3A_1019 = arith.xori %iota3A, %xor3A_1018 : vector<16xi32>
      %broadcast_in_dim3A_1020 = vector.shape_cast %xor3A_1019 : vector<16xi32> to vector<16x1xi32>
      %gather3A_1021 = vector.shape_cast %broadcast_in_dim3A_1020 : vector<16x1xi32> to vector<16xi32>
      %gather3A_1022 = tpu.dynamic_gather %max3A_1016[%gather3A_1021] in [0] : vector<16xf32>, vector<16xi32> -> vector<16xf32>
      %max3A_1023 = arith.maximumf %max3A_1016, %gather3A_1022 : vector<16xf32>
      %xor3A_1024 = arith.constant 4 : i32
      %xor3A_1025 = vector.broadcast %xor3A_1024 : i32 to vector<16xi32>
      %xor3A_1026 = arith.xori %iota3A, %xor3A_1025 : vector<16xi32>
      %broadcast_in_dim3A_1027 = vector.shape_cast %xor3A_1026 : vector<16xi32> to vector<16x1xi32>
      %gather3A_1028 = vector.shape_cast %broadcast_in_dim3A_1027 : vector<16x1xi32> to vector<16xi32>
      %gather3A_1029 = tpu.dynamic_gather %max3A_1023[%gather3A_1028] in [0] : vector<16xf32>, vector<16xi32> -> vector<16xf32>
      %max3A_1030 = arith.maximumf %max3A_1023, %gather3A_1029 : vector<16xf32>
      %xor3A_1031 = arith.constant 8 : i32
      %xor3A_1032 = vector.broadcast %xor3A_1031 : i32 to vector<16xi32>
      %xor3A_1033 = arith.xori %iota3A, %xor3A_1032 : vector<16xi32>
      %broadcast_in_dim3A_1034 = vector.shape_cast %xor3A_1033 : vector<16xi32> to vector<16x1xi32>
      %gather3A_1035 = vector.shape_cast %broadcast_in_dim3A_1034 : vector<16x1xi32> to vector<16xi32>
      %gather3A_1036 = tpu.dynamic_gather %max3A_1030[%gather3A_1035] in [0] : vector<16xf32>, vector<16xi32> -> vector<16xf32>
      %max3A_1037 = arith.maximumf %max3A_1030, %gather3A_1036 : vector<16xf32>
      %select_n3A_1038 = arith.select %eq3A_978, %max3A_1037, %select_n3A_975 : vector<16xi1>, vector<16xf32>
      %scan3A = arith.constant 0 : i32
      %scan3A_1039 = arith.constant 40 : i32
      %scan3A_1040 = arith.addi %scan3A, %scan3A_1039 : i32
      %scan3A_1041 = arith.constant 1 : i32
      %scan3A_1042 = scf.for %scan3A_1044 = %scan3A to %scan3A_1040 step %scan3A_1041 iter_args(%scan3A_1045 = %select_n3A_1038) -> (vector<16xf32>)  : i32 {
        %xor3A_1046 = arith.constant 1 : i32
        %xor3A_1047 = vector.broadcast %xor3A_1046 : i32 to vector<16xi32>
        %xor3A_1048 = arith.xori %iota3A, %xor3A_1047 : vector<16xi32>
        %broadcast_in_dim3A_1049 = vector.shape_cast %xor3A_1048 : vector<16xi32> to vector<16x1xi32>
        %gather3A_1050 = vector.shape_cast %broadcast_in_dim3A_1049 : vector<16x1xi32> to vector<16xi32>
        %gather3A_1051 = tpu.dynamic_gather %scan3A_1045[%gather3A_1050] in [0] : vector<16xf32>, vector<16xi32> -> vector<16xf32>
        %max3A_1052 = arith.maximumf %scan3A_1045, %gather3A_1051 : vector<16xf32>
        %xor3A_1053 = arith.constant 2 : i32
        %xor3A_1054 = vector.broadcast %xor3A_1053 : i32 to vector<16xi32>
        %xor3A_1055 = arith.xori %iota3A, %xor3A_1054 : vector<16xi32>
        %broadcast_in_dim3A_1056 = vector.shape_cast %xor3A_1055 : vector<16xi32> to vector<16x1xi32>
        %gather3A_1057 = vector.shape_cast %broadcast_in_dim3A_1056 : vector<16x1xi32> to vector<16xi32>
        %gather3A_1058 = tpu.dynamic_gather %max3A_1052[%gather3A_1057] in [0] : vector<16xf32>, vector<16xi32> -> vector<16xf32>
        %max3A_1059 = arith.maximumf %max3A_1052, %gather3A_1058 : vector<16xf32>
        %xor3A_1060 = arith.constant 4 : i32
        %xor3A_1061 = vector.broadcast %xor3A_1060 : i32 to vector<16xi32>
        %xor3A_1062 = arith.xori %iota3A, %xor3A_1061 : vector<16xi32>
        %broadcast_in_dim3A_1063 = vector.shape_cast %xor3A_1062 : vector<16xi32> to vector<16x1xi32>
        %gather3A_1064 = vector.shape_cast %broadcast_in_dim3A_1063 : vector<16x1xi32> to vector<16xi32>
        %gather3A_1065 = tpu.dynamic_gather %max3A_1059[%gather3A_1064] in [0] : vector<16xf32>, vector<16xi32> -> vector<16xf32>
        %max3A_1066 = arith.maximumf %max3A_1059, %gather3A_1065 : vector<16xf32>
        %xor3A_1067 = arith.constant 8 : i32
        %xor3A_1068 = vector.broadcast %xor3A_1067 : i32 to vector<16xi32>
        %xor3A_1069 = arith.xori %iota3A, %xor3A_1068 : vector<16xi32>
        %broadcast_in_dim3A_1070 = vector.shape_cast %xor3A_1069 : vector<16xi32> to vector<16x1xi32>
        %gather3A_1071 = vector.shape_cast %broadcast_in_dim3A_1070 : vector<16x1xi32> to vector<16xi32>
        %gather3A_1072 = tpu.dynamic_gather %max3A_1066[%gather3A_1071] in [0] : vector<16xf32>, vector<16xi32> -> vector<16xf32>
        %max3A_1073 = arith.maximumf %max3A_1066, %gather3A_1072 : vector<16xf32>
        %eq3A_1074 = arith.cmpf oeq, %scan3A_1045, %max3A_1073 : vector<16xf32>
        %jit3A = arith.constant 16 : i32
        %broadcast_in_dim3A_1075 = vector.broadcast %jit3A : i32 to vector<16xi32>
        %select_n3A_1076 = arith.select %eq3A_1074, %iota3A, %broadcast_in_dim3A_1075 : vector<16xi1>, vector<16xi32>
        %xor3A_1077 = arith.constant 1 : i32
        %xor3A_1078 = vector.broadcast %xor3A_1077 : i32 to vector<16xi32>
        %xor3A_1079 = arith.xori %iota3A, %xor3A_1078 : vector<16xi32>
        %broadcast_in_dim3A_1080 = vector.shape_cast %xor3A_1079 : vector<16xi32> to vector<16x1xi32>
        %gather3A_1081 = vector.shape_cast %broadcast_in_dim3A_1080 : vector<16x1xi32> to vector<16xi32>
        %gather3A_1082 = tpu.dynamic_gather %select_n3A_1076[%gather3A_1081] in [0] : vector<16xi32>, vector<16xi32> -> vector<16xi32>
        %min3A = arith.minsi %select_n3A_1076, %gather3A_1082 : vector<16xi32>
        %xor3A_1083 = arith.constant 2 : i32
        %xor3A_1084 = vector.broadcast %xor3A_1083 : i32 to vector<16xi32>
        %xor3A_1085 = arith.xori %iota3A, %xor3A_1084 : vector<16xi32>
        %broadcast_in_dim3A_1086 = vector.shape_cast %xor3A_1085 : vector<16xi32> to vector<16x1xi32>
        %gather3A_1087 = vector.shape_cast %broadcast_in_dim3A_1086 : vector<16x1xi32> to vector<16xi32>
        %gather3A_1088 = tpu.dynamic_gather %min3A[%gather3A_1087] in [0] : vector<16xi32>, vector<16xi32> -> vector<16xi32>
        %min3A_1089 = arith.minsi %min3A, %gather3A_1088 : vector<16xi32>
        %xor3A_1090 = arith.constant 4 : i32
        %xor3A_1091 = vector.broadcast %xor3A_1090 : i32 to vector<16xi32>
        %xor3A_1092 = arith.xori %iota3A, %xor3A_1091 : vector<16xi32>
        %broadcast_in_dim3A_1093 = vector.shape_cast %xor3A_1092 : vector<16xi32> to vector<16x1xi32>
        %gather3A_1094 = vector.shape_cast %broadcast_in_dim3A_1093 : vector<16x1xi32> to vector<16xi32>
        %gather3A_1095 = tpu.dynamic_gather %min3A_1089[%gather3A_1094] in [0] : vector<16xi32>, vector<16xi32> -> vector<16xi32>
        %min3A_1096 = arith.minsi %min3A_1089, %gather3A_1095 : vector<16xi32>
        %xor3A_1097 = arith.constant 8 : i32
        %xor3A_1098 = vector.broadcast %xor3A_1097 : i32 to vector<16xi32>
        %xor3A_1099 = arith.xori %iota3A, %xor3A_1098 : vector<16xi32>
        %broadcast_in_dim3A_1100 = vector.shape_cast %xor3A_1099 : vector<16xi32> to vector<16x1xi32>
        %gather3A_1101 = vector.shape_cast %broadcast_in_dim3A_1100 : vector<16x1xi32> to vector<16xi32>
        %gather3A_1102 = tpu.dynamic_gather %min3A_1096[%gather3A_1101] in [0] : vector<16xi32>, vector<16xi32> -> vector<16xi32>
        %min3A_1103 = arith.minsi %min3A_1096, %gather3A_1102 : vector<16xi32>
        %slice3A = vector.extract_strided_slice %min3A_1103 {offsets = [0], sizes = [1], strides = [1]} : vector<16xi32> to vector<1xi32>
        %squeeze3A = vector.extract %slice3A[0] : i32 from vector<1xi32>
        %mul3A_1104 = arith.constant 128 : i32
        %mul3A_1105 = arith.muli %squeeze3A, %mul3A_1104 : i32
        %broadcast_in_dim3A_1106 = arith.constant -1.000000e+30 : f32
        %broadcast_in_dim3A_1107 = vector.broadcast %broadcast_in_dim3A_1106 : f32 to vector<16xf32>
        %broadcast_in_dim3A_1108 = arith.constant 0 : i32
        %broadcast_in_dim3A_1109 = vector.broadcast %broadcast_in_dim3A_1108 : i32 to vector<16xi32>
        %add3A_1110 = arith.constant 0 : i32
        %add3A_1111 = arith.addi %mul3A_1105, %add3A_1110 : i32
        %get3A_1112 = arith.index_cast %add3A_1111 : i32 to index
        %get3A_1113 = tpu.vector_load %arg4[%get3A_1112] {strides = array<i32>} : memref<2048xf32, #tpu.memory_space<vmem>>, vector<16xf32>,
        %get3A_1114 = vector.shape_cast %get3A_1113 : vector<16xf32> to vector<16xf32>
        %gt3A = arith.cmpf ogt, %get3A_1114, %broadcast_in_dim3A_1107 : vector<16xf32>
        %select_n3A_1115 = arith.select %gt3A, %get3A_1114, %broadcast_in_dim3A_1107 : vector<16xi1>, vector<16xf32>
        %add3A_1116 = arith.constant 0 : i32
        %add3A_1117 = arith.addi %mul3A_1105, %add3A_1116 : i32
        %add3A_1118 = vector.broadcast %add3A_1117 : i32 to vector<16xi32>
        %add3A_1119 = arith.addi %add3A_1118, %iota3A : vector<16xi32>
        %select_n3A_1120 = arith.select %gt3A, %add3A_1119, %broadcast_in_dim3A_1109 : vector<16xi1>, vector<16xi32>
        %add3A_1121 = arith.constant 16 : i32
        %add3A_1122 = arith.addi %mul3A_1105, %add3A_1121 : i32
        %get3A_1123 = arith.index_cast %add3A_1122 : i32 to index
        %get3A_1124 = tpu.vector_load %arg4[%get3A_1123] {strides = array<i32>} : memref<2048xf32, #tpu.memory_space<vmem>>, vector<16xf32>,
        %get3A_1125 = vector.shape_cast %get3A_1124 : vector<16xf32> to vector<16xf32>
        %gt3A_1126 = arith.cmpf ogt, %get3A_1125, %select_n3A_1115 : vector<16xf32>
        %select_n3A_1127 = arith.select %gt3A_1126, %get3A_1125, %select_n3A_1115 : vector<16xi1>, vector<16xf32>
        %add3A_1128 = arith.constant 16 : i32
        %add3A_1129 = arith.addi %mul3A_1105, %add3A_1128 : i32
        %add3A_1130 = vector.broadcast %add3A_1129 : i32 to vector<16xi32>
        %add3A_1131 = arith.addi %add3A_1130, %iota3A : vector<16xi32>
        %select_n3A_1132 = arith.select %gt3A_1126, %add3A_1131, %select_n3A_1120 : vector<16xi1>, vector<16xi32>
        %add3A_1133 = arith.constant 32 : i32
        %add3A_1134 = arith.addi %mul3A_1105, %add3A_1133 : i32
        %get3A_1135 = arith.index_cast %add3A_1134 : i32 to index
        %get3A_1136 = tpu.vector_load %arg4[%get3A_1135] {strides = array<i32>} : memref<2048xf32, #tpu.memory_space<vmem>>, vector<16xf32>,
        %get3A_1137 = vector.shape_cast %get3A_1136 : vector<16xf32> to vector<16xf32>
        %gt3A_1138 = arith.cmpf ogt, %get3A_1137, %select_n3A_1127 : vector<16xf32>
        %select_n3A_1139 = arith.select %gt3A_1138, %get3A_1137, %select_n3A_1127 : vector<16xi1>, vector<16xf32>
        %add3A_1140 = arith.constant 32 : i32
        %add3A_1141 = arith.addi %mul3A_1105, %add3A_1140 : i32
        %add3A_1142 = vector.broadcast %add3A_1141 : i32 to vector<16xi32>
        %add3A_1143 = arith.addi %add3A_1142, %iota3A : vector<16xi32>
        %select_n3A_1144 = arith.select %gt3A_1138, %add3A_1143, %select_n3A_1132 : vector<16xi1>, vector<16xi32>
        %add3A_1145 = arith.constant 48 : i32
        %add3A_1146 = arith.addi %mul3A_1105, %add3A_1145 : i32
        %get3A_1147 = arith.index_cast %add3A_1146 : i32 to index
        %get3A_1148 = tpu.vector_load %arg4[%get3A_1147] {strides = array<i32>} : memref<2048xf32, #tpu.memory_space<vmem>>, vector<16xf32>,
        %get3A_1149 = vector.shape_cast %get3A_1148 : vector<16xf32> to vector<16xf32>
        %gt3A_1150 = arith.cmpf ogt, %get3A_1149, %select_n3A_1139 : vector<16xf32>
        %select_n3A_1151 = arith.select %gt3A_1150, %get3A_1149, %select_n3A_1139 : vector<16xi1>, vector<16xf32>
        %add3A_1152 = arith.constant 48 : i32
        %add3A_1153 = arith.addi %mul3A_1105, %add3A_1152 : i32
        %add3A_1154 = vector.broadcast %add3A_1153 : i32 to vector<16xi32>
        %add3A_1155 = arith.addi %add3A_1154, %iota3A : vector<16xi32>
        %select_n3A_1156 = arith.select %gt3A_1150, %add3A_1155, %select_n3A_1144 : vector<16xi1>, vector<16xi32>
        %add3A_1157 = arith.constant 64 : i32
        %add3A_1158 = arith.addi %mul3A_1105, %add3A_1157 : i32
        %get3A_1159 = arith.index_cast %add3A_1158 : i32 to index
        %get3A_1160 = tpu.vector_load %arg4[%get3A_1159] {strides = array<i32>} : memref<2048xf32, #tpu.memory_space<vmem>>, vector<16xf32>,
        %get3A_1161 = vector.shape_cast %get3A_1160 : vector<16xf32> to vector<16xf32>
        %gt3A_1162 = arith.cmpf ogt, %get3A_1161, %select_n3A_1151 : vector<16xf32>
        %select_n3A_1163 = arith.select %gt3A_1162, %get3A_1161, %select_n3A_1151 : vector<16xi1>, vector<16xf32>
        %add3A_1164 = arith.constant 64 : i32
        %add3A_1165 = arith.addi %mul3A_1105, %add3A_1164 : i32
        %add3A_1166 = vector.broadcast %add3A_1165 : i32 to vector<16xi32>
        %add3A_1167 = arith.addi %add3A_1166, %iota3A : vector<16xi32>
        %select_n3A_1168 = arith.select %gt3A_1162, %add3A_1167, %select_n3A_1156 : vector<16xi1>, vector<16xi32>
        %add3A_1169 = arith.constant 80 : i32
        %add3A_1170 = arith.addi %mul3A_1105, %add3A_1169 : i32
        %get3A_1171 = arith.index_cast %add3A_1170 : i32 to index
        %get3A_1172 = tpu.vector_load %arg4[%get3A_1171] {strides = array<i32>} : memref<2048xf32, #tpu.memory_space<vmem>>, vector<16xf32>,
        %get3A_1173 = vector.shape_cast %get3A_1172 : vector<16xf32> to vector<16xf32>
        %gt3A_1174 = arith.cmpf ogt, %get3A_1173, %select_n3A_1163 : vector<16xf32>
        %select_n3A_1175 = arith.select %gt3A_1174, %get3A_1173, %select_n3A_1163 : vector<16xi1>, vector<16xf32>
        %add3A_1176 = arith.constant 80 : i32
        %add3A_1177 = arith.addi %mul3A_1105, %add3A_1176 : i32
        %add3A_1178 = vector.broadcast %add3A_1177 : i32 to vector<16xi32>
        %add3A_1179 = arith.addi %add3A_1178, %iota3A : vector<16xi32>
        %select_n3A_1180 = arith.select %gt3A_1174, %add3A_1179, %select_n3A_1168 : vector<16xi1>, vector<16xi32>
        %add3A_1181 = arith.constant 96 : i32
        %add3A_1182 = arith.addi %mul3A_1105, %add3A_1181 : i32
        %get3A_1183 = arith.index_cast %add3A_1182 : i32 to index
        %get3A_1184 = tpu.vector_load %arg4[%get3A_1183] {strides = array<i32>} : memref<2048xf32, #tpu.memory_space<vmem>>, vector<16xf32>,
        %get3A_1185 = vector.shape_cast %get3A_1184 : vector<16xf32> to vector<16xf32>
        %gt3A_1186 = arith.cmpf ogt, %get3A_1185, %select_n3A_1175 : vector<16xf32>
        %select_n3A_1187 = arith.select %gt3A_1186, %get3A_1185, %select_n3A_1175 : vector<16xi1>, vector<16xf32>
        %add3A_1188 = arith.constant 96 : i32
        %add3A_1189 = arith.addi %mul3A_1105, %add3A_1188 : i32
        %add3A_1190 = vector.broadcast %add3A_1189 : i32 to vector<16xi32>
        %add3A_1191 = arith.addi %add3A_1190, %iota3A : vector<16xi32>
        %select_n3A_1192 = arith.select %gt3A_1186, %add3A_1191, %select_n3A_1180 : vector<16xi1>, vector<16xi32>
        %add3A_1193 = arith.constant 112 : i32
        %add3A_1194 = arith.addi %mul3A_1105, %add3A_1193 : i32
        %get3A_1195 = arith.index_cast %add3A_1194 : i32 to index
        %get3A_1196 = tpu.vector_load %arg4[%get3A_1195] {strides = array<i32>} : memref<2048xf32, #tpu.memory_space<vmem>>, vector<16xf32>,
        %get3A_1197 = vector.shape_cast %get3A_1196 : vector<16xf32> to vector<16xf32>
        %gt3A_1198 = arith.cmpf ogt, %get3A_1197, %select_n3A_1187 : vector<16xf32>
        %select_n3A_1199 = arith.select %gt3A_1198, %get3A_1197, %select_n3A_1187 : vector<16xi1>, vector<16xf32>
        %add3A_1200 = arith.constant 112 : i32
        %add3A_1201 = arith.addi %mul3A_1105, %add3A_1200 : i32
        %add3A_1202 = vector.broadcast %add3A_1201 : i32 to vector<16xi32>
        %add3A_1203 = arith.addi %add3A_1202, %iota3A : vector<16xi32>
        %select_n3A_1204 = arith.select %gt3A_1198, %add3A_1203, %select_n3A_1192 : vector<16xi1>, vector<16xi32>
        %eq3A_1205 = arith.cmpf oeq, %select_n3A_1199, %max3A_1073 : vector<16xf32>
        %jit3A_1206 = arith.constant 2048 : i32
        %broadcast_in_dim3A_1207 = vector.broadcast %jit3A_1206 : i32 to vector<16xi32>
        %select_n3A_1208 = arith.select %eq3A_1205, %select_n3A_1204, %broadcast_in_dim3A_1207 : vector<16xi1>, vector<16xi32>
        %xor3A_1209 = arith.constant 1 : i32
        %xor3A_1210 = vector.broadcast %xor3A_1209 : i32 to vector<16xi32>
        %xor3A_1211 = arith.xori %iota3A, %xor3A_1210 : vector<16xi32>
        %broadcast_in_dim3A_1212 = vector.shape_cast %xor3A_1211 : vector<16xi32> to vector<16x1xi32>
        %gather3A_1213 = vector.shape_cast %broadcast_in_dim3A_1212 : vector<16x1xi32> to vector<16xi32>
        %gather3A_1214 = tpu.dynamic_gather %select_n3A_1208[%gather3A_1213] in [0] : vector<16xi32>, vector<16xi32> -> vector<16xi32>
        %min3A_1215 = arith.minsi %select_n3A_1208, %gather3A_1214 : vector<16xi32>
        %xor3A_1216 = arith.constant 2 : i32
        %xor3A_1217 = vector.broadcast %xor3A_1216 : i32 to vector<16xi32>
        %xor3A_1218 = arith.xori %iota3A, %xor3A_1217 : vector<16xi32>
        %broadcast_in_dim3A_1219 = vector.shape_cast %xor3A_1218 : vector<16xi32> to vector<16x1xi32>
        %gather3A_1220 = vector.shape_cast %broadcast_in_dim3A_1219 : vector<16x1xi32> to vector<16xi32>
        %gather3A_1221 = tpu.dynamic_gather %min3A_1215[%gather3A_1220] in [0] : vector<16xi32>, vector<16xi32> -> vector<16xi32>
        %min3A_1222 = arith.minsi %min3A_1215, %gather3A_1221 : vector<16xi32>
        %xor3A_1223 = arith.constant 4 : i32
        %xor3A_1224 = vector.broadcast %xor3A_1223 : i32 to vector<16xi32>
        %xor3A_1225 = arith.xori %iota3A, %xor3A_1224 : vector<16xi32>
        %broadcast_in_dim3A_1226 = vector.shape_cast %xor3A_1225 : vector<16xi32> to vector<16x1xi32>
        %gather3A_1227 = vector.shape_cast %broadcast_in_dim3A_1226 : vector<16x1xi32> to vector<16xi32>
        %gather3A_1228 = tpu.dynamic_gather %min3A_1222[%gather3A_1227] in [0] : vector<16xi32>, vector<16xi32> -> vector<16xi32>
        %min3A_1229 = arith.minsi %min3A_1222, %gather3A_1228 : vector<16xi32>
        %xor3A_1230 = arith.constant 8 : i32
        %xor3A_1231 = vector.broadcast %xor3A_1230 : i32 to vector<16xi32>
        %xor3A_1232 = arith.xori %iota3A, %xor3A_1231 : vector<16xi32>
        %broadcast_in_dim3A_1233 = vector.shape_cast %xor3A_1232 : vector<16xi32> to vector<16x1xi32>
        %gather3A_1234 = vector.shape_cast %broadcast_in_dim3A_1233 : vector<16x1xi32> to vector<16xi32>
        %gather3A_1235 = tpu.dynamic_gather %min3A_1229[%gather3A_1234] in [0] : vector<16xi32>, vector<16xi32> -> vector<16xi32>
        %min3A_1236 = arith.minsi %min3A_1229, %gather3A_1235 : vector<16xi32>
        %slice3A_1237 = vector.extract_strided_slice %min3A_1236 {offsets = [0], sizes = [1], strides = [1]} : vector<16xi32> to vector<1xi32>
        %squeeze3A_1238 = vector.extract %slice3A_1237[0] : i32 from vector<1xi32>
        %jit3A_1239 = arith.constant 16 : i32
        %div3A = arith.divsi %scan3A_1044, %jit3A_1239 : i32
        %sign3A = arith.constant 0 : i32
        %sign3A_1240 = arith.cmpi sgt, %scan3A_1044, %sign3A : i32
        %sign3A_1241 = arith.extui %sign3A_1240 : i1 to i32
        %sign3A_1242 = arith.constant 0 : i32
        %sign3A_1243 = arith.cmpi slt, %scan3A_1044, %sign3A_1242 : i32
        %sign3A_1244 = arith.extui %sign3A_1243 : i1 to i32
        %sign3A_1245 = arith.subi %sign3A_1241, %sign3A_1244 : i32
        %sign3A_1246 = arith.constant 0 : i32
        %sign3A_1247 = arith.cmpi sgt, %jit3A_1239, %sign3A_1246 : i32
        %sign3A_1248 = arith.extui %sign3A_1247 : i1 to i32
        %sign3A_1249 = arith.constant 0 : i32
        %sign3A_1250 = arith.cmpi slt, %jit3A_1239, %sign3A_1249 : i32
        %sign3A_1251 = arith.extui %sign3A_1250 : i1 to i32
        %sign3A_1252 = arith.subi %sign3A_1248, %sign3A_1251 : i32
        %ne3A = arith.cmpi ne, %sign3A_1245, %sign3A_1252 : i32
        %rem3A = arith.remsi %scan3A_1044, %jit3A_1239 : i32
        %ne3A_1253 = arith.constant 0 : i32
        %ne3A_1254 = arith.cmpi ne, %rem3A, %ne3A_1253 : i32
        %and3A = arith.andi %ne3A, %ne3A_1254 : i1
        %sub3A = arith.constant 1 : i32
        %sub3A_1255 = arith.subi %div3A, %sub3A : i32
        %select_n3A_1256 = arith.select %and3A, %sub3A_1255, %div3A : i32
        %mul3A_1257 = arith.constant 16 : i32
        %mul3A_1258 = arith.muli %select_n3A_1256, %mul3A_1257 : i32
        %get3A_1259 = arith.index_cast %mul3A_1258 : i32 to index
        %get3A_1260 = tpu.vector_load %arg5[%get3A_1259] {strides = array<i32>} : memref<128xi32, #tpu.memory_space<vmem>>, vector<16xi32>,
        %get3A_1261 = vector.shape_cast %get3A_1260 : vector<16xi32> to vector<16xi32>
        %sub3A_1262 = arith.subi %scan3A_1044, %mul3A_1258 : i32
        %eq3A_1263 = vector.broadcast %sub3A_1262 : i32 to vector<16xi32>
        %eq3A_1264 = arith.cmpi eq, %iota3A, %eq3A_1263 : vector<16xi32>
        %select_n3A_1265 = arith.select %eq3A_1264, %min3A_1236, %get3A_1261 : vector<16xi1>, vector<16xi32>
        %swap3A_1266 = arith.index_cast %mul3A_1258 : i32 to index
        %swap3A_1267 = tpu.vector_load %arg5[%swap3A_1266] {strides = array<i32>} : memref<128xi32, #tpu.memory_space<vmem>>, vector<16xi32>,
        %swap3A_1268 = vector.shape_cast %swap3A_1267 : vector<16xi32> to vector<16xi32>
        %swap3A_1269 = vector.shape_cast %select_n3A_1265 : vector<16xi32> to vector<16xi32>
        tpu.vector_store %arg5[%swap3A_1266], %swap3A_1269 {strides = array<i32>} : memref<128xi32, #tpu.memory_space<vmem>>, vector<16xi32>,
        %jit3A_1270 = arith.constant 16 : i32
        %div3A_1271 = arith.divsi %squeeze3A_1238, %jit3A_1270 : i32
        %sign3A_1272 = arith.constant 0 : i32
        %sign3A_1273 = arith.cmpi sgt, %squeeze3A_1238, %sign3A_1272 : i32
        %sign3A_1274 = arith.extui %sign3A_1273 : i1 to i32
        %sign3A_1275 = arith.constant 0 : i32
        %sign3A_1276 = arith.cmpi slt, %squeeze3A_1238, %sign3A_1275 : i32
        %sign3A_1277 = arith.extui %sign3A_1276 : i1 to i32
        %sign3A_1278 = arith.subi %sign3A_1274, %sign3A_1277 : i32
        %sign3A_1279 = arith.constant 0 : i32
        %sign3A_1280 = arith.cmpi sgt, %jit3A_1270, %sign3A_1279 : i32
        %sign3A_1281 = arith.extui %sign3A_1280 : i1 to i32
        %sign3A_1282 = arith.constant 0 : i32
        %sign3A_1283 = arith.cmpi slt, %jit3A_1270, %sign3A_1282 : i32
        %sign3A_1284 = arith.extui %sign3A_1283 : i1 to i32
        %sign3A_1285 = arith.subi %sign3A_1281, %sign3A_1284 : i32
        %ne3A_1286 = arith.cmpi ne, %sign3A_1278, %sign3A_1285 : i32
        %rem3A_1287 = arith.remsi %squeeze3A_1238, %jit3A_1270 : i32
        %ne3A_1288 = arith.constant 0 : i32
        %ne3A_1289 = arith.cmpi ne, %rem3A_1287, %ne3A_1288 : i32
        %and3A_1290 = arith.andi %ne3A_1286, %ne3A_1289 : i1
        %sub3A_1291 = arith.constant 1 : i32
        %sub3A_1292 = arith.subi %div3A_1271, %sub3A_1291 : i32
        %select_n3A_1293 = arith.select %and3A_1290, %sub3A_1292, %div3A_1271 : i32
        %mul3A_1294 = arith.constant 16 : i32
        %mul3A_1295 = arith.muli %select_n3A_1293, %mul3A_1294 : i32
        %get3A_1296 = arith.index_cast %mul3A_1295 : i32 to index
        %get3A_1297 = tpu.vector_load %arg4[%get3A_1296] {strides = array<i32>} : memref<2048xf32, #tpu.memory_space<vmem>>, vector<16xf32>,
        %get3A_1298 = vector.shape_cast %get3A_1297 : vector<16xf32> to vector<16xf32>
        %sub3A_1299 = arith.subi %squeeze3A_1238, %mul3A_1295 : i32
        %eq3A_1300 = vector.broadcast %sub3A_1299 : i32 to vector<16xi32>
        %eq3A_1301 = arith.cmpi eq, %iota3A, %eq3A_1300 : vector<16xi32>
        %jit3A_1302 = arith.constant -1.000000e+30 : f32
        %broadcast_in_dim3A_1303 = vector.broadcast %jit3A_1302 : f32 to vector<16xf32>
        %select_n3A_1304 = arith.select %eq3A_1301, %broadcast_in_dim3A_1303, %get3A_1298 : vector<16xi1>, vector<16xf32>
        %swap3A_1305 = arith.index_cast %mul3A_1295 : i32 to index
        %swap3A_1306 = tpu.vector_load %arg4[%swap3A_1305] {strides = array<i32>} : memref<2048xf32, #tpu.memory_space<vmem>>, vector<16xf32>,
        %swap3A_1307 = vector.shape_cast %swap3A_1306 : vector<16xf32> to vector<16xf32>
        %swap3A_1308 = vector.shape_cast %select_n3A_1304 : vector<16xf32> to vector<16xf32>
        tpu.vector_store %arg4[%swap3A_1305], %swap3A_1308 {strides = array<i32>} : memref<2048xf32, #tpu.memory_space<vmem>>, vector<16xf32>,
        %eq3A_1309 = vector.broadcast %squeeze3A : i32 to vector<16xi32>
        %eq3A_1310 = arith.cmpi eq, %iota3A, %eq3A_1309 : vector<16xi32>
        %get3A_1311 = arith.index_cast %mul3A_1105 : i32 to index
        %get3A_1312 = tpu.vector_load %arg4[%get3A_1311] {strides = array<i32>} : memref<2048xf32, #tpu.memory_space<vmem>>, vector<16xf32>,
        %get3A_1313 = vector.shape_cast %get3A_1312 : vector<16xf32> to vector<16xf32>
        %add3A_1314 = arith.constant 16 : i32
        %add3A_1315 = arith.addi %mul3A_1105, %add3A_1314 : i32
        %get3A_1316 = arith.index_cast %add3A_1315 : i32 to index
        %get3A_1317 = tpu.vector_load %arg4[%get3A_1316] {strides = array<i32>} : memref<2048xf32, #tpu.memory_space<vmem>>, vector<16xf32>,
        %get3A_1318 = vector.shape_cast %get3A_1317 : vector<16xf32> to vector<16xf32>
        %max3A_1319 = arith.maximumf %get3A_1313, %get3A_1318 : vector<16xf32>
        %add3A_1320 = arith.constant 32 : i32
        %add3A_1321 = arith.addi %mul3A_1105, %add3A_1320 : i32
        %get3A_1322 = arith.index_cast %add3A_1321 : i32 to index
        %get3A_1323 = tpu.vector_load %arg4[%get3A_1322] {strides = array<i32>} : memref<2048xf32, #tpu.memory_space<vmem>>, vector<16xf32>,
        %get3A_1324 = vector.shape_cast %get3A_1323 : vector<16xf32> to vector<16xf32>
        %max3A_1325 = arith.maximumf %max3A_1319, %get3A_1324 : vector<16xf32>
        %add3A_1326 = arith.constant 48 : i32
        %add3A_1327 = arith.addi %mul3A_1105, %add3A_1326 : i32
        %get3A_1328 = arith.index_cast %add3A_1327 : i32 to index
        %get3A_1329 = tpu.vector_load %arg4[%get3A_1328] {strides = array<i32>} : memref<2048xf32, #tpu.memory_space<vmem>>, vector<16xf32>,
        %get3A_1330 = vector.shape_cast %get3A_1329 : vector<16xf32> to vector<16xf32>
        %max3A_1331 = arith.maximumf %max3A_1325, %get3A_1330 : vector<16xf32>
        %add3A_1332 = arith.constant 64 : i32
        %add3A_1333 = arith.addi %mul3A_1105, %add3A_1332 : i32
        %get3A_1334 = arith.index_cast %add3A_1333 : i32 to index
        %get3A_1335 = tpu.vector_load %arg4[%get3A_1334] {strides = array<i32>} : memref<2048xf32, #tpu.memory_space<vmem>>, vector<16xf32>,
        %get3A_1336 = vector.shape_cast %get3A_1335 : vector<16xf32> to vector<16xf32>
        %max3A_1337 = arith.maximumf %max3A_1331, %get3A_1336 : vector<16xf32>
        %add3A_1338 = arith.constant 80 : i32
        %add3A_1339 = arith.addi %mul3A_1105, %add3A_1338 : i32
        %get3A_1340 = arith.index_cast %add3A_1339 : i32 to index
        %get3A_1341 = tpu.vector_load %arg4[%get3A_1340] {strides = array<i32>} : memref<2048xf32, #tpu.memory_space<vmem>>, vector<16xf32>,
        %get3A_1342 = vector.shape_cast %get3A_1341 : vector<16xf32> to vector<16xf32>
        %max3A_1343 = arith.maximumf %max3A_1337, %get3A_1342 : vector<16xf32>
        %add3A_1344 = arith.constant 96 : i32
        %add3A_1345 = arith.addi %mul3A_1105, %add3A_1344 : i32
        %get3A_1346 = arith.index_cast %add3A_1345 : i32 to index
        %get3A_1347 = tpu.vector_load %arg4[%get3A_1346] {strides = array<i32>} : memref<2048xf32, #tpu.memory_space<vmem>>, vector<16xf32>,
        %get3A_1348 = vector.shape_cast %get3A_1347 : vector<16xf32> to vector<16xf32>
        %max3A_1349 = arith.maximumf %max3A_1343, %get3A_1348 : vector<16xf32>
        %add3A_1350 = arith.constant 112 : i32
        %add3A_1351 = arith.addi %mul3A_1105, %add3A_1350 : i32
        %get3A_1352 = arith.index_cast %add3A_1351 : i32 to index
        %get3A_1353 = tpu.vector_load %arg4[%get3A_1352] {strides = array<i32>} : memref<2048xf32, #tpu.memory_space<vmem>>, vector<16xf32>,
        %get3A_1354 = vector.shape_cast %get3A_1353 : vector<16xf32> to vector<16xf32>
        %max3A_1355 = arith.maximumf %max3A_1349, %get3A_1354 : vector<16xf32>
        %xor3A_1356 = arith.constant 1 : i32
        %xor3A_1357 = vector.broadcast %xor3A_1356 : i32 to vector<16xi32>
        %xor3A_1358 = arith.xori %iota3A, %xor3A_1357 : vector<16xi32>
        %broadcast_in_dim3A_1359 = vector.shape_cast %xor3A_1358 : vector<16xi32> to vector<16x1xi32>
        %gather3A_1360 = vector.shape_cast %broadcast_in_dim3A_1359 : vector<16x1xi32> to vector<16xi32>
        %gather3A_1361 = tpu.dynamic_gather %max3A_1355[%gather3A_1360] in [0] : vector<16xf32>, vector<16xi32> -> vector<16xf32>
        %max3A_1362 = arith.maximumf %max3A_1355, %gather3A_1361 : vector<16xf32>
        %xor3A_1363 = arith.constant 2 : i32
        %xor3A_1364 = vector.broadcast %xor3A_1363 : i32 to vector<16xi32>
        %xor3A_1365 = arith.xori %iota3A, %xor3A_1364 : vector<16xi32>
        %broadcast_in_dim3A_1366 = vector.shape_cast %xor3A_1365 : vector<16xi32> to vector<16x1xi32>
        %gather3A_1367 = vector.shape_cast %broadcast_in_dim3A_1366 : vector<16x1xi32> to vector<16xi32>
        %gather3A_1368 = tpu.dynamic_gather %max3A_1362[%gather3A_1367] in [0] : vector<16xf32>, vector<16xi32> -> vector<16xf32>
        %max3A_1369 = arith.maximumf %max3A_1362, %gather3A_1368 : vector<16xf32>
        %xor3A_1370 = arith.constant 4 : i32
        %xor3A_1371 = vector.broadcast %xor3A_1370 : i32 to vector<16xi32>
        %xor3A_1372 = arith.xori %iota3A, %xor3A_1371 : vector<16xi32>
        %broadcast_in_dim3A_1373 = vector.shape_cast %xor3A_1372 : vector<16xi32> to vector<16x1xi32>
        %gather3A_1374 = vector.shape_cast %broadcast_in_dim3A_1373 : vector<16x1xi32> to vector<16xi32>
        %gather3A_1375 = tpu.dynamic_gather %max3A_1369[%gather3A_1374] in [0] : vector<16xf32>, vector<16xi32> -> vector<16xf32>
        %max3A_1376 = arith.maximumf %max3A_1369, %gather3A_1375 : vector<16xf32>
        %xor3A_1377 = arith.constant 8 : i32
        %xor3A_1378 = vector.broadcast %xor3A_1377 : i32 to vector<16xi32>
        %xor3A_1379 = arith.xori %iota3A, %xor3A_1378 : vector<16xi32>
        %broadcast_in_dim3A_1380 = vector.shape_cast %xor3A_1379 : vector<16xi32> to vector<16x1xi32>
        %gather3A_1381 = vector.shape_cast %broadcast_in_dim3A_1380 : vector<16x1xi32> to vector<16xi32>
        %gather3A_1382 = tpu.dynamic_gather %max3A_1376[%gather3A_1381] in [0] : vector<16xf32>, vector<16xi32> -> vector<16xf32>
        %max3A_1383 = arith.maximumf %max3A_1376, %gather3A_1382 : vector<16xf32>
        %select_n3A_1384 = arith.select %eq3A_1310, %max3A_1383, %scan3A_1045 : vector<16xi1>, vector<16xf32>
        scf.yield %select_n3A_1384 : vector<16xf32>
      }
      %scan3A_1043 = arith.constant 40 : i32
      "tpu.region"() ({
        %run_scoped3A = tpu.sem_alloc : memref<!tpu.dma_semaphore, #tpu.memory_space<semaphore_mem>>
        %dma_start3A = arith.constant 0 : i32
        %dma_start3A_1044 = tpu.memref_slice %arg3[%add3A, %dma_start3A] : memref<16x128xi32, #tpu.memory_space<hbm>> -> memref<1x128xi32, #tpu.memory_space<hbm>>
        %dma_start3A_1045 = tpu.memref_squeeze %dma_start3A_1044 : memref<1x128xi32, #tpu.memory_space<hbm>> -> memref<128xi32, #tpu.memory_space<hbm>>
        %dma_start3A_1046 = arith.constant 0 : i32
        %dma_start3A_1047 = tpu.memref_slice %arg3[%add3A, %dma_start3A_1046] : memref<16x128xi32, #tpu.memory_space<hbm>> -> memref<1x128xi32, #tpu.memory_space<hbm>>
        %dma_start3A_1048 = tpu.memref_squeeze %dma_start3A_1047 : memref<1x128xi32, #tpu.memory_space<hbm>> -> memref<128xi32, #tpu.memory_space<hbm>>
        tpu.enqueue_dma source(%arg5 : memref<128xi32, #tpu.memory_space<vmem>>) target(%dma_start3A_1048 : memref<128xi32, #tpu.memory_space<hbm>>) target_semaphore(%run_scoped3A : memref<!tpu.dma_semaphore, #tpu.memory_space<semaphore_mem>>)
        %dma_wait3A = arith.constant 0 : i32
        %dma_wait3A_1049 = tpu.memref_slice %arg3[%add3A, %dma_wait3A] : memref<16x128xi32, #tpu.memory_space<hbm>> -> memref<1x128xi32, #tpu.memory_space<hbm>>
        %dma_wait3A_1050 = tpu.memref_squeeze %dma_wait3A_1049 : memref<1x128xi32, #tpu.memory_space<hbm>> -> memref<128xi32, #tpu.memory_space<hbm>>
        %dma_wait3A_1051 = arith.constant 0 : i32
        %dma_wait3A_1052 = tpu.memref_slice %arg3[%add3A, %dma_wait3A_1051] : memref<16x128xi32, #tpu.memory_space<hbm>> -> memref<1x128xi32, #tpu.memory_space<hbm>>
        %dma_wait3A_1053 = tpu.memref_squeeze %dma_wait3A_1052 : memref<1x128xi32, #tpu.memory_space<hbm>> -> memref<128xi32, #tpu.memory_space<hbm>>
        tpu.wait_dma2 semaphore(%run_scoped3A : memref<!tpu.dma_semaphore, #tpu.memory_space<semaphore_mem>>) src(%arg5 : memref<128xi32, #tpu.memory_space<vmem>>) dst(%dma_wait3A_1053 : memref<128xi32, #tpu.memory_space<hbm>>)
        tpu.yield
      }) : () -> ()
    } else {
    }
    return
  }
}

module attributes {stable_mosaic.version = 14 : i64} {
  func.func @_m_kernel(%arg0: i32, %arg1: memref<256x1024xf32, #tpu.memory_space<vmem>>, %arg2: memref<2048x1024xf32, #tpu.memory_space<vmem>>, %arg3: memref<256x2048xi8, #tpu.memory_space<vmem>>, %arg4: memref<16x1x256xf32, #tpu.memory_space<vmem>>) attributes {dimension_semantics = [#tpu.dimension_semantics<arbitrary>], iteration_bounds = array<i64: 8>, scalar_prefetch = 0 : i64, scratch_operands = 0 : i64, tpu.core_type = #tpu.core_type<tc>, window_params = [{transform_indices = @transform_0, window_bounds = array<i64: 256, 1024>}, {pipeline_mode = #tpu.pipeline_mode<synchronous>, transform_indices = @transform_1, window_bounds = array<i64: 2048, 1024>}, {transform_indices = @transform_2, window_bounds = array<i64: 256, 2048>}, {transform_indices = @transform_3, window_bounds = array<i64: 16, 1, 256>}]} {
    %get3A = arith.constant 0 : index
    %get3A_0 = arith.constant 0 : index
    %get3A_1 = vector.load %arg3[%get3A, %get3A_0] : memref<256x2048xi8, #tpu.memory_space<vmem>>, vector<256x2048xi8>
    %convert_element_type3A = arith.sitofp %get3A_1 : vector<256x2048xi8> to vector<256x2048xf32>
    %gt3A = arith.constant 0.000000e+00 : f32
    %gt3A_2 = vector.broadcast %gt3A : f32 to vector<256x2048xf32>
    %gt3A_3 = arith.cmpf ogt, %convert_element_type3A, %gt3A_2 : vector<256x2048xf32>
    %get3A_4 = arith.constant 0 : index
    %get3A_5 = arith.constant 0 : index
    %get3A_6 = vector.load %arg1[%get3A_4, %get3A_5] : memref<256x1024xf32, #tpu.memory_space<vmem>>, vector<256x64xf32>
    %get3A_7 = arith.constant 0 : index
    %get3A_8 = arith.constant 0 : index
    %get3A_9 = vector.load %arg2[%get3A_7, %get3A_8] : memref<2048x1024xf32, #tpu.memory_space<vmem>>, vector<2048x64xf32>
    %dot_general3A = arith.constant dense<0.000000e+00> : vector<256x2048xf32>
    %dot_general3A_10 = tpu.matmul %get3A_6, %get3A_9, %dot_general3A {dimension_numbers = #tpu.dot_dimension_numbers<[1], [1], [0], [0], [0, 0, 1, 0], [], []>, transpose_lhs_hint = false} : vector<256x64xf32>, vector<2048x64xf32>, vector<256x2048xf32> -> vector<256x2048xf32>
    %jit3A = arith.constant -1.000000e+30 : f32
    %broadcast_in_dim3A = vector.broadcast %jit3A : f32 to vector<256x2048xf32>
    %select_n3A = arith.select %gt3A_3, %dot_general3A_10, %broadcast_in_dim3A : vector<256x2048xi1>, vector<256x2048xf32>
    %reduce_max3A = arith.constant dense<0xFF800000> : vector<256xf32>
    %reduce_max3A_11 = vector.multi_reduction <maximumf>, %select_n3A, %reduce_max3A [1] : vector<256x2048xf32> to vector<256xf32>
    %mul3A = arith.mulf %dot_general3A_10, %convert_element_type3A : vector<256x2048xf32>
    %reduce_sum3A = arith.constant dense<0.000000e+00> : vector<256xf32>
    %reduce_sum3A_12 = vector.multi_reduction <add>, %mul3A, %reduce_sum3A [1] : vector<256x2048xf32> to vector<256xf32>
    %mul3A_13 = arith.constant 4.8828125E-4 : f32
    %mul3A_14 = vector.broadcast %mul3A_13 : f32 to vector<256xf32>
    %mul3A_15 = arith.mulf %reduce_sum3A_12, %mul3A_14 : vector<256xf32>
    %sub3A = arith.subf %reduce_max3A_11, %mul3A_15 : vector<256xf32>
    %swap3A = arith.constant 0 : index
    %swap3A_16 = arith.constant 0 : index
    %swap3A_17 = arith.constant 0 : index
    %swap3A_18 = vector.load %arg4[%swap3A, %swap3A_16, %swap3A_17] : memref<16x1x256xf32, #tpu.memory_space<vmem>>, vector<1x1x256xf32>
    %swap3A_19 = vector.shape_cast %swap3A_18 : vector<1x1x256xf32> to vector<256xf32>
    %swap3A_20 = vector.shape_cast %sub3A : vector<256xf32> to vector<1x1x256xf32>
    tpu.vector_store %arg4[%swap3A, %swap3A_16, %swap3A_17], %swap3A_20 {strides = array<i32>} : memref<16x1x256xf32, #tpu.memory_space<vmem>>, vector<1x1x256xf32>,
    %get3A_21 = arith.constant 0 : index
    %get3A_22 = arith.constant 64 : index
    %get3A_23 = vector.load %arg1[%get3A_21, %get3A_22] : memref<256x1024xf32, #tpu.memory_space<vmem>>, vector<256x64xf32>
    %get3A_24 = arith.constant 0 : index
    %get3A_25 = arith.constant 64 : index
    %get3A_26 = vector.load %arg2[%get3A_24, %get3A_25] : memref<2048x1024xf32, #tpu.memory_space<vmem>>, vector<2048x64xf32>
    %dot_general3A_27 = arith.constant dense<0.000000e+00> : vector<256x2048xf32>
    %dot_general3A_28 = tpu.matmul %get3A_23, %get3A_26, %dot_general3A_27 {dimension_numbers = #tpu.dot_dimension_numbers<[1], [1], [0], [0], [0, 0, 1, 0], [], []>, transpose_lhs_hint = false} : vector<256x64xf32>, vector<2048x64xf32>, vector<256x2048xf32> -> vector<256x2048xf32>
    %jit3A_29 = arith.constant -1.000000e+30 : f32
    %broadcast_in_dim3A_30 = vector.broadcast %jit3A_29 : f32 to vector<256x2048xf32>
    %select_n3A_31 = arith.select %gt3A_3, %dot_general3A_28, %broadcast_in_dim3A_30 : vector<256x2048xi1>, vector<256x2048xf32>
    %reduce_max3A_32 = arith.constant dense<0xFF800000> : vector<256xf32>
    %reduce_max3A_33 = vector.multi_reduction <maximumf>, %select_n3A_31, %reduce_max3A_32 [1] : vector<256x2048xf32> to vector<256xf32>
    %mul3A_34 = arith.mulf %dot_general3A_28, %convert_element_type3A : vector<256x2048xf32>
    %reduce_sum3A_35 = arith.constant dense<0.000000e+00> : vector<256xf32>
    %reduce_sum3A_36 = vector.multi_reduction <add>, %mul3A_34, %reduce_sum3A_35 [1] : vector<256x2048xf32> to vector<256xf32>
    %mul3A_37 = arith.constant 4.8828125E-4 : f32
    %mul3A_38 = vector.broadcast %mul3A_37 : f32 to vector<256xf32>
    %mul3A_39 = arith.mulf %reduce_sum3A_36, %mul3A_38 : vector<256xf32>
    %sub3A_40 = arith.subf %reduce_max3A_33, %mul3A_39 : vector<256xf32>
    %swap3A_41 = arith.constant 1 : index
    %swap3A_42 = arith.constant 0 : index
    %swap3A_43 = arith.constant 0 : index
    %swap3A_44 = vector.load %arg4[%swap3A_41, %swap3A_42, %swap3A_43] : memref<16x1x256xf32, #tpu.memory_space<vmem>>, vector<1x1x256xf32>
    %swap3A_45 = vector.shape_cast %swap3A_44 : vector<1x1x256xf32> to vector<256xf32>
    %swap3A_46 = vector.shape_cast %sub3A_40 : vector<256xf32> to vector<1x1x256xf32>
    tpu.vector_store %arg4[%swap3A_41, %swap3A_42, %swap3A_43], %swap3A_46 {strides = array<i32>} : memref<16x1x256xf32, #tpu.memory_space<vmem>>, vector<1x1x256xf32>,
    %get3A_47 = arith.constant 0 : index
    %get3A_48 = arith.constant 128 : index
    %get3A_49 = vector.load %arg1[%get3A_47, %get3A_48] : memref<256x1024xf32, #tpu.memory_space<vmem>>, vector<256x64xf32>
    %get3A_50 = arith.constant 0 : index
    %get3A_51 = arith.constant 128 : index
    %get3A_52 = vector.load %arg2[%get3A_50, %get3A_51] : memref<2048x1024xf32, #tpu.memory_space<vmem>>, vector<2048x64xf32>
    %dot_general3A_53 = arith.constant dense<0.000000e+00> : vector<256x2048xf32>
    %dot_general3A_54 = tpu.matmul %get3A_49, %get3A_52, %dot_general3A_53 {dimension_numbers = #tpu.dot_dimension_numbers<[1], [1], [0], [0], [0, 0, 1, 0], [], []>, transpose_lhs_hint = false} : vector<256x64xf32>, vector<2048x64xf32>, vector<256x2048xf32> -> vector<256x2048xf32>
    %jit3A_55 = arith.constant -1.000000e+30 : f32
    %broadcast_in_dim3A_56 = vector.broadcast %jit3A_55 : f32 to vector<256x2048xf32>
    %select_n3A_57 = arith.select %gt3A_3, %dot_general3A_54, %broadcast_in_dim3A_56 : vector<256x2048xi1>, vector<256x2048xf32>
    %reduce_max3A_58 = arith.constant dense<0xFF800000> : vector<256xf32>
    %reduce_max3A_59 = vector.multi_reduction <maximumf>, %select_n3A_57, %reduce_max3A_58 [1] : vector<256x2048xf32> to vector<256xf32>
    %mul3A_60 = arith.mulf %dot_general3A_54, %convert_element_type3A : vector<256x2048xf32>
    %reduce_sum3A_61 = arith.constant dense<0.000000e+00> : vector<256xf32>
    %reduce_sum3A_62 = vector.multi_reduction <add>, %mul3A_60, %reduce_sum3A_61 [1] : vector<256x2048xf32> to vector<256xf32>
    %mul3A_63 = arith.constant 4.8828125E-4 : f32
    %mul3A_64 = vector.broadcast %mul3A_63 : f32 to vector<256xf32>
    %mul3A_65 = arith.mulf %reduce_sum3A_62, %mul3A_64 : vector<256xf32>
    %sub3A_66 = arith.subf %reduce_max3A_59, %mul3A_65 : vector<256xf32>
    %swap3A_67 = arith.constant 2 : index
    %swap3A_68 = arith.constant 0 : index
    %swap3A_69 = arith.constant 0 : index
    %swap3A_70 = vector.load %arg4[%swap3A_67, %swap3A_68, %swap3A_69] : memref<16x1x256xf32, #tpu.memory_space<vmem>>, vector<1x1x256xf32>
    %swap3A_71 = vector.shape_cast %swap3A_70 : vector<1x1x256xf32> to vector<256xf32>
    %swap3A_72 = vector.shape_cast %sub3A_66 : vector<256xf32> to vector<1x1x256xf32>
    tpu.vector_store %arg4[%swap3A_67, %swap3A_68, %swap3A_69], %swap3A_72 {strides = array<i32>} : memref<16x1x256xf32, #tpu.memory_space<vmem>>, vector<1x1x256xf32>,
    %get3A_73 = arith.constant 0 : index
    %get3A_74 = arith.constant 192 : index
    %get3A_75 = vector.load %arg1[%get3A_73, %get3A_74] : memref<256x1024xf32, #tpu.memory_space<vmem>>, vector<256x64xf32>
    %get3A_76 = arith.constant 0 : index
    %get3A_77 = arith.constant 192 : index
    %get3A_78 = vector.load %arg2[%get3A_76, %get3A_77] : memref<2048x1024xf32, #tpu.memory_space<vmem>>, vector<2048x64xf32>
    %dot_general3A_79 = arith.constant dense<0.000000e+00> : vector<256x2048xf32>
    %dot_general3A_80 = tpu.matmul %get3A_75, %get3A_78, %dot_general3A_79 {dimension_numbers = #tpu.dot_dimension_numbers<[1], [1], [0], [0], [0, 0, 1, 0], [], []>, transpose_lhs_hint = false} : vector<256x64xf32>, vector<2048x64xf32>, vector<256x2048xf32> -> vector<256x2048xf32>
    %jit3A_81 = arith.constant -1.000000e+30 : f32
    %broadcast_in_dim3A_82 = vector.broadcast %jit3A_81 : f32 to vector<256x2048xf32>
    %select_n3A_83 = arith.select %gt3A_3, %dot_general3A_80, %broadcast_in_dim3A_82 : vector<256x2048xi1>, vector<256x2048xf32>
    %reduce_max3A_84 = arith.constant dense<0xFF800000> : vector<256xf32>
    %reduce_max3A_85 = vector.multi_reduction <maximumf>, %select_n3A_83, %reduce_max3A_84 [1] : vector<256x2048xf32> to vector<256xf32>
    %mul3A_86 = arith.mulf %dot_general3A_80, %convert_element_type3A : vector<256x2048xf32>
    %reduce_sum3A_87 = arith.constant dense<0.000000e+00> : vector<256xf32>
    %reduce_sum3A_88 = vector.multi_reduction <add>, %mul3A_86, %reduce_sum3A_87 [1] : vector<256x2048xf32> to vector<256xf32>
    %mul3A_89 = arith.constant 4.8828125E-4 : f32
    %mul3A_90 = vector.broadcast %mul3A_89 : f32 to vector<256xf32>
    %mul3A_91 = arith.mulf %reduce_sum3A_88, %mul3A_90 : vector<256xf32>
    %sub3A_92 = arith.subf %reduce_max3A_85, %mul3A_91 : vector<256xf32>
    %swap3A_93 = arith.constant 3 : index
    %swap3A_94 = arith.constant 0 : index
    %swap3A_95 = arith.constant 0 : index
    %swap3A_96 = vector.load %arg4[%swap3A_93, %swap3A_94, %swap3A_95] : memref<16x1x256xf32, #tpu.memory_space<vmem>>, vector<1x1x256xf32>
    %swap3A_97 = vector.shape_cast %swap3A_96 : vector<1x1x256xf32> to vector<256xf32>
    %swap3A_98 = vector.shape_cast %sub3A_92 : vector<256xf32> to vector<1x1x256xf32>
    tpu.vector_store %arg4[%swap3A_93, %swap3A_94, %swap3A_95], %swap3A_98 {strides = array<i32>} : memref<16x1x256xf32, #tpu.memory_space<vmem>>, vector<1x1x256xf32>,
    %get3A_99 = arith.constant 0 : index
    %get3A_100 = arith.constant 256 : index
    %get3A_101 = vector.load %arg1[%get3A_99, %get3A_100] : memref<256x1024xf32, #tpu.memory_space<vmem>>, vector<256x64xf32>
    %get3A_102 = arith.constant 0 : index
    %get3A_103 = arith.constant 256 : index
    %get3A_104 = vector.load %arg2[%get3A_102, %get3A_103] : memref<2048x1024xf32, #tpu.memory_space<vmem>>, vector<2048x64xf32>
    %dot_general3A_105 = arith.constant dense<0.000000e+00> : vector<256x2048xf32>
    %dot_general3A_106 = tpu.matmul %get3A_101, %get3A_104, %dot_general3A_105 {dimension_numbers = #tpu.dot_dimension_numbers<[1], [1], [0], [0], [0, 0, 1, 0], [], []>, transpose_lhs_hint = false} : vector<256x64xf32>, vector<2048x64xf32>, vector<256x2048xf32> -> vector<256x2048xf32>
    %jit3A_107 = arith.constant -1.000000e+30 : f32
    %broadcast_in_dim3A_108 = vector.broadcast %jit3A_107 : f32 to vector<256x2048xf32>
    %select_n3A_109 = arith.select %gt3A_3, %dot_general3A_106, %broadcast_in_dim3A_108 : vector<256x2048xi1>, vector<256x2048xf32>
    %reduce_max3A_110 = arith.constant dense<0xFF800000> : vector<256xf32>
    %reduce_max3A_111 = vector.multi_reduction <maximumf>, %select_n3A_109, %reduce_max3A_110 [1] : vector<256x2048xf32> to vector<256xf32>
    %mul3A_112 = arith.mulf %dot_general3A_106, %convert_element_type3A : vector<256x2048xf32>
    %reduce_sum3A_113 = arith.constant dense<0.000000e+00> : vector<256xf32>
    %reduce_sum3A_114 = vector.multi_reduction <add>, %mul3A_112, %reduce_sum3A_113 [1] : vector<256x2048xf32> to vector<256xf32>
    %mul3A_115 = arith.constant 4.8828125E-4 : f32
    %mul3A_116 = vector.broadcast %mul3A_115 : f32 to vector<256xf32>
    %mul3A_117 = arith.mulf %reduce_sum3A_114, %mul3A_116 : vector<256xf32>
    %sub3A_118 = arith.subf %reduce_max3A_111, %mul3A_117 : vector<256xf32>
    %swap3A_119 = arith.constant 4 : index
    %swap3A_120 = arith.constant 0 : index
    %swap3A_121 = arith.constant 0 : index
    %swap3A_122 = vector.load %arg4[%swap3A_119, %swap3A_120, %swap3A_121] : memref<16x1x256xf32, #tpu.memory_space<vmem>>, vector<1x1x256xf32>
    %swap3A_123 = vector.shape_cast %swap3A_122 : vector<1x1x256xf32> to vector<256xf32>
    %swap3A_124 = vector.shape_cast %sub3A_118 : vector<256xf32> to vector<1x1x256xf32>
    tpu.vector_store %arg4[%swap3A_119, %swap3A_120, %swap3A_121], %swap3A_124 {strides = array<i32>} : memref<16x1x256xf32, #tpu.memory_space<vmem>>, vector<1x1x256xf32>,
    %get3A_125 = arith.constant 0 : index
    %get3A_126 = arith.constant 320 : index
    %get3A_127 = vector.load %arg1[%get3A_125, %get3A_126] : memref<256x1024xf32, #tpu.memory_space<vmem>>, vector<256x64xf32>
    %get3A_128 = arith.constant 0 : index
    %get3A_129 = arith.constant 320 : index
    %get3A_130 = vector.load %arg2[%get3A_128, %get3A_129] : memref<2048x1024xf32, #tpu.memory_space<vmem>>, vector<2048x64xf32>
    %dot_general3A_131 = arith.constant dense<0.000000e+00> : vector<256x2048xf32>
    %dot_general3A_132 = tpu.matmul %get3A_127, %get3A_130, %dot_general3A_131 {dimension_numbers = #tpu.dot_dimension_numbers<[1], [1], [0], [0], [0, 0, 1, 0], [], []>, transpose_lhs_hint = false} : vector<256x64xf32>, vector<2048x64xf32>, vector<256x2048xf32> -> vector<256x2048xf32>
    %jit3A_133 = arith.constant -1.000000e+30 : f32
    %broadcast_in_dim3A_134 = vector.broadcast %jit3A_133 : f32 to vector<256x2048xf32>
    %select_n3A_135 = arith.select %gt3A_3, %dot_general3A_132, %broadcast_in_dim3A_134 : vector<256x2048xi1>, vector<256x2048xf32>
    %reduce_max3A_136 = arith.constant dense<0xFF800000> : vector<256xf32>
    %reduce_max3A_137 = vector.multi_reduction <maximumf>, %select_n3A_135, %reduce_max3A_136 [1] : vector<256x2048xf32> to vector<256xf32>
    %mul3A_138 = arith.mulf %dot_general3A_132, %convert_element_type3A : vector<256x2048xf32>
    %reduce_sum3A_139 = arith.constant dense<0.000000e+00> : vector<256xf32>
    %reduce_sum3A_140 = vector.multi_reduction <add>, %mul3A_138, %reduce_sum3A_139 [1] : vector<256x2048xf32> to vector<256xf32>
    %mul3A_141 = arith.constant 4.8828125E-4 : f32
    %mul3A_142 = vector.broadcast %mul3A_141 : f32 to vector<256xf32>
    %mul3A_143 = arith.mulf %reduce_sum3A_140, %mul3A_142 : vector<256xf32>
    %sub3A_144 = arith.subf %reduce_max3A_137, %mul3A_143 : vector<256xf32>
    %swap3A_145 = arith.constant 5 : index
    %swap3A_146 = arith.constant 0 : index
    %swap3A_147 = arith.constant 0 : index
    %swap3A_148 = vector.load %arg4[%swap3A_145, %swap3A_146, %swap3A_147] : memref<16x1x256xf32, #tpu.memory_space<vmem>>, vector<1x1x256xf32>
    %swap3A_149 = vector.shape_cast %swap3A_148 : vector<1x1x256xf32> to vector<256xf32>
    %swap3A_150 = vector.shape_cast %sub3A_144 : vector<256xf32> to vector<1x1x256xf32>
    tpu.vector_store %arg4[%swap3A_145, %swap3A_146, %swap3A_147], %swap3A_150 {strides = array<i32>} : memref<16x1x256xf32, #tpu.memory_space<vmem>>, vector<1x1x256xf32>,
    %get3A_151 = arith.constant 0 : index
    %get3A_152 = arith.constant 384 : index
    %get3A_153 = vector.load %arg1[%get3A_151, %get3A_152] : memref<256x1024xf32, #tpu.memory_space<vmem>>, vector<256x64xf32>
    %get3A_154 = arith.constant 0 : index
    %get3A_155 = arith.constant 384 : index
    %get3A_156 = vector.load %arg2[%get3A_154, %get3A_155] : memref<2048x1024xf32, #tpu.memory_space<vmem>>, vector<2048x64xf32>
    %dot_general3A_157 = arith.constant dense<0.000000e+00> : vector<256x2048xf32>
    %dot_general3A_158 = tpu.matmul %get3A_153, %get3A_156, %dot_general3A_157 {dimension_numbers = #tpu.dot_dimension_numbers<[1], [1], [0], [0], [0, 0, 1, 0], [], []>, transpose_lhs_hint = false} : vector<256x64xf32>, vector<2048x64xf32>, vector<256x2048xf32> -> vector<256x2048xf32>
    %jit3A_159 = arith.constant -1.000000e+30 : f32
    %broadcast_in_dim3A_160 = vector.broadcast %jit3A_159 : f32 to vector<256x2048xf32>
    %select_n3A_161 = arith.select %gt3A_3, %dot_general3A_158, %broadcast_in_dim3A_160 : vector<256x2048xi1>, vector<256x2048xf32>
    %reduce_max3A_162 = arith.constant dense<0xFF800000> : vector<256xf32>
    %reduce_max3A_163 = vector.multi_reduction <maximumf>, %select_n3A_161, %reduce_max3A_162 [1] : vector<256x2048xf32> to vector<256xf32>
    %mul3A_164 = arith.mulf %dot_general3A_158, %convert_element_type3A : vector<256x2048xf32>
    %reduce_sum3A_165 = arith.constant dense<0.000000e+00> : vector<256xf32>
    %reduce_sum3A_166 = vector.multi_reduction <add>, %mul3A_164, %reduce_sum3A_165 [1] : vector<256x2048xf32> to vector<256xf32>
    %mul3A_167 = arith.constant 4.8828125E-4 : f32
    %mul3A_168 = vector.broadcast %mul3A_167 : f32 to vector<256xf32>
    %mul3A_169 = arith.mulf %reduce_sum3A_166, %mul3A_168 : vector<256xf32>
    %sub3A_170 = arith.subf %reduce_max3A_163, %mul3A_169 : vector<256xf32>
    %swap3A_171 = arith.constant 6 : index
    %swap3A_172 = arith.constant 0 : index
    %swap3A_173 = arith.constant 0 : index
    %swap3A_174 = vector.load %arg4[%swap3A_171, %swap3A_172, %swap3A_173] : memref<16x1x256xf32, #tpu.memory_space<vmem>>, vector<1x1x256xf32>
    %swap3A_175 = vector.shape_cast %swap3A_174 : vector<1x1x256xf32> to vector<256xf32>
    %swap3A_176 = vector.shape_cast %sub3A_170 : vector<256xf32> to vector<1x1x256xf32>
    tpu.vector_store %arg4[%swap3A_171, %swap3A_172, %swap3A_173], %swap3A_176 {strides = array<i32>} : memref<16x1x256xf32, #tpu.memory_space<vmem>>, vector<1x1x256xf32>,
    %get3A_177 = arith.constant 0 : index
    %get3A_178 = arith.constant 448 : index
    %get3A_179 = vector.load %arg1[%get3A_177, %get3A_178] : memref<256x1024xf32, #tpu.memory_space<vmem>>, vector<256x64xf32>
    %get3A_180 = arith.constant 0 : index
    %get3A_181 = arith.constant 448 : index
    %get3A_182 = vector.load %arg2[%get3A_180, %get3A_181] : memref<2048x1024xf32, #tpu.memory_space<vmem>>, vector<2048x64xf32>
    %dot_general3A_183 = arith.constant dense<0.000000e+00> : vector<256x2048xf32>
    %dot_general3A_184 = tpu.matmul %get3A_179, %get3A_182, %dot_general3A_183 {dimension_numbers = #tpu.dot_dimension_numbers<[1], [1], [0], [0], [0, 0, 1, 0], [], []>, transpose_lhs_hint = false} : vector<256x64xf32>, vector<2048x64xf32>, vector<256x2048xf32> -> vector<256x2048xf32>
    %jit3A_185 = arith.constant -1.000000e+30 : f32
    %broadcast_in_dim3A_186 = vector.broadcast %jit3A_185 : f32 to vector<256x2048xf32>
    %select_n3A_187 = arith.select %gt3A_3, %dot_general3A_184, %broadcast_in_dim3A_186 : vector<256x2048xi1>, vector<256x2048xf32>
    %reduce_max3A_188 = arith.constant dense<0xFF800000> : vector<256xf32>
    %reduce_max3A_189 = vector.multi_reduction <maximumf>, %select_n3A_187, %reduce_max3A_188 [1] : vector<256x2048xf32> to vector<256xf32>
    %mul3A_190 = arith.mulf %dot_general3A_184, %convert_element_type3A : vector<256x2048xf32>
    %reduce_sum3A_191 = arith.constant dense<0.000000e+00> : vector<256xf32>
    %reduce_sum3A_192 = vector.multi_reduction <add>, %mul3A_190, %reduce_sum3A_191 [1] : vector<256x2048xf32> to vector<256xf32>
    %mul3A_193 = arith.constant 4.8828125E-4 : f32
    %mul3A_194 = vector.broadcast %mul3A_193 : f32 to vector<256xf32>
    %mul3A_195 = arith.mulf %reduce_sum3A_192, %mul3A_194 : vector<256xf32>
    %sub3A_196 = arith.subf %reduce_max3A_189, %mul3A_195 : vector<256xf32>
    %swap3A_197 = arith.constant 7 : index
    %swap3A_198 = arith.constant 0 : index
    %swap3A_199 = arith.constant 0 : index
    %swap3A_200 = vector.load %arg4[%swap3A_197, %swap3A_198, %swap3A_199] : memref<16x1x256xf32, #tpu.memory_space<vmem>>, vector<1x1x256xf32>
    %swap3A_201 = vector.shape_cast %swap3A_200 : vector<1x1x256xf32> to vector<256xf32>
    %swap3A_202 = vector.shape_cast %sub3A_196 : vector<256xf32> to vector<1x1x256xf32>
    tpu.vector_store %arg4[%swap3A_197, %swap3A_198, %swap3A_199], %swap3A_202 {strides = array<i32>} : memref<16x1x256xf32, #tpu.memory_space<vmem>>, vector<1x1x256xf32>,
    %get3A_203 = arith.constant 0 : index
    %get3A_204 = arith.constant 512 : index
    %get3A_205 = vector.load %arg1[%get3A_203, %get3A_204] : memref<256x1024xf32, #tpu.memory_space<vmem>>, vector<256x64xf32>
    %get3A_206 = arith.constant 0 : index
    %get3A_207 = arith.constant 512 : index
    %get3A_208 = vector.load %arg2[%get3A_206, %get3A_207] : memref<2048x1024xf32, #tpu.memory_space<vmem>>, vector<2048x64xf32>
    %dot_general3A_209 = arith.constant dense<0.000000e+00> : vector<256x2048xf32>
    %dot_general3A_210 = tpu.matmul %get3A_205, %get3A_208, %dot_general3A_209 {dimension_numbers = #tpu.dot_dimension_numbers<[1], [1], [0], [0], [0, 0, 1, 0], [], []>, transpose_lhs_hint = false} : vector<256x64xf32>, vector<2048x64xf32>, vector<256x2048xf32> -> vector<256x2048xf32>
    %jit3A_211 = arith.constant -1.000000e+30 : f32
    %broadcast_in_dim3A_212 = vector.broadcast %jit3A_211 : f32 to vector<256x2048xf32>
    %select_n3A_213 = arith.select %gt3A_3, %dot_general3A_210, %broadcast_in_dim3A_212 : vector<256x2048xi1>, vector<256x2048xf32>
    %reduce_max3A_214 = arith.constant dense<0xFF800000> : vector<256xf32>
    %reduce_max3A_215 = vector.multi_reduction <maximumf>, %select_n3A_213, %reduce_max3A_214 [1] : vector<256x2048xf32> to vector<256xf32>
    %mul3A_216 = arith.mulf %dot_general3A_210, %convert_element_type3A : vector<256x2048xf32>
    %reduce_sum3A_217 = arith.constant dense<0.000000e+00> : vector<256xf32>
    %reduce_sum3A_218 = vector.multi_reduction <add>, %mul3A_216, %reduce_sum3A_217 [1] : vector<256x2048xf32> to vector<256xf32>
    %mul3A_219 = arith.constant 4.8828125E-4 : f32
    %mul3A_220 = vector.broadcast %mul3A_219 : f32 to vector<256xf32>
    %mul3A_221 = arith.mulf %reduce_sum3A_218, %mul3A_220 : vector<256xf32>
    %sub3A_222 = arith.subf %reduce_max3A_215, %mul3A_221 : vector<256xf32>
    %swap3A_223 = arith.constant 8 : index
    %swap3A_224 = arith.constant 0 : index
    %swap3A_225 = arith.constant 0 : index
    %swap3A_226 = vector.load %arg4[%swap3A_223, %swap3A_224, %swap3A_225] : memref<16x1x256xf32, #tpu.memory_space<vmem>>, vector<1x1x256xf32>
    %swap3A_227 = vector.shape_cast %swap3A_226 : vector<1x1x256xf32> to vector<256xf32>
    %swap3A_228 = vector.shape_cast %sub3A_222 : vector<256xf32> to vector<1x1x256xf32>
    tpu.vector_store %arg4[%swap3A_223, %swap3A_224, %swap3A_225], %swap3A_228 {strides = array<i32>} : memref<16x1x256xf32, #tpu.memory_space<vmem>>, vector<1x1x256xf32>,
    %get3A_229 = arith.constant 0 : index
    %get3A_230 = arith.constant 576 : index
    %get3A_231 = vector.load %arg1[%get3A_229, %get3A_230] : memref<256x1024xf32, #tpu.memory_space<vmem>>, vector<256x64xf32>
    %get3A_232 = arith.constant 0 : index
    %get3A_233 = arith.constant 576 : index
    %get3A_234 = vector.load %arg2[%get3A_232, %get3A_233] : memref<2048x1024xf32, #tpu.memory_space<vmem>>, vector<2048x64xf32>
    %dot_general3A_235 = arith.constant dense<0.000000e+00> : vector<256x2048xf32>
    %dot_general3A_236 = tpu.matmul %get3A_231, %get3A_234, %dot_general3A_235 {dimension_numbers = #tpu.dot_dimension_numbers<[1], [1], [0], [0], [0, 0, 1, 0], [], []>, transpose_lhs_hint = false} : vector<256x64xf32>, vector<2048x64xf32>, vector<256x2048xf32> -> vector<256x2048xf32>
    %jit3A_237 = arith.constant -1.000000e+30 : f32
    %broadcast_in_dim3A_238 = vector.broadcast %jit3A_237 : f32 to vector<256x2048xf32>
    %select_n3A_239 = arith.select %gt3A_3, %dot_general3A_236, %broadcast_in_dim3A_238 : vector<256x2048xi1>, vector<256x2048xf32>
    %reduce_max3A_240 = arith.constant dense<0xFF800000> : vector<256xf32>
    %reduce_max3A_241 = vector.multi_reduction <maximumf>, %select_n3A_239, %reduce_max3A_240 [1] : vector<256x2048xf32> to vector<256xf32>
    %mul3A_242 = arith.mulf %dot_general3A_236, %convert_element_type3A : vector<256x2048xf32>
    %reduce_sum3A_243 = arith.constant dense<0.000000e+00> : vector<256xf32>
    %reduce_sum3A_244 = vector.multi_reduction <add>, %mul3A_242, %reduce_sum3A_243 [1] : vector<256x2048xf32> to vector<256xf32>
    %mul3A_245 = arith.constant 4.8828125E-4 : f32
    %mul3A_246 = vector.broadcast %mul3A_245 : f32 to vector<256xf32>
    %mul3A_247 = arith.mulf %reduce_sum3A_244, %mul3A_246 : vector<256xf32>
    %sub3A_248 = arith.subf %reduce_max3A_241, %mul3A_247 : vector<256xf32>
    %swap3A_249 = arith.constant 9 : index
    %swap3A_250 = arith.constant 0 : index
    %swap3A_251 = arith.constant 0 : index
    %swap3A_252 = vector.load %arg4[%swap3A_249, %swap3A_250, %swap3A_251] : memref<16x1x256xf32, #tpu.memory_space<vmem>>, vector<1x1x256xf32>
    %swap3A_253 = vector.shape_cast %swap3A_252 : vector<1x1x256xf32> to vector<256xf32>
    %swap3A_254 = vector.shape_cast %sub3A_248 : vector<256xf32> to vector<1x1x256xf32>
    tpu.vector_store %arg4[%swap3A_249, %swap3A_250, %swap3A_251], %swap3A_254 {strides = array<i32>} : memref<16x1x256xf32, #tpu.memory_space<vmem>>, vector<1x1x256xf32>,
    %get3A_255 = arith.constant 0 : index
    %get3A_256 = arith.constant 640 : index
    %get3A_257 = vector.load %arg1[%get3A_255, %get3A_256] : memref<256x1024xf32, #tpu.memory_space<vmem>>, vector<256x64xf32>
    %get3A_258 = arith.constant 0 : index
    %get3A_259 = arith.constant 640 : index
    %get3A_260 = vector.load %arg2[%get3A_258, %get3A_259] : memref<2048x1024xf32, #tpu.memory_space<vmem>>, vector<2048x64xf32>
    %dot_general3A_261 = arith.constant dense<0.000000e+00> : vector<256x2048xf32>
    %dot_general3A_262 = tpu.matmul %get3A_257, %get3A_260, %dot_general3A_261 {dimension_numbers = #tpu.dot_dimension_numbers<[1], [1], [0], [0], [0, 0, 1, 0], [], []>, transpose_lhs_hint = false} : vector<256x64xf32>, vector<2048x64xf32>, vector<256x2048xf32> -> vector<256x2048xf32>
    %jit3A_263 = arith.constant -1.000000e+30 : f32
    %broadcast_in_dim3A_264 = vector.broadcast %jit3A_263 : f32 to vector<256x2048xf32>
    %select_n3A_265 = arith.select %gt3A_3, %dot_general3A_262, %broadcast_in_dim3A_264 : vector<256x2048xi1>, vector<256x2048xf32>
    %reduce_max3A_266 = arith.constant dense<0xFF800000> : vector<256xf32>
    %reduce_max3A_267 = vector.multi_reduction <maximumf>, %select_n3A_265, %reduce_max3A_266 [1] : vector<256x2048xf32> to vector<256xf32>
    %mul3A_268 = arith.mulf %dot_general3A_262, %convert_element_type3A : vector<256x2048xf32>
    %reduce_sum3A_269 = arith.constant dense<0.000000e+00> : vector<256xf32>
    %reduce_sum3A_270 = vector.multi_reduction <add>, %mul3A_268, %reduce_sum3A_269 [1] : vector<256x2048xf32> to vector<256xf32>
    %mul3A_271 = arith.constant 4.8828125E-4 : f32
    %mul3A_272 = vector.broadcast %mul3A_271 : f32 to vector<256xf32>
    %mul3A_273 = arith.mulf %reduce_sum3A_270, %mul3A_272 : vector<256xf32>
    %sub3A_274 = arith.subf %reduce_max3A_267, %mul3A_273 : vector<256xf32>
    %swap3A_275 = arith.constant 10 : index
    %swap3A_276 = arith.constant 0 : index
    %swap3A_277 = arith.constant 0 : index
    %swap3A_278 = vector.load %arg4[%swap3A_275, %swap3A_276, %swap3A_277] : memref<16x1x256xf32, #tpu.memory_space<vmem>>, vector<1x1x256xf32>
    %swap3A_279 = vector.shape_cast %swap3A_278 : vector<1x1x256xf32> to vector<256xf32>
    %swap3A_280 = vector.shape_cast %sub3A_274 : vector<256xf32> to vector<1x1x256xf32>
    tpu.vector_store %arg4[%swap3A_275, %swap3A_276, %swap3A_277], %swap3A_280 {strides = array<i32>} : memref<16x1x256xf32, #tpu.memory_space<vmem>>, vector<1x1x256xf32>,
    %get3A_281 = arith.constant 0 : index
    %get3A_282 = arith.constant 704 : index
    %get3A_283 = vector.load %arg1[%get3A_281, %get3A_282] : memref<256x1024xf32, #tpu.memory_space<vmem>>, vector<256x64xf32>
    %get3A_284 = arith.constant 0 : index
    %get3A_285 = arith.constant 704 : index
    %get3A_286 = vector.load %arg2[%get3A_284, %get3A_285] : memref<2048x1024xf32, #tpu.memory_space<vmem>>, vector<2048x64xf32>
    %dot_general3A_287 = arith.constant dense<0.000000e+00> : vector<256x2048xf32>
    %dot_general3A_288 = tpu.matmul %get3A_283, %get3A_286, %dot_general3A_287 {dimension_numbers = #tpu.dot_dimension_numbers<[1], [1], [0], [0], [0, 0, 1, 0], [], []>, transpose_lhs_hint = false} : vector<256x64xf32>, vector<2048x64xf32>, vector<256x2048xf32> -> vector<256x2048xf32>
    %jit3A_289 = arith.constant -1.000000e+30 : f32
    %broadcast_in_dim3A_290 = vector.broadcast %jit3A_289 : f32 to vector<256x2048xf32>
    %select_n3A_291 = arith.select %gt3A_3, %dot_general3A_288, %broadcast_in_dim3A_290 : vector<256x2048xi1>, vector<256x2048xf32>
    %reduce_max3A_292 = arith.constant dense<0xFF800000> : vector<256xf32>
    %reduce_max3A_293 = vector.multi_reduction <maximumf>, %select_n3A_291, %reduce_max3A_292 [1] : vector<256x2048xf32> to vector<256xf32>
    %mul3A_294 = arith.mulf %dot_general3A_288, %convert_element_type3A : vector<256x2048xf32>
    %reduce_sum3A_295 = arith.constant dense<0.000000e+00> : vector<256xf32>
    %reduce_sum3A_296 = vector.multi_reduction <add>, %mul3A_294, %reduce_sum3A_295 [1] : vector<256x2048xf32> to vector<256xf32>
    %mul3A_297 = arith.constant 4.8828125E-4 : f32
    %mul3A_298 = vector.broadcast %mul3A_297 : f32 to vector<256xf32>
    %mul3A_299 = arith.mulf %reduce_sum3A_296, %mul3A_298 : vector<256xf32>
    %sub3A_300 = arith.subf %reduce_max3A_293, %mul3A_299 : vector<256xf32>
    %swap3A_301 = arith.constant 11 : index
    %swap3A_302 = arith.constant 0 : index
    %swap3A_303 = arith.constant 0 : index
    %swap3A_304 = vector.load %arg4[%swap3A_301, %swap3A_302, %swap3A_303] : memref<16x1x256xf32, #tpu.memory_space<vmem>>, vector<1x1x256xf32>
    %swap3A_305 = vector.shape_cast %swap3A_304 : vector<1x1x256xf32> to vector<256xf32>
    %swap3A_306 = vector.shape_cast %sub3A_300 : vector<256xf32> to vector<1x1x256xf32>
    tpu.vector_store %arg4[%swap3A_301, %swap3A_302, %swap3A_303], %swap3A_306 {strides = array<i32>} : memref<16x1x256xf32, #tpu.memory_space<vmem>>, vector<1x1x256xf32>,
    %get3A_307 = arith.constant 0 : index
    %get3A_308 = arith.constant 768 : index
    %get3A_309 = vector.load %arg1[%get3A_307, %get3A_308] : memref<256x1024xf32, #tpu.memory_space<vmem>>, vector<256x64xf32>
    %get3A_310 = arith.constant 0 : index
    %get3A_311 = arith.constant 768 : index
    %get3A_312 = vector.load %arg2[%get3A_310, %get3A_311] : memref<2048x1024xf32, #tpu.memory_space<vmem>>, vector<2048x64xf32>
    %dot_general3A_313 = arith.constant dense<0.000000e+00> : vector<256x2048xf32>
    %dot_general3A_314 = tpu.matmul %get3A_309, %get3A_312, %dot_general3A_313 {dimension_numbers = #tpu.dot_dimension_numbers<[1], [1], [0], [0], [0, 0, 1, 0], [], []>, transpose_lhs_hint = false} : vector<256x64xf32>, vector<2048x64xf32>, vector<256x2048xf32> -> vector<256x2048xf32>
    %jit3A_315 = arith.constant -1.000000e+30 : f32
    %broadcast_in_dim3A_316 = vector.broadcast %jit3A_315 : f32 to vector<256x2048xf32>
    %select_n3A_317 = arith.select %gt3A_3, %dot_general3A_314, %broadcast_in_dim3A_316 : vector<256x2048xi1>, vector<256x2048xf32>
    %reduce_max3A_318 = arith.constant dense<0xFF800000> : vector<256xf32>
    %reduce_max3A_319 = vector.multi_reduction <maximumf>, %select_n3A_317, %reduce_max3A_318 [1] : vector<256x2048xf32> to vector<256xf32>
    %mul3A_320 = arith.mulf %dot_general3A_314, %convert_element_type3A : vector<256x2048xf32>
    %reduce_sum3A_321 = arith.constant dense<0.000000e+00> : vector<256xf32>
    %reduce_sum3A_322 = vector.multi_reduction <add>, %mul3A_320, %reduce_sum3A_321 [1] : vector<256x2048xf32> to vector<256xf32>
    %mul3A_323 = arith.constant 4.8828125E-4 : f32
    %mul3A_324 = vector.broadcast %mul3A_323 : f32 to vector<256xf32>
    %mul3A_325 = arith.mulf %reduce_sum3A_322, %mul3A_324 : vector<256xf32>
    %sub3A_326 = arith.subf %reduce_max3A_319, %mul3A_325 : vector<256xf32>
    %swap3A_327 = arith.constant 12 : index
    %swap3A_328 = arith.constant 0 : index
    %swap3A_329 = arith.constant 0 : index
    %swap3A_330 = vector.load %arg4[%swap3A_327, %swap3A_328, %swap3A_329] : memref<16x1x256xf32, #tpu.memory_space<vmem>>, vector<1x1x256xf32>
    %swap3A_331 = vector.shape_cast %swap3A_330 : vector<1x1x256xf32> to vector<256xf32>
    %swap3A_332 = vector.shape_cast %sub3A_326 : vector<256xf32> to vector<1x1x256xf32>
    tpu.vector_store %arg4[%swap3A_327, %swap3A_328, %swap3A_329], %swap3A_332 {strides = array<i32>} : memref<16x1x256xf32, #tpu.memory_space<vmem>>, vector<1x1x256xf32>,
    %get3A_333 = arith.constant 0 : index
    %get3A_334 = arith.constant 832 : index
    %get3A_335 = vector.load %arg1[%get3A_333, %get3A_334] : memref<256x1024xf32, #tpu.memory_space<vmem>>, vector<256x64xf32>
    %get3A_336 = arith.constant 0 : index
    %get3A_337 = arith.constant 832 : index
    %get3A_338 = vector.load %arg2[%get3A_336, %get3A_337] : memref<2048x1024xf32, #tpu.memory_space<vmem>>, vector<2048x64xf32>
    %dot_general3A_339 = arith.constant dense<0.000000e+00> : vector<256x2048xf32>
    %dot_general3A_340 = tpu.matmul %get3A_335, %get3A_338, %dot_general3A_339 {dimension_numbers = #tpu.dot_dimension_numbers<[1], [1], [0], [0], [0, 0, 1, 0], [], []>, transpose_lhs_hint = false} : vector<256x64xf32>, vector<2048x64xf32>, vector<256x2048xf32> -> vector<256x2048xf32>
    %jit3A_341 = arith.constant -1.000000e+30 : f32
    %broadcast_in_dim3A_342 = vector.broadcast %jit3A_341 : f32 to vector<256x2048xf32>
    %select_n3A_343 = arith.select %gt3A_3, %dot_general3A_340, %broadcast_in_dim3A_342 : vector<256x2048xi1>, vector<256x2048xf32>
    %reduce_max3A_344 = arith.constant dense<0xFF800000> : vector<256xf32>
    %reduce_max3A_345 = vector.multi_reduction <maximumf>, %select_n3A_343, %reduce_max3A_344 [1] : vector<256x2048xf32> to vector<256xf32>
    %mul3A_346 = arith.mulf %dot_general3A_340, %convert_element_type3A : vector<256x2048xf32>
    %reduce_sum3A_347 = arith.constant dense<0.000000e+00> : vector<256xf32>
    %reduce_sum3A_348 = vector.multi_reduction <add>, %mul3A_346, %reduce_sum3A_347 [1] : vector<256x2048xf32> to vector<256xf32>
    %mul3A_349 = arith.constant 4.8828125E-4 : f32
    %mul3A_350 = vector.broadcast %mul3A_349 : f32 to vector<256xf32>
    %mul3A_351 = arith.mulf %reduce_sum3A_348, %mul3A_350 : vector<256xf32>
    %sub3A_352 = arith.subf %reduce_max3A_345, %mul3A_351 : vector<256xf32>
    %swap3A_353 = arith.constant 13 : index
    %swap3A_354 = arith.constant 0 : index
    %swap3A_355 = arith.constant 0 : index
    %swap3A_356 = vector.load %arg4[%swap3A_353, %swap3A_354, %swap3A_355] : memref<16x1x256xf32, #tpu.memory_space<vmem>>, vector<1x1x256xf32>
    %swap3A_357 = vector.shape_cast %swap3A_356 : vector<1x1x256xf32> to vector<256xf32>
    %swap3A_358 = vector.shape_cast %sub3A_352 : vector<256xf32> to vector<1x1x256xf32>
    tpu.vector_store %arg4[%swap3A_353, %swap3A_354, %swap3A_355], %swap3A_358 {strides = array<i32>} : memref<16x1x256xf32, #tpu.memory_space<vmem>>, vector<1x1x256xf32>,
    %get3A_359 = arith.constant 0 : index
    %get3A_360 = arith.constant 896 : index
    %get3A_361 = vector.load %arg1[%get3A_359, %get3A_360] : memref<256x1024xf32, #tpu.memory_space<vmem>>, vector<256x64xf32>
    %get3A_362 = arith.constant 0 : index
    %get3A_363 = arith.constant 896 : index
    %get3A_364 = vector.load %arg2[%get3A_362, %get3A_363] : memref<2048x1024xf32, #tpu.memory_space<vmem>>, vector<2048x64xf32>
    %dot_general3A_365 = arith.constant dense<0.000000e+00> : vector<256x2048xf32>
    %dot_general3A_366 = tpu.matmul %get3A_361, %get3A_364, %dot_general3A_365 {dimension_numbers = #tpu.dot_dimension_numbers<[1], [1], [0], [0], [0, 0, 1, 0], [], []>, transpose_lhs_hint = false} : vector<256x64xf32>, vector<2048x64xf32>, vector<256x2048xf32> -> vector<256x2048xf32>
    %jit3A_367 = arith.constant -1.000000e+30 : f32
    %broadcast_in_dim3A_368 = vector.broadcast %jit3A_367 : f32 to vector<256x2048xf32>
    %select_n3A_369 = arith.select %gt3A_3, %dot_general3A_366, %broadcast_in_dim3A_368 : vector<256x2048xi1>, vector<256x2048xf32>
    %reduce_max3A_370 = arith.constant dense<0xFF800000> : vector<256xf32>
    %reduce_max3A_371 = vector.multi_reduction <maximumf>, %select_n3A_369, %reduce_max3A_370 [1] : vector<256x2048xf32> to vector<256xf32>
    %mul3A_372 = arith.mulf %dot_general3A_366, %convert_element_type3A : vector<256x2048xf32>
    %reduce_sum3A_373 = arith.constant dense<0.000000e+00> : vector<256xf32>
    %reduce_sum3A_374 = vector.multi_reduction <add>, %mul3A_372, %reduce_sum3A_373 [1] : vector<256x2048xf32> to vector<256xf32>
    %mul3A_375 = arith.constant 4.8828125E-4 : f32
    %mul3A_376 = vector.broadcast %mul3A_375 : f32 to vector<256xf32>
    %mul3A_377 = arith.mulf %reduce_sum3A_374, %mul3A_376 : vector<256xf32>
    %sub3A_378 = arith.subf %reduce_max3A_371, %mul3A_377 : vector<256xf32>
    %swap3A_379 = arith.constant 14 : index
    %swap3A_380 = arith.constant 0 : index
    %swap3A_381 = arith.constant 0 : index
    %swap3A_382 = vector.load %arg4[%swap3A_379, %swap3A_380, %swap3A_381] : memref<16x1x256xf32, #tpu.memory_space<vmem>>, vector<1x1x256xf32>
    %swap3A_383 = vector.shape_cast %swap3A_382 : vector<1x1x256xf32> to vector<256xf32>
    %swap3A_384 = vector.shape_cast %sub3A_378 : vector<256xf32> to vector<1x1x256xf32>
    tpu.vector_store %arg4[%swap3A_379, %swap3A_380, %swap3A_381], %swap3A_384 {strides = array<i32>} : memref<16x1x256xf32, #tpu.memory_space<vmem>>, vector<1x1x256xf32>,
    %get3A_385 = arith.constant 0 : index
    %get3A_386 = arith.constant 960 : index
    %get3A_387 = vector.load %arg1[%get3A_385, %get3A_386] : memref<256x1024xf32, #tpu.memory_space<vmem>>, vector<256x64xf32>
    %get3A_388 = arith.constant 0 : index
    %get3A_389 = arith.constant 960 : index
    %get3A_390 = vector.load %arg2[%get3A_388, %get3A_389] : memref<2048x1024xf32, #tpu.memory_space<vmem>>, vector<2048x64xf32>
    %dot_general3A_391 = arith.constant dense<0.000000e+00> : vector<256x2048xf32>
    %dot_general3A_392 = tpu.matmul %get3A_387, %get3A_390, %dot_general3A_391 {dimension_numbers = #tpu.dot_dimension_numbers<[1], [1], [0], [0], [0, 0, 1, 0], [], []>, transpose_lhs_hint = false} : vector<256x64xf32>, vector<2048x64xf32>, vector<256x2048xf32> -> vector<256x2048xf32>
    %jit3A_393 = arith.constant -1.000000e+30 : f32
    %broadcast_in_dim3A_394 = vector.broadcast %jit3A_393 : f32 to vector<256x2048xf32>
    %select_n3A_395 = arith.select %gt3A_3, %dot_general3A_392, %broadcast_in_dim3A_394 : vector<256x2048xi1>, vector<256x2048xf32>
    %reduce_max3A_396 = arith.constant dense<0xFF800000> : vector<256xf32>
    %reduce_max3A_397 = vector.multi_reduction <maximumf>, %select_n3A_395, %reduce_max3A_396 [1] : vector<256x2048xf32> to vector<256xf32>
    %mul3A_398 = arith.mulf %dot_general3A_392, %convert_element_type3A : vector<256x2048xf32>
    %reduce_sum3A_399 = arith.constant dense<0.000000e+00> : vector<256xf32>
    %reduce_sum3A_400 = vector.multi_reduction <add>, %mul3A_398, %reduce_sum3A_399 [1] : vector<256x2048xf32> to vector<256xf32>
    %mul3A_401 = arith.constant 4.8828125E-4 : f32
    %mul3A_402 = vector.broadcast %mul3A_401 : f32 to vector<256xf32>
    %mul3A_403 = arith.mulf %reduce_sum3A_400, %mul3A_402 : vector<256xf32>
    %sub3A_404 = arith.subf %reduce_max3A_397, %mul3A_403 : vector<256xf32>
    %swap3A_405 = arith.constant 15 : index
    %swap3A_406 = arith.constant 0 : index
    %swap3A_407 = arith.constant 0 : index
    %swap3A_408 = vector.load %arg4[%swap3A_405, %swap3A_406, %swap3A_407] : memref<16x1x256xf32, #tpu.memory_space<vmem>>, vector<1x1x256xf32>
    %swap3A_409 = vector.shape_cast %swap3A_408 : vector<1x1x256xf32> to vector<256xf32>
    %swap3A_410 = vector.shape_cast %sub3A_404 : vector<256xf32> to vector<1x1x256xf32>
    tpu.vector_store %arg4[%swap3A_405, %swap3A_406, %swap3A_407], %swap3A_410 {strides = array<i32>} : memref<16x1x256xf32, #tpu.memory_space<vmem>>, vector<1x1x256xf32>,
    return
  }
  func.func @transform_0(%arg0: i32) -> (i32, i32) {
    %c0_i32 = arith.constant 0 : i32
    %c0_i32_0 = arith.constant 0 : i32
    return %arg0, %c0_i32 : i32, i32
  }
  func.func @transform_1(%arg0: i32) -> (i32, i32) {
    %c0_i32 = arith.constant 0 : i32
    %c0_i32_0 = arith.constant 0 : i32
    %c0_i32_1 = arith.constant 0 : i32
    return %c0_i32, %c0_i32_0 : i32, i32
  }
  func.func @transform_2(%arg0: i32) -> (i32, i32) {
    %c0_i32 = arith.constant 0 : i32
    %c0_i32_0 = arith.constant 0 : i32
    return %arg0, %c0_i32 : i32, i32
  }
  func.func @transform_3(%arg0: i32) -> (i32, i32, i32) {
    %c0_i32 = arith.constant 0 : i32
    %c0_i32_0 = arith.constant 0 : i32
    %c0_i32_1 = arith.constant 0 : i32
    return %c0_i32, %c0_i32_0, %arg0 : i32, i32, i32
  }
}

module attributes {stable_mosaic.version = 14 : i64} {
  func.func @_attn_kernel(%arg0: i32, %arg1: memref<16x40xi32, #tpu.memory_space<vmem>>, %arg2: memref<2048x128xf32, #tpu.memory_space<vmem>>, %arg3: memref<2048x128xf32, #tpu.memory_space<vmem>>, %arg4: memref<2048x128xf32, #tpu.memory_space<vmem>>, %arg5: memref<2x40x64xf32, #tpu.memory_space<vmem>>) attributes {dimension_semantics = [#tpu.dimension_semantics<arbitrary>], iteration_bounds = array<i64: 8>, scalar_prefetch = 0 : i64, scratch_operands = 0 : i64, tpu.core_type = #tpu.core_type<tc>, window_params = [{pipeline_mode = #tpu.pipeline_mode<synchronous>, transform_indices = @transform_0, window_bounds = array<i64: 16, 40>}, {transform_indices = @transform_1, window_bounds = array<i64: 2048, 128>}, {transform_indices = @transform_2, window_bounds = array<i64: 2048, 128>}, {transform_indices = @transform_3, window_bounds = array<i64: 2048, 128>}, {transform_indices = @transform_4, window_bounds = array<i64: 2, 40, 64>}]} {
    %iota3A = tpu.iota {dimensions = array<i32: 1>} : vector<40x2048xi32>
    %iota3A_0 = tpu.iota {dimensions = array<i32: 0>} : vector<40x40xi32>
    %iota3A_1 = tpu.iota {dimensions = array<i32: 1>} : vector<40x40xi32>
    %get3A = arith.constant 0 : index
    %get3A_2 = arith.constant 0 : index
    %get3A_3 = vector.load %arg2[%get3A, %get3A_2] : memref<2048x128xf32, #tpu.memory_space<vmem>>, vector<2048x64xf32>
    %get3A_4 = arith.constant 0 : index
    %get3A_5 = arith.constant 0 : index
    %get3A_6 = vector.load %arg3[%get3A_4, %get3A_5] : memref<2048x128xf32, #tpu.memory_space<vmem>>, vector<2048x64xf32>
    %get3A_7 = arith.constant 0 : index
    %get3A_8 = arith.constant 0 : index
    %get3A_9 = vector.load %arg4[%get3A_7, %get3A_8] : memref<2048x128xf32, #tpu.memory_space<vmem>>, vector<2048x64xf32>
    %mul3A = arith.constant 2 : i32
    %mul3A_10 = arith.muli %mul3A, %arg0 : i32
    %add3A = arith.constant 0 : i32
    %add3A_11 = arith.addi %mul3A_10, %add3A : i32
    %get3A_12 = arith.index_cast %add3A_11 : i32 to index
    %get3A_13 = arith.constant 0 : index
    %get3A_14 = vector.load %arg1[%get3A_12, %get3A_13] : memref<16x40xi32, #tpu.memory_space<vmem>>, vector<1x40xi32>
    %transpose3A = tpu.transpose %get3A_14, [1, 0] : vector<1x40xi32> -> vector<40x1xi32>
    %eq3A = vector.broadcast %transpose3A : vector<40x1xi32> to vector<40x2048xi32>
    %eq3A_15 = arith.cmpi eq, %iota3A, %eq3A : vector<40x2048xi32>
    %convert_element_type3A = arith.extui %eq3A_15 : vector<40x2048xi1> to vector<40x2048xi32>
    %convert_element_type3A_16 = arith.sitofp %convert_element_type3A : vector<40x2048xi32> to vector<40x2048xf32>
    %dot_general3A = arith.constant dense<0.000000e+00> : vector<40x64xf32>
    %dot_general3A_17 = tpu.matmul %convert_element_type3A_16, %get3A_3, %dot_general3A {dimension_numbers = #tpu.dot_dimension_numbers<[1], [0], [0], [1], [0, 0, 1, 1], [], []>, transpose_lhs_hint = false} : vector<40x2048xf32>, vector<2048x64xf32>, vector<40x64xf32> -> vector<40x64xf32>
    %dot_general3A_18 = arith.constant dense<0.000000e+00> : vector<40x2048xf32>
    %dot_general3A_19 = tpu.matmul %dot_general3A_17, %get3A_6, %dot_general3A_18 {dimension_numbers = #tpu.dot_dimension_numbers<[1], [1], [0], [0], [0, 0, 1, 0], [], []>, transpose_lhs_hint = false} : vector<40x64xf32>, vector<2048x64xf32>, vector<40x2048xf32> -> vector<40x2048xf32>
    %mul3A_20 = arith.constant 1.250000e-01 : f32
    %mul3A_21 = vector.broadcast %mul3A_20 : f32 to vector<40x2048xf32>
    %mul3A_22 = arith.mulf %dot_general3A_19, %mul3A_21 : vector<40x2048xf32>
    %reduce_max3A = arith.constant dense<0xFF800000> : vector<40xf32>
    %reduce_max3A_23 = vector.multi_reduction <maximumf>, %mul3A_22, %reduce_max3A [1] : vector<40x2048xf32> to vector<40xf32>
    %broadcast_in_dim3A = vector.shape_cast %reduce_max3A_23 : vector<40xf32> to vector<40x1xf32>
    %sub3A = vector.broadcast %broadcast_in_dim3A : vector<40x1xf32> to vector<40x2048xf32>
    %sub3A_24 = arith.subf %mul3A_22, %sub3A : vector<40x2048xf32>
    %exp3A = math.exp %sub3A_24 : vector<40x2048xf32>
    %reduce_sum3A = arith.constant dense<0.000000e+00> : vector<40xf32>
    %reduce_sum3A_25 = vector.multi_reduction <add>, %exp3A, %reduce_sum3A [1] : vector<40x2048xf32> to vector<40xf32>
    %broadcast_in_dim3A_26 = vector.shape_cast %reduce_sum3A_25 : vector<40xf32> to vector<40x1xf32>
    %div3A = vector.broadcast %broadcast_in_dim3A_26 : vector<40x1xf32> to vector<40x2048xf32>
    %div3A_27 = arith.divf %exp3A, %div3A : vector<40x2048xf32>
    %dot_general3A_28 = arith.constant dense<0.000000e+00> : vector<40x64xf32>
    %dot_general3A_29 = tpu.matmul %div3A_27, %get3A_9, %dot_general3A_28 {dimension_numbers = #tpu.dot_dimension_numbers<[1], [0], [0], [1], [0, 0, 1, 1], [], []>, transpose_lhs_hint = false} : vector<40x2048xf32>, vector<2048x64xf32>, vector<40x64xf32> -> vector<40x64xf32>
    %min3A = arith.constant 39 : i32
    %min3A_30 = vector.broadcast %min3A : i32 to vector<1x40xi32>
    %min3A_31 = arith.minsi %get3A_14, %min3A_30 : vector<1x40xi32>
    %eq3A_32 = vector.broadcast %min3A_31 : vector<1x40xi32> to vector<40x40xi32>
    %eq3A_33 = arith.cmpi eq, %eq3A_32, %iota3A_0 : vector<40x40xi32>
    %jit3A = arith.constant -1 : i32
    %broadcast_in_dim3A_34 = vector.broadcast %jit3A : i32 to vector<40x40xi32>
    %select_n3A = arith.select %eq3A_33, %iota3A_1, %broadcast_in_dim3A_34 : vector<40x40xi1>, vector<40x40xi32>
    %reduce_max3A_35 = arith.constant dense<-2147483648> : vector<40xi32>
    %reduce_max3A_36 = vector.multi_reduction <maxsi>, %select_n3A, %reduce_max3A_35 [1] : vector<40x40xi32> to vector<40xi32>
    %broadcast_in_dim3A_37 = vector.shape_cast %reduce_max3A_36 : vector<40xi32> to vector<40x1xi32>
    %eq3A_38 = vector.broadcast %broadcast_in_dim3A_37 : vector<40x1xi32> to vector<40x40xi32>
    %eq3A_39 = arith.cmpi eq, %iota3A_1, %eq3A_38 : vector<40x40xi32>
    %and3A = arith.andi %eq3A_39, %eq3A_33 : vector<40x40xi1>
    %convert_element_type3A_40 = arith.extui %and3A : vector<40x40xi1> to vector<40x40xi32>
    %convert_element_type3A_41 = arith.sitofp %convert_element_type3A_40 : vector<40x40xi32> to vector<40x40xf32>
    %dot_general3A_42 = arith.constant dense<0.000000e+00> : vector<40x64xf32>
    %dot_general3A_43 = tpu.matmul %convert_element_type3A_41, %dot_general3A_29, %dot_general3A_42 {dimension_numbers = #tpu.dot_dimension_numbers<[1], [0], [0], [1], [0, 0, 1, 1], [], []>, transpose_lhs_hint = false} : vector<40x40xf32>, vector<40x64xf32>, vector<40x64xf32> -> vector<40x64xf32>
    %reduce_sum3A_44 = arith.constant dense<0.000000e+00> : vector<64xf32>
    %reduce_sum3A_45 = vector.multi_reduction <add>, %get3A_9, %reduce_sum3A_44 [0] : vector<2048x64xf32> to vector<64xf32>
    %broadcast_in_dim3A_46 = vector.shape_cast %reduce_sum3A_45 : vector<64xf32> to vector<1x64xf32>
    %div3A_47 = arith.constant 2.048000e+03 : f32
    %div3A_48 = vector.broadcast %div3A_47 : f32 to vector<1x64xf32>
    %div3A_49 = arith.divf %broadcast_in_dim3A_46, %div3A_48 : vector<1x64xf32>
    %lt3A = arith.constant 0 : i32
    %lt3A_50 = vector.broadcast %lt3A : i32 to vector<40x1xi32>
    %lt3A_51 = arith.cmpi slt, %broadcast_in_dim3A_37, %lt3A_50 : vector<40x1xi32>
    %broadcast_in_dim3A_52 = vector.shape_cast %div3A_49 : vector<1x64xf32> to vector<1x64xf32>
    %broadcast_in_dim3A_53 = vector.broadcast %broadcast_in_dim3A_52 : vector<1x64xf32> to vector<40x64xf32>
    %broadcast_in_dim3A_54 = vector.shape_cast %lt3A_51 : vector<40x1xi1> to vector<40x1xi1>
    %broadcast_in_dim3A_55 = vector.broadcast %broadcast_in_dim3A_54 : vector<40x1xi1> to vector<40x64xi1>
    %select_n3A_56 = arith.select %broadcast_in_dim3A_55, %broadcast_in_dim3A_53, %dot_general3A_43 : vector<40x64xi1>, vector<40x64xf32>
    %swap3A = arith.constant 0 : index
    %swap3A_57 = arith.constant 0 : index
    %swap3A_58 = arith.constant 0 : index
    %swap3A_59 = vector.load %arg5[%swap3A, %swap3A_57, %swap3A_58] : memref<2x40x64xf32, #tpu.memory_space<vmem>>, vector<1x40x64xf32>
    %swap3A_60 = vector.shape_cast %swap3A_59 : vector<1x40x64xf32> to vector<40x64xf32>
    %swap3A_61 = vector.shape_cast %select_n3A_56 : vector<40x64xf32> to vector<1x40x64xf32>
    tpu.vector_store %arg5[%swap3A, %swap3A_57, %swap3A_58], %swap3A_61 {strides = array<i32>} : memref<2x40x64xf32, #tpu.memory_space<vmem>>, vector<1x40x64xf32>,
    %get3A_62 = arith.constant 0 : index
    %get3A_63 = arith.constant 64 : index
    %get3A_64 = vector.load %arg2[%get3A_62, %get3A_63] : memref<2048x128xf32, #tpu.memory_space<vmem>>, vector<2048x64xf32>
    %get3A_65 = arith.constant 0 : index
    %get3A_66 = arith.constant 64 : index
    %get3A_67 = vector.load %arg3[%get3A_65, %get3A_66] : memref<2048x128xf32, #tpu.memory_space<vmem>>, vector<2048x64xf32>
    %get3A_68 = arith.constant 0 : index
    %get3A_69 = arith.constant 64 : index
    %get3A_70 = vector.load %arg4[%get3A_68, %get3A_69] : memref<2048x128xf32, #tpu.memory_space<vmem>>, vector<2048x64xf32>
    %mul3A_71 = arith.constant 2 : i32
    %mul3A_72 = arith.muli %mul3A_71, %arg0 : i32
    %add3A_73 = arith.constant 1 : i32
    %add3A_74 = arith.addi %mul3A_72, %add3A_73 : i32
    %get3A_75 = arith.index_cast %add3A_74 : i32 to index
    %get3A_76 = arith.constant 0 : index
    %get3A_77 = vector.load %arg1[%get3A_75, %get3A_76] : memref<16x40xi32, #tpu.memory_space<vmem>>, vector<1x40xi32>
    %transpose3A_78 = tpu.transpose %get3A_77, [1, 0] : vector<1x40xi32> -> vector<40x1xi32>
    %eq3A_79 = vector.broadcast %transpose3A_78 : vector<40x1xi32> to vector<40x2048xi32>
    %eq3A_80 = arith.cmpi eq, %iota3A, %eq3A_79 : vector<40x2048xi32>
    %convert_element_type3A_81 = arith.extui %eq3A_80 : vector<40x2048xi1> to vector<40x2048xi32>
    %convert_element_type3A_82 = arith.sitofp %convert_element_type3A_81 : vector<40x2048xi32> to vector<40x2048xf32>
    %dot_general3A_83 = arith.constant dense<0.000000e+00> : vector<40x64xf32>
    %dot_general3A_84 = tpu.matmul %convert_element_type3A_82, %get3A_64, %dot_general3A_83 {dimension_numbers = #tpu.dot_dimension_numbers<[1], [0], [0], [1], [0, 0, 1, 1], [], []>, transpose_lhs_hint = false} : vector<40x2048xf32>, vector<2048x64xf32>, vector<40x64xf32> -> vector<40x64xf32>
    %dot_general3A_85 = arith.constant dense<0.000000e+00> : vector<40x2048xf32>
    %dot_general3A_86 = tpu.matmul %dot_general3A_84, %get3A_67, %dot_general3A_85 {dimension_numbers = #tpu.dot_dimension_numbers<[1], [1], [0], [0], [0, 0, 1, 0], [], []>, transpose_lhs_hint = false} : vector<40x64xf32>, vector<2048x64xf32>, vector<40x2048xf32> -> vector<40x2048xf32>
    %mul3A_87 = arith.constant 1.250000e-01 : f32
    %mul3A_88 = vector.broadcast %mul3A_87 : f32 to vector<40x2048xf32>
    %mul3A_89 = arith.mulf %dot_general3A_86, %mul3A_88 : vector<40x2048xf32>
    %reduce_max3A_90 = arith.constant dense<0xFF800000> : vector<40xf32>
    %reduce_max3A_91 = vector.multi_reduction <maximumf>, %mul3A_89, %reduce_max3A_90 [1] : vector<40x2048xf32> to vector<40xf32>
    %broadcast_in_dim3A_92 = vector.shape_cast %reduce_max3A_91 : vector<40xf32> to vector<40x1xf32>
    %sub3A_93 = vector.broadcast %broadcast_in_dim3A_92 : vector<40x1xf32> to vector<40x2048xf32>
    %sub3A_94 = arith.subf %mul3A_89, %sub3A_93 : vector<40x2048xf32>
    %exp3A_95 = math.exp %sub3A_94 : vector<40x2048xf32>
    %reduce_sum3A_96 = arith.constant dense<0.000000e+00> : vector<40xf32>
    %reduce_sum3A_97 = vector.multi_reduction <add>, %exp3A_95, %reduce_sum3A_96 [1] : vector<40x2048xf32> to vector<40xf32>
    %broadcast_in_dim3A_98 = vector.shape_cast %reduce_sum3A_97 : vector<40xf32> to vector<40x1xf32>
    %div3A_99 = vector.broadcast %broadcast_in_dim3A_98 : vector<40x1xf32> to vector<40x2048xf32>
    %div3A_100 = arith.divf %exp3A_95, %div3A_99 : vector<40x2048xf32>
    %dot_general3A_101 = arith.constant dense<0.000000e+00> : vector<40x64xf32>
    %dot_general3A_102 = tpu.matmul %div3A_100, %get3A_70, %dot_general3A_101 {dimension_numbers = #tpu.dot_dimension_numbers<[1], [0], [0], [1], [0, 0, 1, 1], [], []>, transpose_lhs_hint = false} : vector<40x2048xf32>, vector<2048x64xf32>, vector<40x64xf32> -> vector<40x64xf32>
    %min3A_103 = arith.constant 39 : i32
    %min3A_104 = vector.broadcast %min3A_103 : i32 to vector<1x40xi32>
    %min3A_105 = arith.minsi %get3A_77, %min3A_104 : vector<1x40xi32>
    %eq3A_106 = vector.broadcast %min3A_105 : vector<1x40xi32> to vector<40x40xi32>
    %eq3A_107 = arith.cmpi eq, %eq3A_106, %iota3A_0 : vector<40x40xi32>
    %jit3A_108 = arith.constant -1 : i32
    %broadcast_in_dim3A_109 = vector.broadcast %jit3A_108 : i32 to vector<40x40xi32>
    %select_n3A_110 = arith.select %eq3A_107, %iota3A_1, %broadcast_in_dim3A_109 : vector<40x40xi1>, vector<40x40xi32>
    %reduce_max3A_111 = arith.constant dense<-2147483648> : vector<40xi32>
    %reduce_max3A_112 = vector.multi_reduction <maxsi>, %select_n3A_110, %reduce_max3A_111 [1] : vector<40x40xi32> to vector<40xi32>
    %broadcast_in_dim3A_113 = vector.shape_cast %reduce_max3A_112 : vector<40xi32> to vector<40x1xi32>
    %eq3A_114 = vector.broadcast %broadcast_in_dim3A_113 : vector<40x1xi32> to vector<40x40xi32>
    %eq3A_115 = arith.cmpi eq, %iota3A_1, %eq3A_114 : vector<40x40xi32>
    %and3A_116 = arith.andi %eq3A_115, %eq3A_107 : vector<40x40xi1>
    %convert_element_type3A_117 = arith.extui %and3A_116 : vector<40x40xi1> to vector<40x40xi32>
    %convert_element_type3A_118 = arith.sitofp %convert_element_type3A_117 : vector<40x40xi32> to vector<40x40xf32>
    %dot_general3A_119 = arith.constant dense<0.000000e+00> : vector<40x64xf32>
    %dot_general3A_120 = tpu.matmul %convert_element_type3A_118, %dot_general3A_102, %dot_general3A_119 {dimension_numbers = #tpu.dot_dimension_numbers<[1], [0], [0], [1], [0, 0, 1, 1], [], []>, transpose_lhs_hint = false} : vector<40x40xf32>, vector<40x64xf32>, vector<40x64xf32> -> vector<40x64xf32>
    %reduce_sum3A_121 = arith.constant dense<0.000000e+00> : vector<64xf32>
    %reduce_sum3A_122 = vector.multi_reduction <add>, %get3A_70, %reduce_sum3A_121 [0] : vector<2048x64xf32> to vector<64xf32>
    %broadcast_in_dim3A_123 = vector.shape_cast %reduce_sum3A_122 : vector<64xf32> to vector<1x64xf32>
    %div3A_124 = arith.constant 2.048000e+03 : f32
    %div3A_125 = vector.broadcast %div3A_124 : f32 to vector<1x64xf32>
    %div3A_126 = arith.divf %broadcast_in_dim3A_123, %div3A_125 : vector<1x64xf32>
    %lt3A_127 = arith.constant 0 : i32
    %lt3A_128 = vector.broadcast %lt3A_127 : i32 to vector<40x1xi32>
    %lt3A_129 = arith.cmpi slt, %broadcast_in_dim3A_113, %lt3A_128 : vector<40x1xi32>
    %broadcast_in_dim3A_130 = vector.shape_cast %div3A_126 : vector<1x64xf32> to vector<1x64xf32>
    %broadcast_in_dim3A_131 = vector.broadcast %broadcast_in_dim3A_130 : vector<1x64xf32> to vector<40x64xf32>
    %broadcast_in_dim3A_132 = vector.shape_cast %lt3A_129 : vector<40x1xi1> to vector<40x1xi1>
    %broadcast_in_dim3A_133 = vector.broadcast %broadcast_in_dim3A_132 : vector<40x1xi1> to vector<40x64xi1>
    %select_n3A_134 = arith.select %broadcast_in_dim3A_133, %broadcast_in_dim3A_131, %dot_general3A_120 : vector<40x64xi1>, vector<40x64xf32>
    %swap3A_135 = arith.constant 1 : index
    %swap3A_136 = arith.constant 0 : index
    %swap3A_137 = arith.constant 0 : index
    %swap3A_138 = vector.load %arg5[%swap3A_135, %swap3A_136, %swap3A_137] : memref<2x40x64xf32, #tpu.memory_space<vmem>>, vector<1x40x64xf32>
    %swap3A_139 = vector.shape_cast %swap3A_138 : vector<1x40x64xf32> to vector<40x64xf32>
    %swap3A_140 = vector.shape_cast %select_n3A_134 : vector<40x64xf32> to vector<1x40x64xf32>
    tpu.vector_store %arg5[%swap3A_135, %swap3A_136, %swap3A_137], %swap3A_140 {strides = array<i32>} : memref<2x40x64xf32, #tpu.memory_space<vmem>>, vector<1x40x64xf32>,
    return
  }
  func.func @transform_0(%arg0: i32) -> (i32, i32) {
    %c0_i32 = arith.constant 0 : i32
    %c0_i32_0 = arith.constant 0 : i32
    %c0_i32_1 = arith.constant 0 : i32
    return %c0_i32, %c0_i32_0 : i32, i32
  }
  func.func @transform_1(%arg0: i32) -> (i32, i32) {
    %c0_i32 = arith.constant 0 : i32
    %c0_i32_0 = arith.constant 0 : i32
    return %c0_i32, %arg0 : i32, i32
  }
  func.func @transform_2(%arg0: i32) -> (i32, i32) {
    %c0_i32 = arith.constant 0 : i32
    %c0_i32_0 = arith.constant 0 : i32
    return %c0_i32, %arg0 : i32, i32
  }
  func.func @transform_3(%arg0: i32) -> (i32, i32) {
    %c0_i32 = arith.constant 0 : i32
    %c0_i32_0 = arith.constant 0 : i32
    return %c0_i32, %arg0 : i32, i32
  }
  func.func @transform_4(%arg0: i32) -> (i32, i32, i32) {
    %c0_i32 = arith.constant 0 : i32
    %c0_i32_0 = arith.constant 0 : i32
    %c0_i32_1 = arith.constant 0 : i32
    return %arg0, %c0_i32, %c0_i32_0 : i32, i32, i32
  }
}

</mosaic_0001>

<sc_bundles>
// kernel: _run.5.cloned.1.call-start
scs
__scs_entry_jumppad:
0x0: {  	(pc) =	sbr.rel $0x88, $3  }
0x1: {  	(tag) =	ssettag $0x0;
	lr =	simm.s32 $0x1  }
0x2: {  	[smem:$0x3F9E] =	sst lr;
	_ =	strace $0xD0000000  }
0x3: {  	_ = 	snop  }
0x4: {  	_ = 	snop  }
0x5: {  	_ = 	snop  }
0x6: {  	_ = 	snop  }
0x7: {  	_ = 	snop  }
__scs_overlays_trampoline_lowered:
0x8: {  	[smem:$0x3FAD] =	sst s0  }
0x9: {  	[smem:$0x3FAE] =	sst s1  }
0xa: {  	[smem:$0x3FAF] =	sst s2  }
0xb: {  	[smem:$0x3FB0] =	sst s3  }
0xc: {  	[smem:$0x3FB1] =	sst s4  }
0xd: {  	[smem:$0x3FB2] =	sst s5  }
0xe: {  	[smem:$0x3FB3] =	sst s6  }
0xf: {  	[smem:$0x3FB4] =	sst s7  }
0x10: {  	[smem:$0x3FB5] =	sst s8  }
0x11: {  	[smem:$0x3FB6] =	sst s9;
	s0 =	simm.s32 @!p0 $0x0  }
0x12: {  	s1 =	sld [smem:$0x3F9C];
	s0 =	simm.s32 @p0 $0x1  }
0x13: {  	[smem:$0x3FB7] =	sst s0;
	s0 =	simm.s32 @!p1 $0x0  }
0x14: {  	s2 =	sld [smem:$0x3F9B];
	s0 =	simm.s32 @p1 $0x1  }
0x15: {  	[smem:$0x3FB8] =	sst s0;
	s0 =	simm.s32 @!p2 $0x0  }
0x16: {  	s3 =	sld [smem:$0x3FDB];
	s0 =	simm.s32 @p2 $0x1  }
0x17: {  	s4 =	simm.s32 $0x1BF5;
	[smem:$0x3FBA] =	sst s0  }
0x18: {  	s0 =	sld [smem:$0x3F9D];
	_ =	swait.ge [sflag:s4], $0x0  }
0x19: {  	s7 =	sld [smem:$0x3F9E]  }
0x1a: {  	s8 =	sadd.s32 $0xFFFFE003, lr  }
0x1b: {  	s9 =	sadd.s32 $0xFFFFFEF7, lr;
	s5 =	simm.s32 $0xFFFFFFFF;
	p2 =	slt.u32 s8, $0xFFFFF086  }
0x1c: {  	p1 =	slt.u32 s9, $0xF7A;
	s5 =	simm.s32 @!p2 $0x0  }
0x1d: {  	s5 =	simm.s32 @p1 $0x1;
	p0 =	seq.s32 s7, s2  }
0x1e: {  	s7 =	smul.u32 @!p0 $0xF7A, s2;
	p2 =	seq.s32 @!p0 s5, $0x0  }
0x1f: {  	s9 =	smul.u32 $0xF7A, s1;
	s8 =	simm.s32 @!p0 $0x1BF5;
	p2 =	por !p2, p0  }
0x20: {  	[sflag:s8] =	ssyncset.s32 @!p0 $0xFFFFF086;
	s6 =	sadd.s32 @!p0 s3, s7;
	s7 =	simm.s32 @!p0 $0x108  }
0x21: {  	s3 =	sadd.s32 s3, s9;
	s6 =	sadd.s32 @!p0 $0x88, s6;
	s7 =	simm.s32 @p2 $0x1082  }
0x22: {  	[simem:s7], [sflag:s8] =	dma.local @!p0 [hbm:s6], $0xF7A  }
0x23: {  	s9 =	sor.u32 $0xD0000000, s2;
	s6 =	simm.s32 $0x108;
	_ =	swait.ge @!p0 [sflag:s8], $0x0  }
0x24: {  	s3 =	sadd.s32 $0x88, s3;
	s6 =	simm.s32 @!p1 $0x1082;
	[sflag:s4] =	ssyncset.s32 $0xFFFFF086  }
0x25: {  	[simem:s6], [sflag:s4] =	dma.local [hbm:s3], $0xF7A  }
0x26: {  	[smem:$0x3F9E] =	sst s1;
	(tag) =	ssettag s2;
	_ =	strace s9  }
0x27: {  	s1 =	sld [smem:$0x3FAE]  }
0x28: {  	s2 =	sld [smem:$0x3FAF]  }
0x29: {  	s4 =	sld [smem:$0x3FB1]  }
0x2a: {  	p0 =	seq.s32 s5, $0x0;
	s5 =	sld [smem:$0x3FB2]  }
0x2b: {  	s6 =	sld [smem:$0x3FB3]  }
0x2c: {  	s7 =	sld [smem:$0x3FB4]  }
0x2d: {  	s3 =	simm.s32 $0x108;
	s8 =	sld [smem:$0x3FB5]  }
0x2e: {  	s3 =	simm.s32 @!p0 $0x1082;
	s9 =	sld [smem:$0x3FB6]  }
0x2f: {  	lr =	sadd.s32 s0, s3;
	s0 =	sld [smem:$0x3FAD]  }
0x30: {  	s3 =	sld [smem:$0x3FB0]  }
0x31: {  	[smem:$0x3FB9] =	sst s10  }
0x32: {  	s10 =	sld [smem:$0x3FB7];
	_ =	sdelay $0x3  }
0x33: {  	p0 =	seq.s32 s10, $0x1;
	s10 =	sld [smem:$0x3FB9];
	_ =	sdelay $0x3  }
0x34: {  	[smem:$0x3FB9] =	sst s10  }
0x35: {  	s10 =	sld [smem:$0x3FB8];
	_ =	sdelay $0x3  }
0x36: {  	p1 =	seq.s32 s10, $0x1;
	s10 =	sld [smem:$0x3FB9];
	_ =	sdelay $0x3  }
0x37: {  	[smem:$0x3FB9] =	sst s10  }
0x38: {  	s10 =	sld [smem:$0x3FBA]  }
0x39: {  	_ = 	snop;
	(pc) =	sbr.ind lr, $3  }
0x3a: {  	_ = 	snop  }
0x3b: {  	_ = 	snop  }
0x3c: {  	p2 =	seq.s32 s10, $0x1;
	s10 =	sld [smem:$0x3FB9]  }
0x3d: {  	_ =	shalt  }
0x3e: {  	_ =	shalt  }
0x3f: {  	_ =	shalt  }
0x40: {  	_ =	shalt  }
0x41: {  	_ =	shalt  }
0x42: {  	_ =	shalt  }
0x43: {  	_ =	shalt  }
0x44: {  	_ =	shalt  }
0x45: {  	_ =	shalt  }
0x46: {  	_ =	shalt  }
0x47: {  	_ =	shalt  }
0x48: {  	_ =	shalt  }
0x49: {  	_ =	shalt  }
0x4a: {  	_ =	shalt  }
0x4b: {  	_ =	shalt  }
0x4c: {  	_ =	shalt  }
0x4d: {  	_ =	shalt  }
0x4e: {  	_ =	shalt  }
0x4f: {  	_ =	shalt  }
0x50: {  	_ =	shalt  }
0x51: {  	_ =	shalt  }
0x52: {  	_ =	shalt  }
0x53: {  	_ =	shalt  }
0x54: {  	_ =	shalt  }
0x55: {  	_ =	shalt  }
0x56: {  	_ =	shalt  }
0x57: {  	_ =	shalt  }
0x58: {  	_ =	shalt  }
0x59: {  	_ =	shalt  }
0x5a: {  	_ =	shalt  }
0x5b: {  	_ =	shalt  }
0x5c: {  	_ =	shalt  }
0x5d: {  	_ =	shalt  }
0x5e: {  	_ =	shalt  }
0x5f: {  	_ =	shalt  }
0x60: {  	_ =	shalt  }
0x61: {  	_ =	shalt  }
0x62: {  	_ =	shalt  }
0x63: {  	_ =	shalt  }
0x64: {  	_ =	shalt  }
0x65: {  	_ =	shalt  }
0x66: {  	_ =	shalt  }
0x67: {  	_ =	shalt  }
0x68: {  	_ =	shalt  }
0x69: {  	_ =	shalt  }
0x6a: {  	_ =	shalt  }
0x6b: {  	_ =	shalt  }
0x6c: {  	_ =	shalt  }
0x6d: {  	_ =	shalt  }
0x6e: {  	_ =	shalt  }
0x6f: {  	_ =	shalt  }
0x70: {  	_ =	shalt  }
0x71: {  	_ =	shalt  }
0x72: {  	_ =	shalt  }
0x73: {  	_ =	shalt  }
0x74: {  	_ =	shalt  }
0x75: {  	_ =	shalt  }
0x76: {  	_ =	shalt  }
0x77: {  	_ =	shalt  }
0x78: {  	_ =	shalt  }
0x79: {  	_ =	shalt  }
0x7a: {  	_ =	shalt  }
0x7b: {  	_ =	shalt  }
0x7c: {  	_ =	shalt  }
0x7d: {  	_ =	shalt  }
0x7e: {  	_ =	shalt  }
0x7f: {  	_ =	shalt  }
0x80: {  	_ =	shalt  }
0x81: {  	_ =	shalt  }
0x82: {  	_ =	shalt  }
0x83: {  	_ =	shalt  }
0x84: {  	_ =	shalt  }
0x85: {  	_ =	shalt  }
0x86: {  	_ =	shalt  }
0x87: {  	_ =	shalt  }
.Lfunc_end0:
.L_simem_size_0:
called_computation_lowered:
.L_overlay_start_0:
0x88: {  	s2 =	sld [smem:$0x3FD9]  }
0x89: {  	s3 =	sld [smem:$0x3FFE];
	_ =	sdelay $0x1  }
0x8a: {  	s1 =	srdreg.scid  }
0x8b: {  	s0 =	sand.u32 $0x1, s1  }
0x8c: {  	s17 =	sshll.u32 s0, $0xA;
	s2 =	sadd.s32 s3, s2  }
0x8d: {  	s2 =	sadd.s32 s2, s17  }
0x8e: {  	[smem:$0x3FC5] =	sst s2  }
0x8f: {  	_ = 	snop  }
0x90: {  	s2 =	sld [smem:$0x3FD0];
	(tm) =	ssettm $0x1  }
0x91: {  	s18 =	sld [smem:$0x3FFB];
	_ =	sdelay $0x3  }
0x92: {  	_ =	strace s18  }
0x93: {  	s3 =	sld [smem:$0x3FFC];
	_ =	sdelay $0x3  }
0x94: {  	_ =	strace s3  }
0x95: {  	s3 =	sld [smem:$0x3FFD];
	_ =	sdelay $0x3  }
0x96: {  	_ =	strace s3  }
0x97: {  	_ =	strace $0x8FFFFFFF  }
0x98: {  	s19 =	sld [smem:$0x3FDB];
	_ =	sdelay $0x1  }
0x99: {  	s4 =	simm.s32 $_scs_section_size  }
0x9a: {  	s5 =	simm.s32 $_size__tile_overlayer_lowered;
	s6 =	simm.s32 $_tile_overlayer_lowered  }
0x9b: {  	s22 =	simm.s32 $0x1BFF;
	s21 =	sshll.u32 s6, $0x1;
	s3 =	sadd.s32 s4, s19  }
0x9c: {  	s7 =	simm.s32 $0x0;
	s20 =	sshll.u32 s5, $0x1;
	s5 =	sadd.s32 s21, s3  }
0x9d: {  	[timem:s7], [sflag:s22] =	dma.local [hbm:s5], s20  }
0x9e: {  	_ =	swait.ge [sflag:s22], s20  }
0x9f: {  	s4 =	ssub.s32 $0x0, s20;
	[sflag:s22] =	ssyncset.done $0x0  }
0xa0: {  	[sflag:s22] =	ssyncadd.s32 s4;
	_ =	sdelay $0x1  }
0xa1: {  	s23 =	simm.s32 $0x1B8B  }
0xa2: {  	_ =	swait.ge [sflag:s23], $0x1  }
0xa3: {  	[sflag:s23] =	ssyncset.done $0x0  }
0xa4: {  	s25 =	simm.s32 $0x1B8E;
	s24 =	sld [smem:$0x3FFE];
	[sflag:s23] =	ssyncadd.s32 $0xFFFFFFFF  }
0xa5: {  	s26 =	simm.s32 $execute0_lowered;
	[smem:$0x3FD2] =	sst s25  }
0xa6: {  	s5 =	sshll.u32 s26, $0x1;
	_ =	strace $0x80000046;
	[dreg:$0x1] =	wrdreg $0xFFFFFFFF  }
0xa7: {  	s28 =	simm.s32 $_size_execute0_lowered;
	s3 =	sadd.s32 s3, s5;
	[dreg:$0x0] =	wrdreg $0x0  }
0xa8: {  	s5 =	sshll.u32 s28, $0x1;
	[dreg:$0x2] =	wrdreg s3  }
0xa9: {  	[dreg:$0x3] =	wrdreg s5  }
0xaa: {  	[dreg:$0x4] =	wrdreg $0xC0  }
0xab: {  	_ =	task [dreg:s7], $0x5FFFF  }
0xac: {  	[dreg:$0x1] =	wrdreg $0xFFFFFFFF  }
0xad: {  	[dreg:$0x0] =	wrdreg $0x60  }
0xae: {  	[dreg:$0x2] =	wrdreg s2  }
0xaf: {  	[dreg:$0x3] =	wrdreg s24  }
0xb0: {  	[dreg:$0x4] =	wrdreg $0x9  }
0xb1: {  	_ =	task.clear_ibuf [dreg:s7], $0x5FFFF;
	_ =	strace $0x90000046  }
0xb2: {  	s29 =	simm.s32 $0x9;
	_ =	strace $0x80000048  }
0xb3: {  	_ =	swait.ge [sflag:s29], $0x1  }
0xb4: {  	[sflag:s29] =	ssyncadd.s32 $0xFFFFFFFF  }
0xb5: {  	_ =	strace $0x90000048  }
0xb6: {  	_ =	sfence  }
0xb7: {  	s30 =	sld [smem:$0x0];
	_ =	sdelay $0x2  }
0xb8: {  	s31 =	sshll.u32 s1, $0xD;
	s1 =	sshrl.u32 s1, $0x2  }
0xb9: {  	s3 =	sand.u32 $0x4000, s31;
	s1 =	sadd.s32 s1, s30  }
0xba: {  	s0 =	sor.u32 s3, s0;
	s1 =	sshll.u32 s1, $0x11  }
0xbb: {  	s0 =	sor.u32 s1, s0  }
0xbc: {  	s0 =	sadd.s32 $0x8F2B, s0  }
0xbd: {  	[sflag:s0] =	ssyncadd.remote.s32 $0x1  }
0xbe: {  	_ =	sfence.sel $0xFFFF  }
0xbf: {  	[dreg:$0x0] =	wrdreg $0xFFFFFFFF;
	(pc) =	sbr.abs _section_cstart, $3  }
0xc0: {  	[dreg:$0x1] =	wrdreg $0xFFFFFFFF  }
0xc1: {  	_ =	task.clear_ibuf [dreg:s7], $0x2FFFF;
	_ =	strace $0x9FFFFFFF  }
0xc2: {  	(tm) =	ssettm $0x7FFFFFFF  }
0xc3: {  	_ =	shalt  }
tec
execute0_lowered:
.L_overlay_start_1:
0x0: {  	(tag) =	ssettag $0x1  }
0x1: {  	s1 =	stileid.u32  }
0x2: {  	p0 =	sgt.u32 s1, $0x7  }
.Ltmp0:
0x3: {  	_ = 	snop;
	(pc) =	sbr.rel @p0 .LBB2_5-.Ltmp0, $4  }
0x4: {  	s4 =	rddreg [dreg:$0x0]  }
0x5: {  	s3 =	rddreg [dreg:$0x1];
	s2 =	simm.s32 $0x0  }
0x6: {  	[smem:$0x7FF] =	sst s2  }
0x7: {  	s0 =	rddreg [dreg:$0x2];
	_ =	strace $0x80000047  }
0x8: {  	v0 =	vimm.s32 $0xEFCDAB89;
	v2 =	vimm.s32 $0xDCFE98BA  }
0x9: {  	v3 =	vimm.s32 $0x54761032;
	v4 =	vimm.s32 $0xBA98FEDC;
	v5 =	vimm.s32 $0x32107654  }
0xa: {  	v6 =	vimm.s32 $0xFEDCBA98;
	v2 =	vunpack.c.l.s4.s8 v2;
	v3 =	vunpack.c.l.s4.s8 v3  }
0xb: {  	v7 =	vimm.s32 $0x76543210;
	v4 =	vunpack.c.l.s4.s8 v4;
	v5 =	vunpack.c.l.s4.s8 v5  }
0xc: {  	v6 =	vunpack.c.l.s4.s8 v6;
	v2 =	vunpack.c.0.s8.s32 v2;
	v3 =	vunpack.c.0.s8.s32 v3  }
0xd: {  	v7 =	vunpack.c.l.s4.s8 v7;
	v4 =	vunpack.c.0.s8.s32 v4;
	v5 =	vunpack.c.0.s8.s32 v5  }
0xe: {  	v1 =	vimm.s32 $0x67452301;
	v2 =	vcombine.low v3, v2;
	v3 =	vunpack.c.0.s8.s32 v6  }
0xf: {  	vm0 =	vmmov $0x1;
	v4 =	vcombine.low v5, v4;
	v5 =	vunpack.c.0.s8.s32 v7  }
0x10: {  	vm5 =	vmmov $0x3f;
	vm6 =	vmmov $0x7f;
	v6 =	vand.u32 $0xF, v3  }
0x11: {  	v3 =	vand.u32 $0xF, v4;
	v4 =	vcombine.low v6, v5;
	v5 =	vimm.s32 $0x0  }
0x12: {  	vm7 =	vmmov $0xff;
	vm8 =	vmmov $0x1ff;
	v5 =	vsel vm0, $0xFFFFFFFF, v5  }
0x13: {  	s5 =	srdreg.scid;
	vm9 =	vmmov $0x3ff;
	vm0 =	vmmov $0x3;
	[tilespmem:$0x1FFB0] =	vst v5;
	v5 =	vimm.s32 $0x0  }
0x14: {  	s6 =	sshll.u32 s1, $0x8;
	s7 =	sshrl.u32 s1, $0x2;
	vm10 =	vmmov $0x7ff;
	s9 =	simm.s32 $0x800;
	v0 =	vunpack.c.l.s4.s8 v0;
	v5 =	vsel vm0, $0xFFFFFFFF, v5  }
0x15: {  	s10 =	simm.s32 $0x0;
	v1 =	vunpack.c.l.s4.s8 v1;
	s5 =	sand.u32 $0x1, s5;
	s6 =	sand.u32 $0x300, s6;
	vm0 =	vmmov $0x7;
	[tilespmem:$0x1FFC0] =	vst v5;
	v5 =	vimm.s32 $0x0  }
0x16: {  	vm11 =	vmmov $0xfff;
	s30 =	sshll.u32 s7, $0xA;
	s8 =	sshll.u32 s5, $0x7;
	s5 =	ssub.s32 $0x2, s5;
	v0 =	vunpack.c.0.s8.s32 v0;
	v5 =	vsel vm0, $0xFFFFFFFF, v5  }
0x17: {  	s7 =	sshll.u32 s7, $0xE;
	v1 =	vunpack.c.0.s8.s32 v1;
	s6 =	sor.u32 s8, s6;
	s31 =	sshrl.u32 s5, $0x1;
	vm0 =	vmmov $0xf;
	[tilespmem:$0x1FFD0] =	vst v5;
	v5 =	vimm.s32 $0x0  }
0x18: {  	vm12 =	vmmov $0x1fff;
	vm13 =	vmmov $0x3fff;
	s8 =	sor.u32 s30, s6;
	s6 =	sor.u32 s7, s6;
	s5 =	ssub.s32 s5, s31;
	v5 =	vsel vm0, $0xFFFFFFFF, v5  }
0x19: {  	s7 =	simm.s32 $0x400;
	v1 =	vcombine.low v1, v0;
	s8 =	sshrl.u32 s8, $0x3;
	s6 =	sshrl.u32 s6, $0x3;
	vm0 =	vmmov $0x1f;
	[tilespmem:$0x1FFE0] =	vst v5;
	v5 =	vimm.s32 $0x0  }
0x1a: {  	vm14 =	vmmov $0x7fff;
	v0 =	vimm.s32 $0x0;
	s5 =	smax.u32 s5, $0x1;
	s3 =	sadd.s32 s8, s3;
	s4 =	sadd.s32 s4, s6;
	v5 =	vsel vm0, $0xFFFFFFFF, v5  }
0x1b: {  	s6 =	simm.s32 $0x80;
	s8 =	simm.s32 $0x1;
	v1 =	vand.u32 $0xF, v1;
	v2 =	vand.u32 $0xF, v2;
	s3 =	sadd.s32 $0xA00, s3;
	[tilespmem:$0x1FFF0] =	vst v5;
	v5 =	vlaneseq.u32  }
.LBB2_2:
0x1c: {  	s11 =	simm.s32 $0x0  }
0x1d: {  	[tilespmem:s11], [sflag:$0x1] =	stream.strided.gather [hbm4b:s4+s6], $0x800, s7, s6, $0x38;
	[tilespmem:$0x880] =	vst v63  }
0x1e: {  	_ =	swait.ge [sflag:s8], $0x800  }
0x1f: {  	[sflag:s8] =	ssyncset.done $0x0  }
0x20: {  	[sflag:s8] =	ssyncadd.s32 $0xFFFFF800  }
0x21: {  	v6 =	vld [tilespmem:$0x0]  }
0x22: {  	v7 =	vld [tilespmem:$0x10]  }
0x23: {  	v8 =	vld [tilespmem:$0x20]  }
0x24: {  	v9 =	vld [tilespmem:$0x30]  }
0x25: {  	v10 =	vld [tilespmem:$0x40]  }
0x26: {  	v11 =	vld [tilespmem:$0x50]  }
0x27: {  	v12 =	vld [tilespmem:$0x60]  }
0x28: {  	v13 =	vld [tilespmem:$0x70]  }
0x29: {  	v14 =	vld [tilespmem:$0x80]  }
0x2a: {  	v15 =	vld [tilespmem:$0x90]  }
0x2b: {  	v16 =	vld [tilespmem:$0xA0]  }
0x2c: {  	v17 =	vld [tilespmem:$0xB0]  }
0x2d: {  	v18 =	vld [tilespmem:$0xC0]  }
0x2e: {  	v19 =	vld [tilespmem:$0xD0]  }
0x2f: {  	v20 =	vld [tilespmem:$0xE0]  }
0x30: {  	v21 =	vld [tilespmem:$0xF0]  }
0x31: {  	v22 =	vld [tilespmem:$0x100]  }
0x32: {  	v23 =	vld [tilespmem:$0x110]  }
0x33: {  	v24 =	vld [tilespmem:$0x120]  }
0x34: {  	v25 =	vld [tilespmem:$0x130]  }
0x35: {  	v26 =	vld [tilespmem:$0x140]  }
0x36: {  	v27 =	vld [tilespmem:$0x150]  }
0x37: {  	v28 =	vld [tilespmem:$0x160]  }
0x38: {  	v29 =	vld [tilespmem:$0x170]  }
0x39: {  	v30 =	vld [tilespmem:$0x180]  }
0x3a: {  	v31 =	vld [tilespmem:$0x190]  }
0x3b: {  	v32 =	vld [tilespmem:$0x1A0]  }
0x3c: {  	v33 =	vld [tilespmem:$0x1B0]  }
0x3d: {  	v34 =	vld [tilespmem:$0x1C0]  }
0x3e: {  	v35 =	vld [tilespmem:$0x1D0]  }
0x3f: {  	v36 =	vld [tilespmem:$0x1E0]  }
0x40: {  	v37 =	vld [tilespmem:$0x1F0]  }
0x41: {  	v38 =	vld [tilespmem:$0x200]  }
0x42: {  	v39 =	vld [tilespmem:$0x210]  }
0x43: {  	v40 =	vld [tilespmem:$0x220]  }
0x44: {  	v41 =	vld [tilespmem:$0x230]  }
0x45: {  	v42 =	vld [tilespmem:$0x240]  }
0x46: {  	v43 =	vld [tilespmem:$0x250]  }
0x47: {  	v44 =	vld [tilespmem:$0x260]  }
0x48: {  	v45 =	vld [tilespmem:$0x270]  }
0x49: {  	v46 =	vld [tilespmem:$0x280]  }
0x4a: {  	v47 =	vld [tilespmem:$0x290]  }
0x4b: {  	v48 =	vld [tilespmem:$0x2A0]  }
0x4c: {  	v49 =	vld [tilespmem:$0x2B0]  }
0x4d: {  	v50 =	vld [tilespmem:$0x2C0]  }
0x4e: {  	v51 =	vld [tilespmem:$0x2D0]  }
0x4f: {  	v52 =	vld [tilespmem:$0x2E0]  }
0x50: {  	v53 =	vld [tilespmem:$0x2F0]  }
0x51: {  	v54 =	vld [tilespmem:$0x300]  }
0x52: {  	v55 =	vld [tilespmem:$0x310]  }
0x53: {  	v56 =	vld [tilespmem:$0x320]  }
0x54: {  	v57 =	vld [tilespmem:$0x330]  }
0x55: {  	v58 =	vld [tilespmem:$0x340];
	v6 =	vmax.f32 v6, v7  }
0x56: {  	v59 =	vld [tilespmem:$0x350];
	v6 =	vmax.f32 v6, v8  }
0x57: {  	v60 =	vld [tilespmem:$0x360];
	v6 =	vmax.f32 v6, v9  }
0x58: {  	v61 =	vld [tilespmem:$0x3A0];
	v6 =	vmax.f32 v6, v10  }
0x59: {  	v23 =	vmax.f32 v22, v23;
	v22 =	vld [tilespmem:$0x430];
	v6 =	vmax.f32 v6, v11  }
0x5a: {  	v9 =	vld [tilespmem:$0x3B0];
	v6 =	vmax.f32 v6, v12  }
0x5b: {  	v10 =	vld [tilespmem:$0x3C0];
	v6 =	vmax.f32 v6, v13  }
0x5c: {  	v11 =	vld [tilespmem:$0x370];
	v7 =	vperm.xlane v6, v1  }
0x5d: {  	v12 =	vld [tilespmem:$0x380]  }
0x5e: {  	v13 =	vld [tilespmem:$0x390];
	v8 =	vmax.f32 v6, v7;
	v6 =	vmax.f32 v14, v15  }
0x5f: {  	v7 =	vmax.f32 v6, v16;
	v6 =	vld [tilespmem:$0x3D0]  }
0x60: {  	v16 =	vmax.f32 v23, v24;
	v24 =	vld [tilespmem:$0x440]  }
0x61: {  	v23 =	vld [tilespmem:$0x510]  }
0x62: {  	v63 =	vmax.f32 v7, v17;
	v7 =	vld [tilespmem:$0x3E0]  }
0x63: {  	v62 =	vperm.xlane v8, v2;
	v17 =	vld [tilespmem:$0x420]  }
0x64: {  	v30 =	vmax.f32 v30, v31;
	v16 =	vmax.f32 v16, v25;
	v25 =	vld [tilespmem:$0x450]  }
0x65: {  	v38 =	vmax.f32 v38, v39;
	v14 =	vmax.f32 v8, v62;
	v15 =	vmax.f32 v63, v18;
	v8 =	vld [tilespmem:$0x3F0]  }
0x66: {  	v12 =	vmax.f32 v12, v13;
	v18 =	vld [tilespmem:$0x400];
	v16 =	vmax.f32 v16, v26;
	v15 =	vmax.f32 v15, v19  }
0x67: {  	v26 =	vld [tilespmem:$0x480];
	v12 =	vmax.f32 v12, v61;
	v62 =	vperm.xlane v14, v3;
	v15 =	vmax.f32 v15, v20  }
0x68: {  	v19 =	vld [tilespmem:$0x410];
	v16 =	vmax.f32 v16, v27;
	v15 =	vmax.f32 v15, v21;
	v21 =	vmax.f32 v30, v32  }
0x69: {  	v27 =	vld [tilespmem:$0x460];
	v16 =	vmax.f32 v16, v28;
	v14 =	vmax.f32 v14, v62;
	v21 =	vmax.f32 v21, v33  }
0x6a: {  	v16 =	vmax.f32 v16, v29;
	v30 =	vld [tilespmem:$0x490];
	v31 =	vperm.xlane v14, v4;
	v21 =	vmax.f32 v21, v34  }
0x6b: {  	v9 =	vmax.f32 v12, v9;
	v32 =	vperm.xlane v16, v1;
	v34 =	vmax.f32 v21, v35;
	v21 =	vld [tilespmem:$0x470]  }
0x6c: {  	v9 =	vmax.f32 v9, v10;
	v29 =	vmax.f32 v38, v40;
	v14 =	vmax.f32 v14, v31;
	v31 =	vld [tilespmem:$0x4A0]  }
0x6d: {  	v63 =	vperm.xlane v15, v1;
	v29 =	vmax.f32 v29, v41;
	v16 =	vmax.f32 v16, v32;
	v32 =	vld [tilespmem:$0x4B0]  }
0x6e: {  	v6 =	vmax.f32 v9, v6;
	v29 =	vmax.f32 v29, v42;
	v10 =	vmax.f32 v18, v19;
	v18 =	vld [tilespmem:$0x610]  }
0x6f: {  	v6 =	vmax.f32 v6, v7;
	v15 =	vmax.f32 v15, v63;
	v29 =	vmax.f32 v29, v43;
	v19 =	vld [tilespmem:$0x620]  }
0x70: {  	v33 =	vperm.xlane v15, v2;
	v35 =	vperm.xlane v16, v2;
	v20 =	vmax.f32 v34, v36;
	v34 =	vld [tilespmem:$0x4D0]  }
0x71: {  	v29 =	vmax.f32 v29, v44;
	v44 =	vmax.f32 v46, v47;
	v36 =	vld [tilespmem:$0x4F0];
	v9 =	vmax.f32 v10, v17  }
0x72: {  	v47 =	vld [tilespmem:$0x1FFB0];
	v20 =	vmax.f32 v20, v37;
	v63 =	vmax.f32 v29, v45;
	v16 =	vmax.f32 v16, v35  }
0x73: {  	v10 =	vld [tilespmem:$0x5F0];
	v29 =	vmax.f32 v44, v48;
	v39 =	vperm.xlane v20, v1;
	v40 =	vperm.xlane v16, v3  }
0x74: {  	v17 =	vld [tilespmem:$0x600];
	v9 =	vmax.f32 v9, v22;
	v15 =	vmax.f32 v15, v33;
	v46 =	vperm.xlane v63, v1  }
0x75: {  	v22 =	vld [tilespmem:$0x630];
	v49 =	vmax.f32 v29, v49;
	v20 =	vmax.f32 v20, v39;
	v16 =	vmax.f32 v16, v40  }
0x76: {  	v33 =	vld [tilespmem:$0x4C0];
	v9 =	vmax.f32 v9, v24;
	v42 =	vperm.xlane v20, v2;
	v62 =	vperm.xlane v16, v4  }
0x77: {  	v35 =	vld [tilespmem:$0x4E0];
	v37 =	vperm.xlane v15, v3;
	v9 =	vmax.f32 v9, v25;
	v28 =	vmax.f32 v63, v46  }
0x78: {  	v29 =	vld [tilespmem:$0x520];
	v20 =	vmax.f32 v20, v42;
	v48 =	vmax.f32 v16, v62;
	v16 =	vmax.f32 v49, v50  }
0x79: {  	v24 =	vld [tilespmem:$0x660];
	v45 =	vperm.xlane v20, v3;
	v16 =	vmax.f32 v16, v51;
	v51 =	vmax.f32 v54, v55  }
0x7a: {  	v25 =	vld [tilespmem:$0x680];
	v9 =	vmax.f32 v9, v27;
	v15 =	vmax.f32 v15, v37;
	v38 =	vmax.f32 v51, v56  }
0x7b: {  	v39 =	vld [tilespmem:$0x500];
	vm0 =	vnez.u8 v47;
	v20 =	vmax.f32 v20, v45;
	v55 =	vmax.f32 v38, v57  }
0x7c: {  	v27 =	vld [tilespmem:$0x690];
	v9 =	vmax.f32 v9, v21;
	v54 =	vperm.xlane v20, v4;
	v37 =	vmax.f32 v55, v58  }
0x7d: {  	v46 =	vld [tilespmem:$0x6F0];
	v17 =	vmax.f32 v17, v18;
	v16 =	vmax.f32 v16, v52;
	v47 =	vmax.f32 v37, v59  }
0x7e: {  	v40 =	vld [tilespmem:$0x530];
	v16 =	vmax.f32 v16, v53;
	v63 =	vmax.f32 v20, v54;
	v20 =	vmax.f32 v47, v60  }
0x7f: {  	v21 =	vld [tilespmem:$0x650];
	v41 =	vperm.xlane v15, v4;
	v57 =	vperm.xlane v16, v1;
	v11 =	vmax.f32 v20, v11  }
0x80: {  	v6 =	vmax.f32 v6, v8;
	v17 =	vmax.f32 v17, v19;
	v62 =	vld [tilespmem:$0x1FFC0];
	v52 =	vperm.xlane v11, v1  }
0x81: {  	v42 =	vld [tilespmem:$0x540];
	v15 =	vmax.f32 v15, v41;
	v50 =	vperm.xlane v28, v2;
	v16 =	vmax.f32 v16, v57  }
0x82: {  	v14 =	vsel vm0, v14, v15;
	v51 =	vld [tilespmem:$0x1FFD0];
	v44 =	vperm.xlane v16, v2;
	v11 =	vmax.f32 v11, v52  }
0x83: {  	v49 =	vld [tilespmem:$0x580];
	v23 =	vmax.f32 v39, v23;
	v28 =	vmax.f32 v28, v50;
	v58 =	vperm.xlane v11, v2  }
0x84: {  	v23 =	vmax.f32 v23, v29;
	v56 =	vperm.xlane v28, v3;
	v57 =	vld [tilespmem:$0x1FFE0];
	v16 =	vmax.f32 v16, v44  }
0x85: {  	vm0 =	vnez.u8 v62;
	v62 =	vld [tilespmem:$0x1FFF0];
	v55 =	vperm.xlane v16, v3;
	v11 =	vmax.f32 v11, v58  }
0x86: {  	v50 =	vld [tilespmem:$0x590];
	v28 =	vmax.f32 v28, v56;
	v14 =	vsel vm0, v14, v48;
	v7 =	vperm.xlane v11, v3  }
0x87: {  	v53 =	vld [tilespmem:$0x5A0];
	v43 =	vperm.xlane v28, v4;
	vm0 =	vnez.u8 v51;
	v15 =	vmax.f32 v16, v55  }
0x88: {  	v54 =	vld [tilespmem:$0x5B0];
	v14 =	vsel vm0, v14, v63;
	v8 =	vperm.xlane v15, v4;
	v7 =	vmax.f32 v11, v7  }
0x89: {  	v56 =	vld [tilespmem:$0x5C0];
	v28 =	vmax.f32 v28, v43;
	vm0 =	vnez.u8 v57;
	v61 =	vperm.xlane v7, v4  }
0x8a: {  	v59 =	vld [tilespmem:$0x5D0];
	v14 =	vsel vm0, v14, v28;
	vm0 =	vnez.u8 v62;
	v8 =	vmax.f32 v15, v8  }
0x8b: {  	v41 =	vld [tilespmem:$0x6D0];
	v20 =	vmax.f32 v49, v50;
	v8 =	vsel vm0, v14, v8;
	v7 =	vmax.f32 v7, v61  }
0x8c: {  	v45 =	vld [tilespmem:$0x560];
	v20 =	vmax.f32 v20, v53;
	v7 =	vsel vm5, v8, v7;
	v8 =	vmax.f32 v26, v30  }
0x8d: {  	v38 =	vld [tilespmem:$0x550];
	v13 =	vmax.f32 v20, v54;
	v11 =	vperm.xlane v6, v1;
	v8 =	vmax.f32 v8, v31  }
0x8e: {  	v48 =	vld [tilespmem:$0x570];
	v13 =	vmax.f32 v13, v56;
	v28 =	vperm.xlane v9, v1;
	v8 =	vmax.f32 v8, v32  }
0x8f: {  	v60 =	vld [tilespmem:$0x5E0];
	v12 =	vmax.f32 v13, v59;
	v6 =	vmax.f32 v6, v11;
	v8 =	vmax.f32 v8, v33  }
0x90: {  	v39 =	vld [tilespmem:$0x6C0];
	v63 =	vperm.xlane v6, v2;
	v8 =	vmax.f32 v8, v34;
	v34 =	vmax.f32 v23, v40  }
0x91: {  	v37 =	vld [tilespmem:$0x7E0];
	v9 =	vmax.f32 v9, v28;
	v8 =	vmax.f32 v8, v35;
	v15 =	vmax.f32 v34, v42  }
0x92: {  	v49 =	vld [tilespmem:$0x710];
	v6 =	vmax.f32 v6, v63;
	v8 =	vmax.f32 v8, v36;
	v15 =	vmax.f32 v15, v38  }
0x93: {  	v51 =	vld [tilespmem:$0x720];
	v33 =	vperm.xlane v9, v2;
	v15 =	vmax.f32 v15, v45;
	v40 =	vperm.xlane v8, v1  }
0x94: {  	v44 =	vld [tilespmem:$0x6E0];
	v12 =	vmax.f32 v12, v60;
	v32 =	vperm.xlane v6, v3;
	v15 =	vmax.f32 v15, v48  }
0x95: {  	v54 =	vld [tilespmem:$0x730];
	v9 =	vmax.f32 v9, v33;
	v8 =	vmax.f32 v8, v40;
	v45 =	vperm.xlane v15, v1  }
0x96: {  	v56 =	vld [tilespmem:$0x740];
	v6 =	vmax.f32 v6, v32;
	v42 =	vperm.xlane v9, v3;
	v47 =	vperm.xlane v8, v2  }
0x97: {  	v59 =	vld [tilespmem:$0x760];
	v10 =	vmax.f32 v12, v10;
	v36 =	vperm.xlane v6, v4;
	v15 =	vmax.f32 v15, v45  }
0x98: {  	v48 =	vld [tilespmem:$0x700];
	v9 =	vmax.f32 v9, v42;
	v8 =	vmax.f32 v8, v47;
	v50 =	vperm.xlane v15, v2  }
0x99: {  	v62 =	vld [tilespmem:$0x780];
	v6 =	vmax.f32 v6, v36;
	v52 =	vperm.xlane v9, v4;
	v53 =	vperm.xlane v8, v3  }
0x9a: {  	v58 =	vld [tilespmem:$0x750];
	v55 =	vperm.xlane v10, v1;
	v6 =	vsel vm6, v7, v6;
	v7 =	vmax.f32 v15, v50  }
0x9b: {  	v11 =	vld [tilespmem:$0x640];
	v9 =	vmax.f32 v9, v52;
	v8 =	vmax.f32 v8, v53;
	v57 =	vperm.xlane v7, v3  }
0x9c: {  	v14 =	vld [tilespmem:$0x670];
	v10 =	vmax.f32 v10, v55;
	v6 =	vsel vm7, v6, v9;
	v9 =	vperm.xlane v8, v4  }
0x9d: {  	v60 =	vperm.xlane v10, v2;
	v23 =	vld [tilespmem:$0x6A0];
	v13 =	vmax.f32 v48, v49;
	v7 =	vmax.f32 v7, v57  }
0x9e: {  	v26 =	vld [tilespmem:$0x6B0];
	v13 =	vmax.f32 v13, v51;
	v8 =	vmax.f32 v8, v9;
	v9 =	vperm.xlane v7, v4  }
0x9f: {  	v63 =	vld [tilespmem:$0x790];
	v6 =	vsel vm8, v6, v8;
	v8 =	vmax.f32 v10, v60;
	v10 =	vmax.f32 v17, v22  }
0xa0: {  	v7 =	vmax.f32 v7, v9;
	v9 =	vperm.xlane v8, v3;
	v10 =	vmax.f32 v10, v11;
	v11 =	vld [tilespmem:$0x7A0]  }
0xa1: {  	v30 =	vld [tilespmem:$0x7B0];
	v6 =	vsel vm9, v6, v7;
	v7 =	vmax.f32 v10, v21;
	v10 =	vmax.f32 v25, v27  }
0xa2: {  	v12 =	vmax.f32 v13, v54;
	v8 =	vmax.f32 v8, v9;
	v9 =	vmax.f32 v10, v23;
	v10 =	vld [tilespmem:$0x7C0]  }
0xa3: {  	v35 =	vld [tilespmem:$0x7D0];
	v12 =	vmax.f32 v12, v56  }
0xa4: {  	v61 =	vld [tilespmem:$0x770];
	v36 =	vmax.f32 v62, v63;
	v12 =	vmax.f32 v12, v58;
	v9 =	vmax.f32 v9, v26  }
0xa5: {  	v38 =	vld [tilespmem:$0x7F0];
	v7 =	vmax.f32 v7, v24;
	v9 =	vmax.f32 v9, v39;
	v11 =	vmax.f32 v36, v11  }
0xa6: {  	v7 =	vmax.f32 v7, v14;
	v9 =	vmax.f32 v9, v41;
	v11 =	vmax.f32 v11, v30  }
0xa7: {  	v39 =	vperm.xlane v7, v1;
	v9 =	vmax.f32 v9, v44;
	v10 =	vmax.f32 v11, v10  }
0xa8: {  	v9 =	vmax.f32 v9, v46;
	v11 =	vmax.f32 v12, v59;
	v10 =	vmax.f32 v10, v35  }
0xa9: {  	v11 =	vmax.f32 v11, v61;
	v40 =	vperm.xlane v9, v1;
	v10 =	vmax.f32 v10, v37  }
0xaa: {  	v7 =	vmax.f32 v7, v39;
	v41 =	vperm.xlane v11, v1;
	v10 =	vmax.f32 v10, v38  }
0xab: {  	v42 =	vperm.xlane v7, v2;
	v9 =	vmax.f32 v9, v40;
	v43 =	vperm.xlane v10, v1  }
0xac: {  	v44 =	vperm.xlane v8, v4;
	v11 =	vmax.f32 v11, v41;
	v45 =	vperm.xlane v9, v2  }
0xad: {  	v7 =	vmax.f32 v7, v42;
	v46 =	vperm.xlane v11, v2;
	v10 =	vmax.f32 v10, v43  }
0xae: {  	v47 =	vperm.xlane v7, v3;
	v9 =	vmax.f32 v9, v45;
	v48 =	vperm.xlane v10, v2  }
0xaf: {  	v8 =	vmax.f32 v8, v44;
	v11 =	vmax.f32 v11, v46;
	v49 =	vperm.xlane v9, v3  }
0xb0: {  	v7 =	vmax.f32 v7, v47;
	v50 =	vperm.xlane v11, v3;
	v10 =	vmax.f32 v10, v48  }
0xb1: {  	v51 =	vperm.xlane v7, v4;
	v9 =	vmax.f32 v9, v49;
	v52 =	vperm.xlane v10, v3  }
0xb2: {  	v6 =	vsel vm10, v6, v8;
	v8 =	vperm.xlane v9, v4;
	v11 =	vmax.f32 v11, v50  }
0xb3: {  	v7 =	vmax.f32 v7, v51;
	v53 =	vperm.xlane v11, v4;
	v10 =	vmax.f32 v10, v52  }
0xb4: {  	v6 =	vsel vm11, v6, v7;
	v7 =	vmax.f32 v9, v8;
	v8 =	vperm.xlane v10, v4  }
0xb5: {  	v6 =	vsel vm12, v6, v7;
	v7 =	vmax.f32 v11, v53  }
0xb6: {  	v6 =	vsel vm13, v6, v7;
	v7 =	vmax.f32 v10, v8  }
0xb7: {  	v6 =	vsel vm14, v6, v7  }
0xb8: {  	v7 =	vperm.xlane v6, v1;
	_ =	sdelay $0x1  }
0xb9: {  	v7 =	vmax.f32 v6, v7  }
0xba: {  	v8 =	vperm.xlane v7, v2;
	_ =	sdelay $0x1  }
0xbb: {  	v7 =	vmax.f32 v7, v8  }
0xbc: {  	v8 =	vperm.xlane v7, v3;
	_ =	sdelay $0x1  }
0xbd: {  	v7 =	vmax.f32 v7, v8  }
0xbe: {  	v8 =	vperm.xlane v7, v4;
	_ =	sdelay $0x1  }
0xbf: {  	v7 =	vmax.f32 v7, v8  }
0xc0: {  	vm15 =	veq.f32 v6, v7  }
0xc1: {  	v8 =	vnsel vm15, $0x10, v5  }
0xc2: {  	v9 =	vperm.xlane v8, v1;
	_ =	sdelay $0x1  }
0xc3: {  	vm15 =	vlt.s32 v8, v9  }
0xc4: {  	v8 =	vsel vm15, v8, v9  }
0xc5: {  	v9 =	vperm.xlane v8, v2;
	_ =	sdelay $0x1  }
0xc6: {  	vm15 =	vlt.s32 v8, v9  }
0xc7: {  	v8 =	vsel vm15, v8, v9  }
0xc8: {  	v9 =	vperm.xlane v8, v3;
	_ =	sdelay $0x1  }
0xc9: {  	vm15 =	vlt.s32 v8, v9  }
0xca: {  	v8 =	vsel vm15, v8, v9  }
0xcb: {  	v9 =	vperm.xlane v8, v4;
	_ =	sdelay $0x1  }
0xcc: {  	vm15 =	vlt.s32 v8, v9  }
0xcd: {  	v8 =	vsel vm15, v8, v9  }
0xce: {  	(v2sf) =	vpush v8, $0x0;
	_ =	sdelay $0x9  }
0xcf: {  	[tilespmem:$0x800] =	vst v0  }
0xd0: {  	[tilespmem:$0x810] =	vst v0  }
0xd1: {  	[tilespmem:$0x820] =	vst v0  }
0xd2: {  	[tilespmem:$0x830] =	vst v0  }
0xd3: {  	[tilespmem:$0x840] =	vst v0  }
0xd4: {  	[tilespmem:$0x850] =	vst v0;
	s13 =	spop (v2sf)  }
0xd5: {  	[tilespmem:$0x860] =	vst v0;
	s12 =	sshll.u32 s13, $0x9  }
0xd6: {  	[tilespmem:$0x870] =	vst v0;
	s12 =	sshra.s32 s12, $0x2  }
0xd7: {  	v9 =	vld [tilespmem:s12+$0x0];
	_ =	sdelay $0x1  }
0xd8: {  	v10 =	vld [tilespmem:s12+$0x10];
	_ =	sdelay $0x1  }
0xd9: {  	v11 =	vld [tilespmem:s12+$0x20]  }
0xda: {  	vm15 =	vgt.f32 v9, $-1.000000020e+30  }
0xdb: {  	v54 =	vld [tilespmem:s12+$0x30];
	v9 =	vnsel vm15, $0xF149F2CA, v9  }
0xdc: {  	vm0 =	vgt.f32 v10, v9  }
0xdd: {  	v9 =	vsel vm0, v10, v9;
	v10 =	vld [tilespmem:s12+$0x40]  }
0xde: {  	vm1 =	vgt.f32 v11, v9  }
0xdf: {  	v9 =	vsel vm1, v11, v9;
	v11 =	vld [tilespmem:s12+$0x50]  }
0xe0: {  	vm2 =	vgt.f32 v54, v9  }
0xe1: {  	s13 =	sshll.u32 s13, $0x7;
	v55 =	vld [tilespmem:s12+$0x60];
	v9 =	vsel vm2, v54, v9  }
0xe2: {  	s14 =	sor.u32 $0x10, s13;
	v56 =	vor.u32 s13, v5;
	vm3 =	vgt.f32 v10, v9  }
0xe3: {  	s15 =	sor.u32 $0x20, s13;
	v57 =	vor.u32 s14, v5;
	v13 =	vnsel vm15, $0x0, v56;
	v9 =	vsel vm3, v10, v9;
	v10 =	vld [tilespmem:s12+$0x70]  }
0xe4: {  	s21 =	sor.u32 $0x30, s13;
	v58 =	vor.u32 s15, v5;
	v13 =	vsel vm0, v57, v13;
	vm0 =	vgt.f32 v11, v9  }
0xe5: {  	s22 =	sor.u32 $0x40, s13;
	v13 =	vsel vm1, v58, v13;
	v9 =	vsel vm0, v11, v9;
	v11 =	vor.u32 s21, v5  }
0xe6: {  	s23 =	sor.u32 $0x50, s13;
	v59 =	vor.u32 s22, v5;
	v11 =	vsel vm2, v11, v13;
	vm1 =	vgt.f32 v55, v9  }
0xe7: {  	s24 =	sor.u32 $0x60, s13;
	v60 =	vor.u32 s23, v5;
	v11 =	vsel vm3, v59, v11;
	v9 =	vsel vm1, v55, v9  }
0xe8: {  	s13 =	sor.u32 $0x70, s13;
	v61 =	vor.u32 s24, v5;
	v11 =	vsel vm0, v60, v11;
	vm0 =	vgt.f32 v10, v9  }
0xe9: {  	v11 =	vsel vm1, v61, v11;
	v9 =	vsel vm0, v10, v9;
	v10 =	vor.u32 s13, v5  }
0xea: {  	v10 =	vsel vm0, v10, v11;
	vm0 =	veq.f32 v9, v7  }
0xeb: {  	v7 =	vnsel vm0, $0x800, v10  }
0xec: {  	v9 =	vperm.xlane v7, v1;
	_ =	sdelay $0x1  }
0xed: {  	vm0 =	vlt.s32 v7, v9  }
0xee: {  	v7 =	vsel vm0, v7, v9  }
0xef: {  	v9 =	vperm.xlane v7, v2;
	_ =	sdelay $0x1  }
0xf0: {  	vm0 =	vlt.s32 v7, v9  }
0xf1: {  	v7 =	vsel vm0, v7, v9  }
0xf2: {  	v9 =	vperm.xlane v7, v3;
	_ =	sdelay $0x1  }
0xf3: {  	vm0 =	vlt.s32 v7, v9  }
0xf4: {  	v7 =	vsel vm0, v7, v9  }
0xf5: {  	v9 =	vperm.xlane v7, v4;
	_ =	sdelay $0x1  }
0xf6: {  	vm0 =	vlt.s32 v7, v9  }
0xf7: {  	v7 =	vsel vm0, v7, v9  }
0xf8: {  	(v2sf) =	vpush v7, $0x0;
	_ =	sdelay $0xe  }
0xf9: {  	s25 =	sand.u32 $0x30, s11;
	s26 =	spop (v2sf)  }
0xfa: {  	v9 =	vld [tilespmem:s25+$0x800];
	s28 =	sand.u32 $0xF, s26  }
0xfb: {  	s16 =	sshra.s32 s26, $0x1F;
	p0 =	slt.s32 s26, $0x1;
	p1 =	sne.s32 s28, $0x0  }
0xfc: {  	s11 =	sand.u32 $0xF, s11;
	s29 =	sshrl.u32 s16, $0x1C;
	p0 =	por !p0, !p1  }
0xfd: {  	s15 =	simm.s32 $0x1;
	v10 =	vmov s11;
	s30 =	sadd.s32 s29, s26;
	p0 =	por !p0, !p0  }
0xfe: {  	vm0 =	veq.s32 v10, v5;
	s11 =	sshrl.u32 s30, $0x4;
	s15 =	simm.s32 @!p0 $0x0  }
0xff: {  	v7 =	vsel vm0, v7, v9;
	s11 =	ssub.s32 s11, s15  }
0x100: {  	[tilespmem:s25+$0x800] =	vst v7;
	s11 =	sshll.u32 s11, $0x4  }
0x101: {  	v7 =	vld [tilespmem:s11+$0x0];
	_ =	sdelay $0x1  }
0x102: {  	s31 =	ssub.s32 s26, s11  }
0x103: {  	v9 =	vmov s31  }
0x104: {  	vm0 =	veq.s32 v9, v5  }
0x105: {  	v7 =	vsel vm0, $0xF149F2CA, v7  }
0x106: {  	[tilespmem:s11+$0x0] =	vst v7  }
0x107: {  	v7 =	vld [tilespmem:s12+$0x0]  }
0x108: {  	v9 =	vld [tilespmem:s12+$0x10]  }
0x109: {  	v10 =	vld [tilespmem:s12+$0x20]  }
0x10a: {  	v11 =	vld [tilespmem:s12+$0x30]  }
0x10b: {  	v62 =	vld [tilespmem:s12+$0x40]  }
0x10c: {  	v63 =	vld [tilespmem:s12+$0x50]  }
0x10d: {  	v7 =	vmax.f32 v7, v9;
	v9 =	vld [tilespmem:s12+$0x60]  }
0x10e: {  	v7 =	vmax.f32 v7, v10;
	v10 =	vld [tilespmem:s12+$0x70]  }
0x10f: {  	v7 =	vmax.f32 v7, v11  }
0x110: {  	v7 =	vmax.f32 v7, v62  }
0x111: {  	v7 =	vmax.f32 v7, v63  }
0x112: {  	v7 =	vmax.f32 v7, v9  }
0x113: {  	v7 =	vmax.f32 v7, v10  }
0x114: {  	v9 =	vperm.xlane v7, v1;
	_ =	sdelay $0x1  }
0x115: {  	v7 =	vmax.f32 v7, v9  }
0x116: {  	v9 =	vperm.xlane v7, v2;
	_ =	sdelay $0x1  }
0x117: {  	v7 =	vmax.f32 v7, v9  }
0x118: {  	v9 =	vperm.xlane v7, v3  }
0x119: {  	v8 =	vbroadcast v8, $0x0  }
0x11a: {  	v7 =	vmax.f32 v7, v9  }
0x11b: {  	vm15 =	veq.s32 v8, v5;
	s11 =	simm.s32 $0x1;
	v8 =	vperm.xlane v7, v4  }
.LBB2_3:
0x11c: {  	p0 =	sne.s32 s11, $0x27;
	s12 =	smov.u32 s11;
	s11 =	sadd.s32 $0x1, s11  }
0x11d: {  	v7 =	vmax.f32 v7, v8  }
0x11e: {  	v6 =	vsel vm15, v7, v6  }
0x11f: {  	v7 =	vperm.xlane v6, v1;
	_ =	sdelay $0x1  }
0x120: {  	v7 =	vmax.f32 v6, v7  }
0x121: {  	v8 =	vperm.xlane v7, v2;
	_ =	sdelay $0x1  }
0x122: {  	v7 =	vmax.f32 v7, v8  }
0x123: {  	v8 =	vperm.xlane v7, v3;
	_ =	sdelay $0x1  }
0x124: {  	v7 =	vmax.f32 v7, v8  }
0x125: {  	v8 =	vperm.xlane v7, v4;
	_ =	sdelay $0x1  }
0x126: {  	v7 =	vmax.f32 v7, v8  }
0x127: {  	vm0 =	veq.f32 v6, v7  }
0x128: {  	v8 =	vnsel vm0, $0x10, v5  }
0x129: {  	v9 =	vperm.xlane v8, v1;
	_ =	sdelay $0x1  }
0x12a: {  	vm0 =	vlt.s32 v8, v9  }
0x12b: {  	v8 =	vsel vm0, v8, v9  }
0x12c: {  	v9 =	vperm.xlane v8, v2;
	_ =	sdelay $0x1  }
0x12d: {  	vm0 =	vlt.s32 v8, v9  }
0x12e: {  	v8 =	vsel vm0, v8, v9  }
0x12f: {  	v9 =	vperm.xlane v8, v3;
	_ =	sdelay $0x1  }
0x130: {  	vm0 =	vlt.s32 v8, v9  }
0x131: {  	v8 =	vsel vm0, v8, v9  }
0x132: {  	v9 =	vperm.xlane v8, v4;
	_ =	sdelay $0x1  }
0x133: {  	vm0 =	vlt.s32 v8, v9  }
0x134: {  	v8 =	vsel vm0, v8, v9  }
0x135: {  	v9 =	vbroadcast v8, $0x0;
	(v2sf) =	vpush v8, $0x0;
	_ =	sdelay $0x1  }
0x136: {  	vm15 =	veq.s32 v9, v5;
	_ =	sdelay $0xc  }
0x137: {  	s13 =	spop (v2sf)  }
0x138: {  	s14 =	sshll.u32 s13, $0x7;
	s13 =	sshll.u32 s13, $0x9  }
0x139: {  	s13 =	sshra.s32 s13, $0x2;
	s15 =	sor.u32 $0x10, s14;
	s16 =	sor.u32 $0x20, s14  }
0x13a: {  	s17 =	sor.u32 $0x30, s14;
	s18 =	sor.u32 $0x40, s14;
	s19 =	sor.u32 $0x50, s14;
	v8 =	vld [tilespmem:s13+$0x0]  }
0x13b: {  	s20 =	sor.u32 $0x60, s14;
	s21 =	sor.u32 $0x70, s14  }
0x13c: {  	v9 =	vld [tilespmem:s13+$0x10];
	_ =	sdelay $0x1  }
0x13d: {  	v10 =	vld [tilespmem:s13+$0x20]  }
0x13e: {  	vm0 =	vgt.f32 v8, $-1.000000020e+30  }
0x13f: {  	v8 =	vnsel vm0, $0xF149F2CA, v8;
	v11 =	vld [tilespmem:s13+$0x30]  }
0x140: {  	vm1 =	vgt.f32 v9, v8  }
0x141: {  	v8 =	vsel vm1, v9, v8;
	v9 =	vld [tilespmem:s13+$0x40]  }
0x142: {  	vm2 =	vgt.f32 v10, v8  }
0x143: {  	v8 =	vsel vm2, v10, v8;
	v10 =	vld [tilespmem:s13+$0x50]  }
0x144: {  	vm3 =	vgt.f32 v11, v8  }
0x145: {  	v8 =	vsel vm3, v11, v8;
	v11 =	vld [tilespmem:s13+$0x60]  }
0x146: {  	v12 =	vor.u32 s14, v5;
	vm4 =	vgt.f32 v9, v8  }
0x147: {  	v13 =	vor.u32 s15, v5;
	v12 =	vnsel vm0, $0x0, v12;
	v8 =	vsel vm4, v9, v8;
	v9 =	vld [tilespmem:s13+$0x70]  }
0x148: {  	v12 =	vsel vm1, v13, v12;
	v13 =	vor.u32 s16, v5;
	vm0 =	vgt.f32 v10, v8  }
0x149: {  	v12 =	vsel vm2, v13, v12;
	v13 =	vor.u32 s17, v5;
	v8 =	vsel vm0, v10, v8  }
0x14a: {  	v10 =	vsel vm3, v13, v12;
	v12 =	vor.u32 s18, v5;
	vm1 =	vgt.f32 v11, v8  }
0x14b: {  	v10 =	vsel vm4, v12, v10;
	v12 =	vor.u32 s19, v5;
	v8 =	vsel vm1, v11, v8  }
0x14c: {  	v10 =	vsel vm0, v12, v10;
	v11 =	vor.u32 s20, v5;
	vm0 =	vgt.f32 v9, v8  }
0x14d: {  	v10 =	vsel vm1, v11, v10;
	v8 =	vsel vm0, v9, v8;
	v9 =	vor.u32 s21, v5  }
0x14e: {  	v9 =	vsel vm0, v9, v10;
	vm0 =	veq.f32 v8, v7  }
0x14f: {  	v7 =	vnsel vm0, $0x800, v9  }
0x150: {  	v8 =	vperm.xlane v7, v1;
	_ =	sdelay $0x1  }
0x151: {  	vm0 =	vlt.s32 v7, v8  }
0x152: {  	v7 =	vsel vm0, v7, v8  }
0x153: {  	v8 =	vperm.xlane v7, v2;
	_ =	sdelay $0x1  }
0x154: {  	vm0 =	vlt.s32 v7, v8  }
0x155: {  	v7 =	vsel vm0, v7, v8  }
0x156: {  	v8 =	vperm.xlane v7, v3;
	_ =	sdelay $0x1  }
0x157: {  	s14 =	sand.u32 $0x30, s12;
	vm0 =	vlt.s32 v7, v8  }
0x158: {  	v7 =	vsel vm0, v7, v8;
	v8 =	vld [tilespmem:s14+$0x800]  }
0x159: {  	v9 =	vperm.xlane v7, v4  }
0x15a: {  	s12 =	sand.u32 $0xF, s12  }
0x15b: {  	v10 =	vmov s12;
	vm0 =	vlt.s32 v7, v9  }
0x15c: {  	v7 =	vsel vm0, v7, v9;
	vm0 =	veq.s32 v10, v5  }
0x15d: {  	v8 =	vsel vm0, v7, v8;
	(v2sf) =	vpush v7, $0x0;
	_ =	sdelay $0xe  }
0x15e: {  	s12 =	spop (v2sf)  }
0x15f: {  	s15 =	sshra.s32 s12, $0x1F;
	s16 =	sand.u32 $0xF, s12  }
0x160: {  	p1 =	slt.s32 s12, $0x1;
	s15 =	sshrl.u32 s15, $0x1C;
	p2 =	sne.s32 s16, $0x0  }
0x161: {  	s15 =	sadd.s32 s15, s12;
	p1 =	por !p1, !p2  }
0x162: {  	s16 =	simm.s32 $0x1;
	p1 =	por !p1, !p1  }
0x163: {  	s15 =	sshrl.u32 s15, $0x4;
	s16 =	simm.s32 @!p1 $0x0  }
0x164: {  	s15 =	ssub.s32 s15, s16  }
0x165: {  	[tilespmem:s14+$0x800] =	vst v8;
	s14 =	sshll.u32 s15, $0x4  }
0x166: {  	v7 =	vld [tilespmem:s14+$0x0];
	s12 =	ssub.s32 s12, s14  }
0x167: {  	v8 =	vmov s12;
	_ =	sdelay $0x2  }
0x168: {  	vm0 =	veq.s32 v8, v5  }
0x169: {  	v7 =	vsel vm0, $0xF149F2CA, v7  }
0x16a: {  	[tilespmem:s14+$0x0] =	vst v7  }
0x16b: {  	v7 =	vld [tilespmem:s13+$0x20]  }
0x16c: {  	v8 =	vld [tilespmem:s13+$0x0]  }
0x16d: {  	v9 =	vld [tilespmem:s13+$0x10]  }
0x16e: {  	v10 =	vld [tilespmem:s13+$0x30]  }
0x16f: {  	v11 =	vld [tilespmem:s13+$0x40]  }
0x170: {  	v12 =	vld [tilespmem:s13+$0x50]  }
0x171: {  	v13 =	vld [tilespmem:s13+$0x60]  }
0x172: {  	v8 =	vmax.f32 v8, v9;
	v9 =	vld [tilespmem:s13+$0x70]  }
0x173: {  	v7 =	vmax.f32 v8, v7  }
0x174: {  	v7 =	vmax.f32 v7, v10  }
0x175: {  	v7 =	vmax.f32 v7, v11  }
0x176: {  	v7 =	vmax.f32 v7, v12  }
0x177: {  	v7 =	vmax.f32 v7, v13  }
0x178: {  	v7 =	vmax.f32 v7, v9  }
0x179: {  	v8 =	vperm.xlane v7, v1;
	_ =	sdelay $0x1  }
0x17a: {  	v7 =	vmax.f32 v7, v8  }
0x17b: {  	v8 =	vperm.xlane v7, v2;
	_ =	sdelay $0x1  }
.Ltmp1:
0x17c: {  	v7 =	vmax.f32 v7, v8;
	(pc) =	sbr.rel @p0 .LBB2_3-.Ltmp1, $3  }
0x17d: {  	v8 =	vperm.xlane v7, v3;
	_ =	sdelay $0x1  }
0x17e: {  	v7 =	vmax.f32 v7, v8  }
0x17f: {  	v8 =	vperm.xlane v7, v4  }
0x180: {  	s10 =	sadd.s32 $0x1, s10  }
0x181: {  	p0 =	sne.s32 s10, s5  }
.Ltmp2:
0x182: {  	_ = 	snop;
	(pc) =	sbr.rel @p0 .LBB2_2-.Ltmp2, $4  }
0x183: {  	[hbm4b:s3+s2] =	stream.linear.scatter [tilespmem:s9], [sflag:$0x1], $0x80, $0x38;
	[tilespmem:$0x880] =	vst v63  }
0x184: {  	_ =	swait.ge [sflag:s8], $0x80  }
0x185: {  	[sflag:s8] =	ssyncset.done $0x0  }
0x186: {  	[sflag:s8] =	ssyncadd.s32 $0xFFFFFF80  }
.LBB2_5:
0x187: {  	_ =	sfence.sel $0x180000  }
0x188: {  	[bflag:$0x0] =	sbarrier.arrive $0xFFFF  }
0x189: {  	p0 =	sne.s32 s1, $0x0;
	_ =	strace $0x90000047  }
0x18a: {  	s0 =	sadd.s32 @!p0 $0x100000, s0;
	[bflag:$0x2] =	sbarrier.arrive $0xFFFF  }
0x18b: {  	[sflag:s0] =	ssyncadd.tile.s32 @!p0 $0x1;
	_ =	shalt  }
.Lfunc_end2:
_tile_overlayer_lowered:
.L_overlay_start_2:
0x18c: {  	(tag) =	ssettag $0x2  }
0x18d: {  	s0 =	rddreg [dreg:$0x0];
	s2 =	stileid.u32  }
0x18e: {  	s1 =	rddreg [dreg:$0x1];
	p0 =	sne.s32 s2, $0x0  }
0x18f: {  	s3 =	rddreg [dreg:$0x2];
	[bflag:$0x3] =	sbarrier.arrive $0xFFFF;
	s2 =	simm.s32 @!p0 $0x1C01  }
0x190: {  	[timem:s3], [sflag:s2] =	dma.local @!p0 [hbm:s0], s1  }
0x191: {  	s0 =	simm.s32 @!p0 $0x1  }
0x192: {  	_ =	swait.ge @!p0 [sflag:s0], s1  }
0x193: {  	s1 =	ssub.s32 @!p0 $0x0, s1;
	[sflag:s0] =	ssyncset.done @!p0 $0x0  }
0x194: {  	[sflag:s0] =	ssyncadd.s32 @!p0 s1  }
0x195: {  	[bflag:$0x3] =	sbarrier.arrive $0xFFFF  }
0x196: {  	_ =	shalt  }

</sc_bundles>
